<compile_context>
chip_gen: v7x
topology: tpu7x:2x2x1
jax: 0.10.2.dev20260603
libtpu: 0.0.44.dev20260713+nightly
codegen_flags: <defaults>
</compile_context>

<pallas_src>
import dataclasses

import jax
import jax.numpy as jnp
from jax import lax
from jax.experimental import pallas as pl
from jax.experimental.pallas import tpu as pltpu
from jax.experimental.pallas import tpu_sc as plsc

N = 10000
D = 128
E = 320000
C_OUT = 64
NC = 2
NS = 16
NW = NC * NS
EPW = E // NW
CH = 80
NCHUNK = EPW // CH
RPT = 624
TAIL = N - NS * RPT

_mesh = plsc.VectorSubcoreMesh(core_axis_name="c", subcore_axis_name="s")


def _copy_rows(s, src_at, dst_at):
    rbase = s * RPT
    pltpu.sync_copy(src_at(pl.ds(rbase, RPT)), dst_at(pl.ds(rbase, RPT)))

    @pl.when(s == 0)
    def _():
        pltpu.sync_copy(src_at(pl.ds(NS * RPT, TAIL)),
                        dst_at(pl.ds(NS * RPT, TAIL)))


NTRASH = N


def _make_sc_agg(ch, with_count, NBUF):
    nchunk = -(-EPW // ch)
    ept = nchunk * ch
    nmain = (nchunk // NBUF) * NBUF

    def body(table, src_h, dst_h, zfeat_h, *rest):
        if with_count:
            (zcnt_h, acc_out, cnt_out, cnt_local, acc_sh, *rings) = rest
        else:
            (acc_out, acc_sh, *rings) = rest
        srcv = rings[0:NBUF]
        dstv = rings[NBUF:2 * NBUF]
        dsc = rings[2 * NBUF:3 * NBUF]
        isems = rings[3 * NBUF:4 * NBUF]
        rows = rings[4 * NBUF:5 * NBUF]
        gsems = rings[5 * NBUF:6 * NBUF]
        ssems = rings[6 * NBUF:7 * NBUF]

        c = lax.axis_index("c")
        s = lax.axis_index("s")
        wid = s * NC + c
        ebase = wid * ept
        _copy_rows(s, lambda d: zfeat_h.at[d], lambda d: acc_sh.at[d])
        if with_count:
            pltpu.sync_copy(zcnt_h, cnt_local.at[pl.ds(0, N)])
        plsc.subcore_barrier()

        ones = jnp.full((16,), 1.0, jnp.float32)

        def count_fn(dref):
            if with_count:
                for g in range(ch // 16):
                    plsc.addupdate_scatter(
                        cnt_local, [dref[pl.ds(g * 16, 16)]], ones)

        def start_idx(k, b):
            o = ebase + k * ch
            pltpu.make_async_copy(src_h.at[pl.ds(o, ch)], srcv[b],
                                  isems[b]).start()
            pltpu.make_async_copy(dst_h.at[pl.ds(o, ch)], dstv[b],
                                  isems[b]).start()

        def start_gather(b):
            pltpu.make_async_copy(src_h.at[pl.ds(0, ch)], srcv[b],
                                  isems[b]).wait()
            pltpu.make_async_copy(dst_h.at[pl.ds(0, ch)], dstv[b],
                                  isems[b]).wait()
            pltpu.make_async_copy(table.at[srcv[b]], rows[b],
                                  gsems[b]).start()

        def wait_scatter(b):
            pltpu.make_async_copy(rows[b], acc_sh.at[dsc[b]],
                                  ssems[b]).wait()

        def drain(k, b):
            pltpu.make_async_copy(table.at[pl.ds(0, ch)], rows[b],
                                  gsems[b]).wait()
            for g in range(ch // 16):
                dsc[b][pl.ds(g * 16, 16)] = dstv[b][pl.ds(g * 16, 16)]
            pltpu.async_copy(rows[b], acc_sh.at[dsc[b]], ssems[b], add=True)
            count_fn(dsc[b])

        for b in range(NBUF):
            start_idx(b, b)
        for b in range(NBUF - 1):
            start_gather(b)

        @pl.loop(0, nmain, step=NBUF)
        def _(ci):
            for b in range(NBUF):
                k = ci + b
                drain(k, b)
                nk = k + NBUF

                @pl.when(nk < nchunk)
                def _():
                    start_idx(nk, b)

                m = k + NBUF - 1
                mb = (b + NBUF - 1) % NBUF

                @pl.when(m < nchunk)
                def _():
                    @pl.when(k > 0)
                    def _():
                        wait_scatter(mb)

                    start_gather(mb)

        for t in range(nmain, nchunk):
            drain(t, t % NBUF)
        for b in range(NBUF):
            wait_scatter(b)

        plsc.subcore_barrier()
        _copy_rows(s, lambda d: acc_sh.at[d], lambda d: acc_out.at[c, d])
        if with_count:
            pltpu.sync_copy(cnt_local.at[pl.ds(0, N)],
                            cnt_out.at[pl.ds(wid * N, N)])

    out_type = jax.ShapeDtypeStruct((NC, N, D), jnp.float32)
    if with_count:
        out_type = (out_type, jax.ShapeDtypeStruct((NW * N,), jnp.float32))
    scratch = (
        ([pltpu.VMEM((N + 16,), jnp.float32)] if with_count else [])
        + [pltpu.VMEM_SHARED((N + 16, D), jnp.float32)]
        + [pltpu.VMEM((ch,), jnp.int32)] * (3 * NBUF)
        + [pltpu.SemaphoreType.DMA] * NBUF
        + [pltpu.VMEM((ch, D), jnp.float32)] * NBUF
        + [pltpu.SemaphoreType.DMA] * (2 * NBUF)
    )
    cp = pltpu.CompilerParams()
    if "needs_layout_passes" in pltpu.CompilerParams.__dataclass_fields__:
        cp = dataclasses.replace(cp, needs_layout_passes=False)
    return pl.kernel(body, out_type=out_type, mesh=_mesh,
                     scratch_types=scratch, compiler_params=cp), ept, ch


_sc_agg_count, _EPT1, _CH1 = _make_sc_agg(80, with_count=True, NBUF=3)
_sc_agg, _EPT2, _CH2 = _make_sc_agg(80, with_count=False, NBUF=4)


def _pad_edges(src, dst, ept):
    if ept == EPW:
        return src, dst
    pad = ept - EPW
    src_p = jnp.concatenate(
        [src.reshape(NW, EPW), jnp.zeros((NW, pad), jnp.int32)], axis=1)
    dst_p = jnp.concatenate(
        [dst.reshape(NW, EPW), jnp.full((NW, pad), NTRASH, jnp.int32)], axis=1)
    return src_p.reshape(-1), dst_p.reshape(-1)


_DN = (((1,), (1,)), ((), ()))


def _self_kernel(x, w, b, out):
    out[...] = lax.dot_general(x[...], w[...], _DN,
                               preferred_element_type=jnp.float32) + b[...]


def _mean(acc, cnt):
    a = acc[...]
    deg = jnp.sum(cnt[...].reshape(NW, -1), axis=0)[:, None]
    return (a[0] + a[1]) / jnp.maximum(deg, 1.0)


def _dense1_kernel(acc, cnt, pre, w1l, out):
    h = lax.dot_general(_mean(acc, cnt), w1l[...], _DN,
                        preferred_element_type=jnp.float32)
    out[...] = jnp.maximum(h + pre[...], 0.0)


def _dense2_kernel(acc, cnt, pre, w2l, wlin, blin, out):
    h = lax.dot_general(_mean(acc, cnt), w2l[...], _DN,
                        preferred_element_type=jnp.float32)
    h = jnp.maximum(h + pre[...], 0.0)
    out[...] = lax.dot_general(h, wlin[...], _DN,
                               preferred_element_type=jnp.float32) + blin[...]


_R = 1000

_ACC_SPEC = pl.BlockSpec((NC, _R, D), lambda i: (0, i, 0))
_CNT_SPEC = pl.BlockSpec((NW, 1, 1, _R), lambda i: (0, i, 0, 0))
_ROW_SPEC = pl.BlockSpec((_R, D), lambda i: (i, 0))
_W_SPEC = pl.BlockSpec((D, D), lambda i: (0, 0))
_B_SPEC = pl.BlockSpec((1, D), lambda i: (0, 0))
_ROWS_F32 = jax.ShapeDtypeStruct((N, D), jnp.float32)

_self = pl.pallas_call(
    _self_kernel,
    grid=(N // _R,),
    in_specs=[_ROW_SPEC, _W_SPEC, _B_SPEC],
    out_specs=_ROW_SPEC,
    out_shape=_ROWS_F32,
)

_dense1 = pl.pallas_call(
    _dense1_kernel,
    grid=(N // _R,),
    in_specs=[_ACC_SPEC, _CNT_SPEC, _ROW_SPEC, _W_SPEC],
    out_specs=_ROW_SPEC,
    out_shape=_ROWS_F32,
)

_dense2 = pl.pallas_call(
    _dense2_kernel,
    grid=(N // _R,),
    in_specs=[_ACC_SPEC, _CNT_SPEC, _ROW_SPEC, _W_SPEC,
              pl.BlockSpec((C_OUT, D), lambda i: (0, 0)),
              pl.BlockSpec((1, C_OUT), lambda i: (0, 0))],
    out_specs=pl.BlockSpec((_R, C_OUT), lambda i: (i, 0)),
    out_shape=jax.ShapeDtypeStruct((N, C_OUT), jnp.float32),
)


def kernel(x, edge_index, W1l, b1l, W1r, W2l, b2l, W2r, Wlin, blin):
    src = edge_index[0]
    dst = edge_index[1]
    src1, dst1 = _pad_edges(src, dst, _EPT1)
    src2, dst2 = _pad_edges(src, dst, _EPT2)
    zfeat = jnp.zeros((N, D), jnp.float32)
    zcnt = jnp.zeros((N,), jnp.float32)
    acc1, cnt = _sc_agg_count(x, src1, dst1, zfeat, zcnt)
    pre1 = _self(x, W1r, b1l.reshape(1, D))
    cnt = cnt.reshape(NW, N // _R, 1, _R)
    h1 = _dense1(acc1, cnt, pre1, W1l)
    acc2 = _sc_agg(h1, src2, dst2, zfeat)
    pre2 = _self(h1, W2r, b2l.reshape(1, D))
    return _dense2(acc2, cnt, pre2, W2l, Wlin, blin.reshape(1, C_OUT))

# --- scband reference (transcript-rebuilt; emitter-appended) ---
"""Pipeline reference for scband-sagenode-classifier-15814069584246 (READ-ONLY COPY).

The authoritative reference and input builder live on the scoring server;
editing this copy changes nothing except your own understanding.
"""

import jax, jax.numpy as jnp
import numpy as np

N_NODES = 10000
N_EDGES = 320000
D_IN = 128
HIDDEN = 128
N_CLASSES = 64


def setup_inputs(seed: int = 0) -> dict:
    key = jax.random.key(seed)
    ks = jax.random.split(key, 12)
    x = jax.random.normal(ks[0], (N_NODES, D_IN), dtype=jnp.float32)
    edge_index = jax.random.randint(ks[1], (2, N_EDGES), 0, N_NODES, dtype=jnp.int64 if jax.config.jax_enable_x64 else jnp.int32).astype(jnp.int32)
    s1 = 1.0 / np.sqrt(D_IN)
    s2 = 1.0 / np.sqrt(HIDDEN)
    W1l = jax.random.uniform(ks[2], (HIDDEN, D_IN), minval=-s1, maxval=s1, dtype=jnp.float32)
    b1l = jax.random.uniform(ks[3], (HIDDEN,), minval=-s1, maxval=s1, dtype=jnp.float32)
    W1r = jax.random.uniform(ks[4], (HIDDEN, D_IN), minval=-s1, maxval=s1, dtype=jnp.float32)
    W2l = jax.random.uniform(ks[5], (HIDDEN, HIDDEN), minval=-s2, maxval=s2, dtype=jnp.float32)
    b2l = jax.random.uniform(ks[6], (HIDDEN,), minval=-s2, maxval=s2, dtype=jnp.float32)
    W2r = jax.random.uniform(ks[7], (HIDDEN, HIDDEN), minval=-s2, maxval=s2, dtype=jnp.float32)
    Wlin = jax.random.uniform(ks[8], (N_CLASSES, HIDDEN), minval=-s2, maxval=s2, dtype=jnp.float32)
    blin = jax.random.uniform(ks[9], (N_CLASSES,), minval=-s2, maxval=s2, dtype=jnp.float32)
    return {"x": x, "edge_index": edge_index, "W1l": W1l, "b1l": b1l, "W1r": W1r,
            "W2l": W2l, "b2l": b2l, "W2r": W2r, "Wlin": Wlin, "blin": blin}


def _sage_conv(x, edge_index, Wl, bl, Wr):
    # PyG SAGEConv (aggr='mean', root_weight=True): out = lin_l(mean_j x_j) + lin_r(x)
    src = edge_index[0]
    dst = edge_index[1]
    n = x.shape[0]
    msgs = jnp.take(x, src, axis=0)                      # gather (SparseCore)
    summed = jax.ops.segment_sum(msgs, dst, num_segments=n)  # scatter-add
    cnt = jax.ops.segment_sum(jnp.ones((edge_index.shape[1],), dtype=x.dtype), dst, num_segments=n)
    mean = summed / jnp.maximum(cnt, 1.0)[:, None]
    return mean @ Wl.T + bl + x @ Wr.T


def reference(x, edge_index, W1l, b1l, W1r, W2l, b2l, W2r, Wlin, blin):
    h = jax.nn.relu(_sage_conv(x, edge_index, W1l, b1l, W1r))
    h = jax.nn.relu(_sage_conv(h, edge_index, W2l, b2l, W2r))
    return h @ Wlin.T + blin

if __name__ == "__main__":
    import jax
    _d = setup_inputs()
    print(jax.jit(kernel)(*tuple(_d.values())))

</pallas_src>

<mosaic_0001>
#map = affine_map<(d0, d1) -> (0, 0)>
#map1 = affine_map<(d0, d1) -> (0)>
#map2 = affine_map<(d0, d1) -> (0, 0, 0)>
module attributes {stable_mosaic.version = 14 : i64} {
  func.func @body(%arg0: i32, %arg1: i32, %arg2: memref<10000x128xf32, #tpu.memory_space<hbm>>, %arg3: memref<320000xi32, #tpu.memory_space<hbm>>, %arg4: memref<320000xi32, #tpu.memory_space<hbm>>, %arg5: memref<10000x128xf32, #tpu.memory_space<hbm>>, %arg6: memref<10000xf32, #tpu.memory_space<hbm>>, %arg7: memref<2x10000x128xf32, #tpu.memory_space<hbm>>, %arg8: memref<320000xf32, #tpu.memory_space<hbm>>, %arg9: memref<10016xf32, #tpu.memory_space<vmem>>, %arg10: memref<10016x128xf32, #tpu.memory_space<vmem_shared>>, %arg11: memref<80xi32, #tpu.memory_space<vmem>>, %arg12: memref<80xi32, #tpu.memory_space<vmem>>, %arg13: memref<80xi32, #tpu.memory_space<vmem>>, %arg14: memref<80xi32, #tpu.memory_space<vmem>>, %arg15: memref<80xi32, #tpu.memory_space<vmem>>, %arg16: memref<80xi32, #tpu.memory_space<vmem>>, %arg17: memref<80xi32, #tpu.memory_space<vmem>>, %arg18: memref<80xi32, #tpu.memory_space<vmem>>, %arg19: memref<80xi32, #tpu.memory_space<vmem>>, %arg20: memref<!tpu.dma_semaphore, #tpu.memory_space<semaphore_mem>>, %arg21: memref<!tpu.dma_semaphore, #tpu.memory_space<semaphore_mem>>, %arg22: memref<!tpu.dma_semaphore, #tpu.memory_space<semaphore_mem>>, %arg23: memref<80x128xf32, #tpu.memory_space<vmem>>, %arg24: memref<80x128xf32, #tpu.memory_space<vmem>>, %arg25: memref<80x128xf32, #tpu.memory_space<vmem>>, %arg26: memref<!tpu.dma_semaphore, #tpu.memory_space<semaphore_mem>>, %arg27: memref<!tpu.dma_semaphore, #tpu.memory_space<semaphore_mem>>, %arg28: memref<!tpu.dma_semaphore, #tpu.memory_space<semaphore_mem>>, %arg29: memref<!tpu.dma_semaphore, #tpu.memory_space<semaphore_mem>>, %arg30: memref<!tpu.dma_semaphore, #tpu.memory_space<semaphore_mem>>, %arg31: memref<!tpu.dma_semaphore, #tpu.memory_space<semaphore_mem>>) attributes {dimension_semantics = [#tpu.dimension_semantics<core_parallel>, #tpu.dimension_semantics<subcore_parallel>], iteration_bounds = array<i64: 2, 16>, scalar_prefetch = 0 : i64, scratch_operands = 23 : i64, tpu.core_type = #tpu.core_type<sc_vector_subcore>, window_params = [{transform_indices = #map}, {transform_indices = #map1}, {transform_indices = #map1}, {transform_indices = #map}, {transform_indices = #map1}, {transform_indices = #map2}, {transform_indices = #map1}]} {
    %mul3A = arith.constant 2 : i32
    %mul3A_0 = arith.muli %arg1, %mul3A : i32
    %add3A = arith.addi %mul3A_0, %arg0 : i32
    %mul3A_1 = arith.constant 10000 : i32
    %mul3A_2 = arith.muli %add3A, %mul3A_1 : i32
    %mul3A_3 = arith.constant 624 : i32
    %mul3A_4 = arith.muli %arg1, %mul3A_3 : i32
    "tpu.region"() ({
      %run_scoped3A = tpu.sem_alloc : memref<!tpu.dma_semaphore, #tpu.memory_space<semaphore_mem>>
      %dma_start3A_145 = arith.constant 0 : i32
      %dma_start3A_146 = tpu.memref_slice %arg10[%mul3A_4, %dma_start3A_145] : memref<10016x128xf32, #tpu.memory_space<vmem_shared>> -> memref<624x128xf32, #tpu.memory_space<vmem_shared>>
      %dma_start3A_147 = arith.constant 0 : i32
      %dma_start3A_148 = tpu.memref_slice %arg5[%mul3A_4, %dma_start3A_147] : memref<10000x128xf32, #tpu.memory_space<hbm>> -> memref<624x128xf32, #tpu.memory_space<hbm>>
      tpu.enqueue_dma source(%dma_start3A_148 : memref<624x128xf32, #tpu.memory_space<hbm>>) target(%dma_start3A_146 : memref<624x128xf32, #tpu.memory_space<vmem_shared>>) target_semaphore(%run_scoped3A : memref<!tpu.dma_semaphore, #tpu.memory_space<semaphore_mem>>)
      %dma_wait3A_149 = arith.constant 0 : i32
      %dma_wait3A_150 = tpu.memref_slice %arg10[%mul3A_4, %dma_wait3A_149] : memref<10016x128xf32, #tpu.memory_space<vmem_shared>> -> memref<624x128xf32, #tpu.memory_space<vmem_shared>>
      %dma_wait3A_151 = arith.constant 0 : i32
      %dma_wait3A_152 = tpu.memref_slice %arg5[%mul3A_4, %dma_wait3A_151] : memref<10000x128xf32, #tpu.memory_space<hbm>> -> memref<624x128xf32, #tpu.memory_space<hbm>>
      tpu.wait_dma2 semaphore(%run_scoped3A : memref<!tpu.dma_semaphore, #tpu.memory_space<semaphore_mem>>) src(%dma_wait3A_152 : memref<624x128xf32, #tpu.memory_space<hbm>>) dst(%dma_wait3A_150 : memref<624x128xf32, #tpu.memory_space<vmem_shared>>)
      tpu.yield
    }) : () -> ()
    %eq3A = arith.constant 0 : i32
    %eq3A_5 = arith.cmpi eq, %arg1, %eq3A : i32
    %convert_element_type3A = arith.extui %eq3A_5 : i1 to i32
    %cond3A = arith.constant 0 : i32
    %cond3A_6 = arith.cmpi ne, %convert_element_type3A, %cond3A : i32
    scf.if %cond3A_6 {
      "tpu.region"() ({
        %run_scoped3A = tpu.sem_alloc : memref<!tpu.dma_semaphore, #tpu.memory_space<semaphore_mem>>
        %dma_start3A_145 = arith.constant 9984 : i32
        %dma_start3A_146 = arith.constant 0 : i32
        %dma_start3A_147 = tpu.memref_slice %arg10[%dma_start3A_145, %dma_start3A_146] : memref<10016x128xf32, #tpu.memory_space<vmem_shared>> -> memref<16x128xf32, #tpu.memory_space<vmem_shared>>
        %dma_start3A_148 = arith.constant 9984 : i32
        %dma_start3A_149 = arith.constant 0 : i32
        %dma_start3A_150 = tpu.memref_slice %arg5[%dma_start3A_148, %dma_start3A_149] : memref<10000x128xf32, #tpu.memory_space<hbm>> -> memref<16x128xf32, #tpu.memory_space<hbm>>
        tpu.enqueue_dma source(%dma_start3A_150 : memref<16x128xf32, #tpu.memory_space<hbm>>) target(%dma_start3A_147 : memref<16x128xf32, #tpu.memory_space<vmem_shared>>) target_semaphore(%run_scoped3A : memref<!tpu.dma_semaphore, #tpu.memory_space<semaphore_mem>>)
        %dma_wait3A_151 = arith.constant 9984 : i32
        %dma_wait3A_152 = arith.constant 0 : i32
        %dma_wait3A_153 = tpu.memref_slice %arg10[%dma_wait3A_151, %dma_wait3A_152] : memref<10016x128xf32, #tpu.memory_space<vmem_shared>> -> memref<16x128xf32, #tpu.memory_space<vmem_shared>>
        %dma_wait3A_154 = arith.constant 9984 : i32
        %dma_wait3A_155 = arith.constant 0 : i32
        %dma_wait3A_156 = tpu.memref_slice %arg5[%dma_wait3A_154, %dma_wait3A_155] : memref<10000x128xf32, #tpu.memory_space<hbm>> -> memref<16x128xf32, #tpu.memory_space<hbm>>
        tpu.wait_dma2 semaphore(%run_scoped3A : memref<!tpu.dma_semaphore, #tpu.memory_space<semaphore_mem>>) src(%dma_wait3A_156 : memref<16x128xf32, #tpu.memory_space<hbm>>) dst(%dma_wait3A_153 : memref<16x128xf32, #tpu.memory_space<vmem_shared>>)
        tpu.yield
      }) : () -> ()
    } else {
    }
    "tpu.region"() ({
      %run_scoped3A = tpu.sem_alloc : memref<!tpu.dma_semaphore, #tpu.memory_space<semaphore_mem>>
      %dma_start3A_145 = arith.constant 0 : i32
      %dma_start3A_146 = tpu.memref_slice %arg9[%dma_start3A_145] : memref<10016xf32, #tpu.memory_space<vmem>> -> memref<10000xf32, #tpu.memory_space<vmem>>
      %dma_start3A_147 = arith.constant 0 : i32
      %dma_start3A_148 = tpu.memref_slice %arg9[%dma_start3A_147] : memref<10016xf32, #tpu.memory_space<vmem>> -> memref<10000xf32, #tpu.memory_space<vmem>>
      tpu.enqueue_dma source(%arg6 : memref<10000xf32, #tpu.memory_space<hbm>>) target(%dma_start3A_148 : memref<10000xf32, #tpu.memory_space<vmem>>) target_semaphore(%run_scoped3A : memref<!tpu.dma_semaphore, #tpu.memory_space<semaphore_mem>>)
      %dma_wait3A_149 = arith.constant 0 : i32
      %dma_wait3A_150 = tpu.memref_slice %arg9[%dma_wait3A_149] : memref<10016xf32, #tpu.memory_space<vmem>> -> memref<10000xf32, #tpu.memory_space<vmem>>
      %dma_wait3A_151 = arith.constant 0 : i32
      %dma_wait3A_152 = tpu.memref_slice %arg9[%dma_wait3A_151] : memref<10016xf32, #tpu.memory_space<vmem>> -> memref<10000xf32, #tpu.memory_space<vmem>>
      tpu.wait_dma2 semaphore(%run_scoped3A : memref<!tpu.dma_semaphore, #tpu.memory_space<semaphore_mem>>) src(%arg6 : memref<10000xf32, #tpu.memory_space<hbm>>) dst(%dma_wait3A_152 : memref<10000xf32, #tpu.memory_space<vmem>>)
      tpu.yield
    }) : () -> ()
    %barrier3A = arith.constant 0 : index
    tpu.barrier barrier_id(%barrier3A)
    %broadcast_in_dim3A = arith.constant 1.000000e+00 : f32
    %broadcast_in_dim3A_7 = vector.broadcast %broadcast_in_dim3A : f32 to vector<16xf32>
    %add3A_8 = arith.constant 0 : i32
    %add3A_9 = arith.addi %mul3A_2, %add3A_8 : i32
    %dma_start3A = tpu.memref_slice %arg3[%add3A_9] : memref<320000xi32, #tpu.memory_space<hbm>> -> memref<80xi32, #tpu.memory_space<hbm>>
    %dma_start3A_10 = tpu.memref_slice %arg3[%add3A_9] : memref<320000xi32, #tpu.memory_space<hbm>> -> memref<80xi32, #tpu.memory_space<hbm>>
    tpu.enqueue_dma source(%dma_start3A_10 : memref<80xi32, #tpu.memory_space<hbm>>) target(%arg11 : memref<80xi32, #tpu.memory_space<vmem>>) target_semaphore(%arg20 : memref<!tpu.dma_semaphore, #tpu.memory_space<semaphore_mem>>)
    %dma_start3A_11 = tpu.memref_slice %arg4[%add3A_9] : memref<320000xi32, #tpu.memory_space<hbm>> -> memref<80xi32, #tpu.memory_space<hbm>>
    %dma_start3A_12 = tpu.memref_slice %arg4[%add3A_9] : memref<320000xi32, #tpu.memory_space<hbm>> -> memref<80xi32, #tpu.memory_space<hbm>>
    tpu.enqueue_dma source(%dma_start3A_12 : memref<80xi32, #tpu.memory_space<hbm>>) target(%arg14 : memref<80xi32, #tpu.memory_space<vmem>>) target_semaphore(%arg20 : memref<!tpu.dma_semaphore, #tpu.memory_space<semaphore_mem>>)
    %add3A_13 = arith.constant 80 : i32
    %add3A_14 = arith.addi %mul3A_2, %add3A_13 : i32
    %dma_start3A_15 = tpu.memref_slice %arg3[%add3A_14] : memref<320000xi32, #tpu.memory_space<hbm>> -> memref<80xi32, #tpu.memory_space<hbm>>
    %dma_start3A_16 = tpu.memref_slice %arg3[%add3A_14] : memref<320000xi32, #tpu.memory_space<hbm>> -> memref<80xi32, #tpu.memory_space<hbm>>
    tpu.enqueue_dma source(%dma_start3A_16 : memref<80xi32, #tpu.memory_space<hbm>>) target(%arg12 : memref<80xi32, #tpu.memory_space<vmem>>) target_semaphore(%arg21 : memref<!tpu.dma_semaphore, #tpu.memory_space<semaphore_mem>>)
    %dma_start3A_17 = tpu.memref_slice %arg4[%add3A_14] : memref<320000xi32, #tpu.memory_space<hbm>> -> memref<80xi32, #tpu.memory_space<hbm>>
    %dma_start3A_18 = tpu.memref_slice %arg4[%add3A_14] : memref<320000xi32, #tpu.memory_space<hbm>> -> memref<80xi32, #tpu.memory_space<hbm>>
    tpu.enqueue_dma source(%dma_start3A_18 : memref<80xi32, #tpu.memory_space<hbm>>) target(%arg15 : memref<80xi32, #tpu.memory_space<vmem>>) target_semaphore(%arg21 : memref<!tpu.dma_semaphore, #tpu.memory_space<semaphore_mem>>)
    %add3A_19 = arith.constant 160 : i32
    %add3A_20 = arith.addi %mul3A_2, %add3A_19 : i32
    %dma_start3A_21 = tpu.memref_slice %arg3[%add3A_20] : memref<320000xi32, #tpu.memory_space<hbm>> -> memref<80xi32, #tpu.memory_space<hbm>>
    %dma_start3A_22 = tpu.memref_slice %arg3[%add3A_20] : memref<320000xi32, #tpu.memory_space<hbm>> -> memref<80xi32, #tpu.memory_space<hbm>>
    tpu.enqueue_dma source(%dma_start3A_22 : memref<80xi32, #tpu.memory_space<hbm>>) target(%arg13 : memref<80xi32, #tpu.memory_space<vmem>>) target_semaphore(%arg22 : memref<!tpu.dma_semaphore, #tpu.memory_space<semaphore_mem>>)
    %dma_start3A_23 = tpu.memref_slice %arg4[%add3A_20] : memref<320000xi32, #tpu.memory_space<hbm>> -> memref<80xi32, #tpu.memory_space<hbm>>
    %dma_start3A_24 = tpu.memref_slice %arg4[%add3A_20] : memref<320000xi32, #tpu.memory_space<hbm>> -> memref<80xi32, #tpu.memory_space<hbm>>
    tpu.enqueue_dma source(%dma_start3A_24 : memref<80xi32, #tpu.memory_space<hbm>>) target(%arg16 : memref<80xi32, #tpu.memory_space<vmem>>) target_semaphore(%arg22 : memref<!tpu.dma_semaphore, #tpu.memory_space<semaphore_mem>>)
    %dma_wait3A = arith.constant 0 : i32
    %dma_wait3A_25 = tpu.memref_slice %arg3[%dma_wait3A] : memref<320000xi32, #tpu.memory_space<hbm>> -> memref<80xi32, #tpu.memory_space<hbm>>
    %dma_wait3A_26 = arith.constant 0 : i32
    %dma_wait3A_27 = tpu.memref_slice %arg3[%dma_wait3A_26] : memref<320000xi32, #tpu.memory_space<hbm>> -> memref<80xi32, #tpu.memory_space<hbm>>
    tpu.wait_dma2 semaphore(%arg20 : memref<!tpu.dma_semaphore, #tpu.memory_space<semaphore_mem>>) src(%dma_wait3A_27 : memref<80xi32, #tpu.memory_space<hbm>>) dst(%arg11 : memref<80xi32, #tpu.memory_space<vmem>>)
    %dma_wait3A_28 = arith.constant 0 : i32
    %dma_wait3A_29 = tpu.memref_slice %arg4[%dma_wait3A_28] : memref<320000xi32, #tpu.memory_space<hbm>> -> memref<80xi32, #tpu.memory_space<hbm>>
    %dma_wait3A_30 = arith.constant 0 : i32
    %dma_wait3A_31 = tpu.memref_slice %arg4[%dma_wait3A_30] : memref<320000xi32, #tpu.memory_space<hbm>> -> memref<80xi32, #tpu.memory_space<hbm>>
    tpu.wait_dma2 semaphore(%arg20 : memref<!tpu.dma_semaphore, #tpu.memory_space<semaphore_mem>>) src(%dma_wait3A_31 : memref<80xi32, #tpu.memory_space<hbm>>) dst(%arg14 : memref<80xi32, #tpu.memory_space<vmem>>)
    %dma_start3A_32 = arith.constant 0 : i32
    %dma_start3A_33 = arith.constant 0 : i32
    %dma_start3A_34 = tpu.memref_slice %arg2[%dma_start3A_32, %dma_start3A_33] : memref<10000x128xf32, #tpu.memory_space<hbm>> -> memref<10000x128xf32, #tpu.memory_space<hbm>>
    tpu.enqueue_indirect_dma source(%dma_start3A_34 : memref<10000x128xf32, #tpu.memory_space<hbm>>) target(%arg23 : memref<80x128xf32, #tpu.memory_space<vmem>>) offsets(%arg11 : memref<80xi32, #tpu.memory_space<vmem>>) semaphore(%arg26 : memref<!tpu.dma_semaphore, #tpu.memory_space<semaphore_mem>>)
    %dma_wait3A_35 = arith.constant 0 : i32
    %dma_wait3A_36 = tpu.memref_slice %arg3[%dma_wait3A_35] : memref<320000xi32, #tpu.memory_space<hbm>> -> memref<80xi32, #tpu.memory_space<hbm>>
    %dma_wait3A_37 = arith.constant 0 : i32
    %dma_wait3A_38 = tpu.memref_slice %arg3[%dma_wait3A_37] : memref<320000xi32, #tpu.memory_space<hbm>> -> memref<80xi32, #tpu.memory_space<hbm>>
    tpu.wait_dma2 semaphore(%arg21 : memref<!tpu.dma_semaphore, #tpu.memory_space<semaphore_mem>>) src(%dma_wait3A_38 : memref<80xi32, #tpu.memory_space<hbm>>) dst(%arg12 : memref<80xi32, #tpu.memory_space<vmem>>)
    %dma_wait3A_39 = arith.constant 0 : i32
    %dma_wait3A_40 = tpu.memref_slice %arg4[%dma_wait3A_39] : memref<320000xi32, #tpu.memory_space<hbm>> -> memref<80xi32, #tpu.memory_space<hbm>>
    %dma_wait3A_41 = arith.constant 0 : i32
    %dma_wait3A_42 = tpu.memref_slice %arg4[%dma_wait3A_41] : memref<320000xi32, #tpu.memory_space<hbm>> -> memref<80xi32, #tpu.memory_space<hbm>>
    tpu.wait_dma2 semaphore(%arg21 : memref<!tpu.dma_semaphore, #tpu.memory_space<semaphore_mem>>) src(%dma_wait3A_42 : memref<80xi32, #tpu.memory_space<hbm>>) dst(%arg15 : memref<80xi32, #tpu.memory_space<vmem>>)
    %dma_start3A_43 = arith.constant 0 : i32
    %dma_start3A_44 = arith.constant 0 : i32
    %dma_start3A_45 = tpu.memref_slice %arg2[%dma_start3A_43, %dma_start3A_44] : memref<10000x128xf32, #tpu.memory_space<hbm>> -> memref<10000x128xf32, #tpu.memory_space<hbm>>
    tpu.enqueue_indirect_dma source(%dma_start3A_45 : memref<10000x128xf32, #tpu.memory_space<hbm>>) target(%arg24 : memref<80x128xf32, #tpu.memory_space<vmem>>) offsets(%arg12 : memref<80xi32, #tpu.memory_space<vmem>>) semaphore(%arg27 : memref<!tpu.dma_semaphore, #tpu.memory_space<semaphore_mem>>)
    %scan3A = arith.constant 0 : i32
    %scan3A_46 = arith.constant 41 : i32
    %scan3A_47 = arith.addi %scan3A, %scan3A_46 : i32
    %scan3A_48 = arith.constant 1 : i32
    scf.for %scan3A_145 = %scan3A to %scan3A_47 step %scan3A_48  : i32 {
      %mul3A_146 = arith.constant 3 : i32
      %mul3A_147 = arith.muli %scan3A_145, %mul3A_146 : i32
      %add3A_148 = arith.constant 0 : i32
      %add3A_149 = arith.addi %add3A_148, %mul3A_147 : i32
      %add3A_150 = arith.constant 0 : i32
      %add3A_151 = arith.addi %add3A_149, %add3A_150 : i32
      %dma_wait3A_152 = arith.constant 0 : i32
      %dma_wait3A_153 = arith.constant 0 : i32
      %dma_wait3A_154 = tpu.memref_slice %arg2[%dma_wait3A_152, %dma_wait3A_153] : memref<10000x128xf32, #tpu.memory_space<hbm>> -> memref<80x128xf32, #tpu.memory_space<hbm>>
      %dma_wait3A_155 = arith.constant 0 : i32
      %dma_wait3A_156 = arith.constant 0 : i32
      %dma_wait3A_157 = tpu.memref_slice %arg2[%dma_wait3A_155, %dma_wait3A_156] : memref<10000x128xf32, #tpu.memory_space<hbm>> -> memref<80x128xf32, #tpu.memory_space<hbm>>
      tpu.wait_dma2 semaphore(%arg26 : memref<!tpu.dma_semaphore, #tpu.memory_space<semaphore_mem>>) src(%dma_wait3A_157 : memref<80x128xf32, #tpu.memory_space<hbm>>) dst(%arg23 : memref<80x128xf32, #tpu.memory_space<vmem>>)
      %get3A_158 = arith.constant 0 : index
      %get3A_159 = tpu.vector_load %arg14[%get3A_158] {strides = array<i32>} : memref<80xi32, #tpu.memory_space<vmem>>, vector<16xi32>,
      %swap3A_160 = arith.constant 0 : index
      %swap3A_161 = tpu.vector_load %arg17[%swap3A_160] {strides = array<i32>} : memref<80xi32, #tpu.memory_space<vmem>>, vector<16xi32>,
      tpu.vector_store %arg17[%swap3A_160], %get3A_159 {strides = array<i32>} : memref<80xi32, #tpu.memory_space<vmem>>, vector<16xi32>,
      %get3A_162 = arith.constant 16 : index
      %get3A_163 = tpu.vector_load %arg14[%get3A_162] {strides = array<i32>} : memref<80xi32, #tpu.memory_space<vmem>>, vector<16xi32>,
      %swap3A_164 = arith.constant 16 : index
      %swap3A_165 = tpu.vector_load %arg17[%swap3A_164] {strides = array<i32>} : memref<80xi32, #tpu.memory_space<vmem>>, vector<16xi32>,
      tpu.vector_store %arg17[%swap3A_164], %get3A_163 {strides = array<i32>} : memref<80xi32, #tpu.memory_space<vmem>>, vector<16xi32>,
      %get3A_166 = arith.constant 32 : index
      %get3A_167 = tpu.vector_load %arg14[%get3A_166] {strides = array<i32>} : memref<80xi32, #tpu.memory_space<vmem>>, vector<16xi32>,
      %swap3A_168 = arith.constant 32 : index
      %swap3A_169 = tpu.vector_load %arg17[%swap3A_168] {strides = array<i32>} : memref<80xi32, #tpu.memory_space<vmem>>, vector<16xi32>,
      tpu.vector_store %arg17[%swap3A_168], %get3A_167 {strides = array<i32>} : memref<80xi32, #tpu.memory_space<vmem>>, vector<16xi32>,
      %get3A_170 = arith.constant 48 : index
      %get3A_171 = tpu.vector_load %arg14[%get3A_170] {strides = array<i32>} : memref<80xi32, #tpu.memory_space<vmem>>, vector<16xi32>,
      %swap3A_172 = arith.constant 48 : index
      %swap3A_173 = tpu.vector_load %arg17[%swap3A_172] {strides = array<i32>} : memref<80xi32, #tpu.memory_space<vmem>>, vector<16xi32>,
      tpu.vector_store %arg17[%swap3A_172], %get3A_171 {strides = array<i32>} : memref<80xi32, #tpu.memory_space<vmem>>, vector<16xi32>,
      %get3A_174 = arith.constant 64 : index
      %get3A_175 = tpu.vector_load %arg14[%get3A_174] {strides = array<i32>} : memref<80xi32, #tpu.memory_space<vmem>>, vector<16xi32>,
      %swap3A_176 = arith.constant 64 : index
      %swap3A_177 = tpu.vector_load %arg17[%swap3A_176] {strides = array<i32>} : memref<80xi32, #tpu.memory_space<vmem>>, vector<16xi32>,
      tpu.vector_store %arg17[%swap3A_176], %get3A_175 {strides = array<i32>} : memref<80xi32, #tpu.memory_space<vmem>>, vector<16xi32>,
      %dma_start3A_178 = arith.constant 0 : i32
      %dma_start3A_179 = arith.constant 0 : i32
      %dma_start3A_180 = tpu.memref_slice %arg10[%dma_start3A_178, %dma_start3A_179] : memref<10016x128xf32, #tpu.memory_space<vmem_shared>> -> memref<10016x128xf32, #tpu.memory_space<vmem_shared>>
      tpu.enqueue_indirect_dma source(%arg23 : memref<80x128xf32, #tpu.memory_space<vmem>>) target(%dma_start3A_180 : memref<10016x128xf32, #tpu.memory_space<vmem_shared>>) offsets(%arg17 : memref<80xi32, #tpu.memory_space<vmem>>) semaphore(%arg29 : memref<!tpu.dma_semaphore, #tpu.memory_space<semaphore_mem>>) {add = true}
      %get3A_181 = arith.constant 0 : index
      %get3A_182 = tpu.vector_load %arg17[%get3A_181] {strides = array<i32>} : memref<80xi32, #tpu.memory_space<vmem>>, vector<16xi32>,
      tpu.vector_store_idx %arg9[%get3A_182], %broadcast_in_dim3A_7 {add = true} : memref<10016xf32, #tpu.memory_space<vmem>>[vector<16xi32>], vector<16xf32>,
      %get3A_183 = arith.constant 16 : index
      %get3A_184 = tpu.vector_load %arg17[%get3A_183] {strides = array<i32>} : memref<80xi32, #tpu.memory_space<vmem>>, vector<16xi32>,
      tpu.vector_store_idx %arg9[%get3A_184], %broadcast_in_dim3A_7 {add = true} : memref<10016xf32, #tpu.memory_space<vmem>>[vector<16xi32>], vector<16xf32>,
      %get3A_185 = arith.constant 32 : index
      %get3A_186 = tpu.vector_load %arg17[%get3A_185] {strides = array<i32>} : memref<80xi32, #tpu.memory_space<vmem>>, vector<16xi32>,
      tpu.vector_store_idx %arg9[%get3A_186], %broadcast_in_dim3A_7 {add = true} : memref<10016xf32, #tpu.memory_space<vmem>>[vector<16xi32>], vector<16xf32>,
      %get3A_187 = arith.constant 48 : index
      %get3A_188 = tpu.vector_load %arg17[%get3A_187] {strides = array<i32>} : memref<80xi32, #tpu.memory_space<vmem>>, vector<16xi32>,
      tpu.vector_store_idx %arg9[%get3A_188], %broadcast_in_dim3A_7 {add = true} : memref<10016xf32, #tpu.memory_space<vmem>>[vector<16xi32>], vector<16xf32>,
      %get3A_189 = arith.constant 64 : index
      %get3A_190 = tpu.vector_load %arg17[%get3A_189] {strides = array<i32>} : memref<80xi32, #tpu.memory_space<vmem>>, vector<16xi32>,
      tpu.vector_store_idx %arg9[%get3A_190], %broadcast_in_dim3A_7 {add = true} : memref<10016xf32, #tpu.memory_space<vmem>>[vector<16xi32>], vector<16xf32>,
      %add3A_191 = arith.constant 3 : i32
      %add3A_192 = arith.addi %add3A_151, %add3A_191 : i32
      %lt3A = arith.constant 125 : i32
      %lt3A_193 = arith.cmpi slt, %add3A_192, %lt3A : i32
      %convert_element_type3A_194 = arith.extui %lt3A_193 : i1 to i32
      %cond3A_195 = arith.constant 0 : i32
      %cond3A_196 = arith.cmpi ne, %convert_element_type3A_194, %cond3A_195 : i32
      scf.if %cond3A_196 {
        %mul3A_319 = arith.constant 80 : i32
        %mul3A_320 = arith.muli %add3A_192, %mul3A_319 : i32
        %add3A_321 = arith.addi %mul3A_2, %mul3A_320 : i32
        %dma_start3A_322 = tpu.memref_slice %arg3[%add3A_321] : memref<320000xi32, #tpu.memory_space<hbm>> -> memref<80xi32, #tpu.memory_space<hbm>>
        %dma_start3A_323 = tpu.memref_slice %arg3[%add3A_321] : memref<320000xi32, #tpu.memory_space<hbm>> -> memref<80xi32, #tpu.memory_space<hbm>>
        tpu.enqueue_dma source(%dma_start3A_323 : memref<80xi32, #tpu.memory_space<hbm>>) target(%arg11 : memref<80xi32, #tpu.memory_space<vmem>>) target_semaphore(%arg20 : memref<!tpu.dma_semaphore, #tpu.memory_space<semaphore_mem>>)
        %dma_start3A_324 = tpu.memref_slice %arg4[%add3A_321] : memref<320000xi32, #tpu.memory_space<hbm>> -> memref<80xi32, #tpu.memory_space<hbm>>
        %dma_start3A_325 = tpu.memref_slice %arg4[%add3A_321] : memref<320000xi32, #tpu.memory_space<hbm>> -> memref<80xi32, #tpu.memory_space<hbm>>
        tpu.enqueue_dma source(%dma_start3A_325 : memref<80xi32, #tpu.memory_space<hbm>>) target(%arg14 : memref<80xi32, #tpu.memory_space<vmem>>) target_semaphore(%arg20 : memref<!tpu.dma_semaphore, #tpu.memory_space<semaphore_mem>>)
      } else {
      }
      %add3A_197 = arith.constant 3 : i32
      %add3A_198 = arith.addi %add3A_151, %add3A_197 : i32
      %sub3A = arith.constant 1 : i32
      %sub3A_199 = arith.subi %add3A_198, %sub3A : i32
      %lt3A_200 = arith.constant 125 : i32
      %lt3A_201 = arith.cmpi slt, %sub3A_199, %lt3A_200 : i32
      %convert_element_type3A_202 = arith.extui %lt3A_201 : i1 to i32
      %cond3A_203 = arith.constant 0 : i32
      %cond3A_204 = arith.cmpi ne, %convert_element_type3A_202, %cond3A_203 : i32
      scf.if %cond3A_204 {
        %gt3A = arith.constant 0 : i32
        %gt3A_319 = arith.cmpi sgt, %add3A_151, %gt3A : i32
        %convert_element_type3A_320 = arith.extui %gt3A_319 : i1 to i32
        %cond3A_321 = arith.constant 0 : i32
        %cond3A_322 = arith.cmpi ne, %convert_element_type3A_320, %cond3A_321 : i32
        scf.if %cond3A_322 {
          %dma_wait3A_334 = arith.constant 0 : i32
          %dma_wait3A_335 = arith.constant 0 : i32
          %dma_wait3A_336 = tpu.memref_slice %arg10[%dma_wait3A_334, %dma_wait3A_335] : memref<10016x128xf32, #tpu.memory_space<vmem_shared>> -> memref<10016x128xf32, #tpu.memory_space<vmem_shared>>
          tpu.wait_indirect_dma semaphore(%arg31 : memref<!tpu.dma_semaphore, #tpu.memory_space<semaphore_mem>>) src(%arg25 : memref<80x128xf32, #tpu.memory_space<vmem>>) dst(%dma_wait3A_336 : memref<10016x128xf32, #tpu.memory_space<vmem_shared>>)
        } else {
        }
        %dma_wait3A_323 = arith.constant 0 : i32
        %dma_wait3A_324 = tpu.memref_slice %arg3[%dma_wait3A_323] : memref<320000xi32, #tpu.memory_space<hbm>> -> memref<80xi32, #tpu.memory_space<hbm>>
        %dma_wait3A_325 = arith.constant 0 : i32
        %dma_wait3A_326 = tpu.memref_slice %arg3[%dma_wait3A_325] : memref<320000xi32, #tpu.memory_space<hbm>> -> memref<80xi32, #tpu.memory_space<hbm>>
        tpu.wait_dma2 semaphore(%arg22 : memref<!tpu.dma_semaphore, #tpu.memory_space<semaphore_mem>>) src(%dma_wait3A_326 : memref<80xi32, #tpu.memory_space<hbm>>) dst(%arg13 : memref<80xi32, #tpu.memory_space<vmem>>)
        %dma_wait3A_327 = arith.constant 0 : i32
        %dma_wait3A_328 = tpu.memref_slice %arg4[%dma_wait3A_327] : memref<320000xi32, #tpu.memory_space<hbm>> -> memref<80xi32, #tpu.memory_space<hbm>>
        %dma_wait3A_329 = arith.constant 0 : i32
        %dma_wait3A_330 = tpu.memref_slice %arg4[%dma_wait3A_329] : memref<320000xi32, #tpu.memory_space<hbm>> -> memref<80xi32, #tpu.memory_space<hbm>>
        tpu.wait_dma2 semaphore(%arg22 : memref<!tpu.dma_semaphore, #tpu.memory_space<semaphore_mem>>) src(%dma_wait3A_330 : memref<80xi32, #tpu.memory_space<hbm>>) dst(%arg16 : memref<80xi32, #tpu.memory_space<vmem>>)
        %dma_start3A_331 = arith.constant 0 : i32
        %dma_start3A_332 = arith.constant 0 : i32
        %dma_start3A_333 = tpu.memref_slice %arg2[%dma_start3A_331, %dma_start3A_332] : memref<10000x128xf32, #tpu.memory_space<hbm>> -> memref<10000x128xf32, #tpu.memory_space<hbm>>
        tpu.enqueue_indirect_dma source(%dma_start3A_333 : memref<10000x128xf32, #tpu.memory_space<hbm>>) target(%arg25 : memref<80x128xf32, #tpu.memory_space<vmem>>) offsets(%arg13 : memref<80xi32, #tpu.memory_space<vmem>>) semaphore(%arg28 : memref<!tpu.dma_semaphore, #tpu.memory_space<semaphore_mem>>)
      } else {
      }
      %add3A_205 = arith.constant 1 : i32
      %add3A_206 = arith.addi %add3A_149, %add3A_205 : i32
      %dma_wait3A_207 = arith.constant 0 : i32
      %dma_wait3A_208 = arith.constant 0 : i32
      %dma_wait3A_209 = tpu.memref_slice %arg2[%dma_wait3A_207, %dma_wait3A_208] : memref<10000x128xf32, #tpu.memory_space<hbm>> -> memref<80x128xf32, #tpu.memory_space<hbm>>
      %dma_wait3A_210 = arith.constant 0 : i32
      %dma_wait3A_211 = arith.constant 0 : i32
      %dma_wait3A_212 = tpu.memref_slice %arg2[%dma_wait3A_210, %dma_wait3A_211] : memref<10000x128xf32, #tpu.memory_space<hbm>> -> memref<80x128xf32, #tpu.memory_space<hbm>>
      tpu.wait_dma2 semaphore(%arg27 : memref<!tpu.dma_semaphore, #tpu.memory_space<semaphore_mem>>) src(%dma_wait3A_212 : memref<80x128xf32, #tpu.memory_space<hbm>>) dst(%arg24 : memref<80x128xf32, #tpu.memory_space<vmem>>)
      %get3A_213 = arith.constant 0 : index
      %get3A_214 = tpu.vector_load %arg15[%get3A_213] {strides = array<i32>} : memref<80xi32, #tpu.memory_space<vmem>>, vector<16xi32>,
      %swap3A_215 = arith.constant 0 : index
      %swap3A_216 = tpu.vector_load %arg18[%swap3A_215] {strides = array<i32>} : memref<80xi32, #tpu.memory_space<vmem>>, vector<16xi32>,
      tpu.vector_store %arg18[%swap3A_215], %get3A_214 {strides = array<i32>} : memref<80xi32, #tpu.memory_space<vmem>>, vector<16xi32>,
      %get3A_217 = arith.constant 16 : index
      %get3A_218 = tpu.vector_load %arg15[%get3A_217] {strides = array<i32>} : memref<80xi32, #tpu.memory_space<vmem>>, vector<16xi32>,
      %swap3A_219 = arith.constant 16 : index
      %swap3A_220 = tpu.vector_load %arg18[%swap3A_219] {strides = array<i32>} : memref<80xi32, #tpu.memory_space<vmem>>, vector<16xi32>,
      tpu.vector_store %arg18[%swap3A_219], %get3A_218 {strides = array<i32>} : memref<80xi32, #tpu.memory_space<vmem>>, vector<16xi32>,
      %get3A_221 = arith.constant 32 : index
      %get3A_222 = tpu.vector_load %arg15[%get3A_221] {strides = array<i32>} : memref<80xi32, #tpu.memory_space<vmem>>, vector<16xi32>,
      %swap3A_223 = arith.constant 32 : index
      %swap3A_224 = tpu.vector_load %arg18[%swap3A_223] {strides = array<i32>} : memref<80xi32, #tpu.memory_space<vmem>>, vector<16xi32>,
      tpu.vector_store %arg18[%swap3A_223], %get3A_222 {strides = array<i32>} : memref<80xi32, #tpu.memory_space<vmem>>, vector<16xi32>,
      %get3A_225 = arith.constant 48 : index
      %get3A_226 = tpu.vector_load %arg15[%get3A_225] {strides = array<i32>} : memref<80xi32, #tpu.memory_space<vmem>>, vector<16xi32>,
      %swap3A_227 = arith.constant 48 : index
      %swap3A_228 = tpu.vector_load %arg18[%swap3A_227] {strides = array<i32>} : memref<80xi32, #tpu.memory_space<vmem>>, vector<16xi32>,
      tpu.vector_store %arg18[%swap3A_227], %get3A_226 {strides = array<i32>} : memref<80xi32, #tpu.memory_space<vmem>>, vector<16xi32>,
      %get3A_229 = arith.constant 64 : index
      %get3A_230 = tpu.vector_load %arg15[%get3A_229] {strides = array<i32>} : memref<80xi32, #tpu.memory_space<vmem>>, vector<16xi32>,
      %swap3A_231 = arith.constant 64 : index
      %swap3A_232 = tpu.vector_load %arg18[%swap3A_231] {strides = array<i32>} : memref<80xi32, #tpu.memory_space<vmem>>, vector<16xi32>,
      tpu.vector_store %arg18[%swap3A_231], %get3A_230 {strides = array<i32>} : memref<80xi32, #tpu.memory_space<vmem>>, vector<16xi32>,
      %dma_start3A_233 = arith.constant 0 : i32
      %dma_start3A_234 = arith.constant 0 : i32
      %dma_start3A_235 = tpu.memref_slice %arg10[%dma_start3A_233, %dma_start3A_234] : memref<10016x128xf32, #tpu.memory_space<vmem_shared>> -> memref<10016x128xf32, #tpu.memory_space<vmem_shared>>
      tpu.enqueue_indirect_dma source(%arg24 : memref<80x128xf32, #tpu.memory_space<vmem>>) target(%dma_start3A_235 : memref<10016x128xf32, #tpu.memory_space<vmem_shared>>) offsets(%arg18 : memref<80xi32, #tpu.memory_space<vmem>>) semaphore(%arg30 : memref<!tpu.dma_semaphore, #tpu.memory_space<semaphore_mem>>) {add = true}
      %get3A_236 = arith.constant 0 : index
      %get3A_237 = tpu.vector_load %arg18[%get3A_236] {strides = array<i32>} : memref<80xi32, #tpu.memory_space<vmem>>, vector<16xi32>,
      tpu.vector_store_idx %arg9[%get3A_237], %broadcast_in_dim3A_7 {add = true} : memref<10016xf32, #tpu.memory_space<vmem>>[vector<16xi32>], vector<16xf32>,
      %get3A_238 = arith.constant 16 : index
      %get3A_239 = tpu.vector_load %arg18[%get3A_238] {strides = array<i32>} : memref<80xi32, #tpu.memory_space<vmem>>, vector<16xi32>,
      tpu.vector_store_idx %arg9[%get3A_239], %broadcast_in_dim3A_7 {add = true} : memref<10016xf32, #tpu.memory_space<vmem>>[vector<16xi32>], vector<16xf32>,
      %get3A_240 = arith.constant 32 : index
      %get3A_241 = tpu.vector_load %arg18[%get3A_240] {strides = array<i32>} : memref<80xi32, #tpu.memory_space<vmem>>, vector<16xi32>,
      tpu.vector_store_idx %arg9[%get3A_241], %broadcast_in_dim3A_7 {add = true} : memref<10016xf32, #tpu.memory_space<vmem>>[vector<16xi32>], vector<16xf32>,
      %get3A_242 = arith.constant 48 : index
      %get3A_243 = tpu.vector_load %arg18[%get3A_242] {strides = array<i32>} : memref<80xi32, #tpu.memory_space<vmem>>, vector<16xi32>,
      tpu.vector_store_idx %arg9[%get3A_243], %broadcast_in_dim3A_7 {add = true} : memref<10016xf32, #tpu.memory_space<vmem>>[vector<16xi32>], vector<16xf32>,
      %get3A_244 = arith.constant 64 : index
      %get3A_245 = tpu.vector_load %arg18[%get3A_244] {strides = array<i32>} : memref<80xi32, #tpu.memory_space<vmem>>, vector<16xi32>,
      tpu.vector_store_idx %arg9[%get3A_245], %broadcast_in_dim3A_7 {add = true} : memref<10016xf32, #tpu.memory_space<vmem>>[vector<16xi32>], vector<16xf32>,
      %add3A_246 = arith.constant 3 : i32
      %add3A_247 = arith.addi %add3A_206, %add3A_246 : i32
      %lt3A_248 = arith.constant 125 : i32
      %lt3A_249 = arith.cmpi slt, %add3A_247, %lt3A_248 : i32
      %convert_element_type3A_250 = arith.extui %lt3A_249 : i1 to i32
      %cond3A_251 = arith.constant 0 : i32
      %cond3A_252 = arith.cmpi ne, %convert_element_type3A_250, %cond3A_251 : i32
      scf.if %cond3A_252 {
        %mul3A_319 = arith.constant 80 : i32
        %mul3A_320 = arith.muli %add3A_247, %mul3A_319 : i32
        %add3A_321 = arith.addi %mul3A_2, %mul3A_320 : i32
        %dma_start3A_322 = tpu.memref_slice %arg3[%add3A_321] : memref<320000xi32, #tpu.memory_space<hbm>> -> memref<80xi32, #tpu.memory_space<hbm>>
        %dma_start3A_323 = tpu.memref_slice %arg3[%add3A_321] : memref<320000xi32, #tpu.memory_space<hbm>> -> memref<80xi32, #tpu.memory_space<hbm>>
        tpu.enqueue_dma source(%dma_start3A_323 : memref<80xi32, #tpu.memory_space<hbm>>) target(%arg12 : memref<80xi32, #tpu.memory_space<vmem>>) target_semaphore(%arg21 : memref<!tpu.dma_semaphore, #tpu.memory_space<semaphore_mem>>)
        %dma_start3A_324 = tpu.memref_slice %arg4[%add3A_321] : memref<320000xi32, #tpu.memory_space<hbm>> -> memref<80xi32, #tpu.memory_space<hbm>>
        %dma_start3A_325 = tpu.memref_slice %arg4[%add3A_321] : memref<320000xi32, #tpu.memory_space<hbm>> -> memref<80xi32, #tpu.memory_space<hbm>>
        tpu.enqueue_dma source(%dma_start3A_325 : memref<80xi32, #tpu.memory_space<hbm>>) target(%arg15 : memref<80xi32, #tpu.memory_space<vmem>>) target_semaphore(%arg21 : memref<!tpu.dma_semaphore, #tpu.memory_space<semaphore_mem>>)
      } else {
      }
      %add3A_253 = arith.constant 3 : i32
      %add3A_254 = arith.addi %add3A_206, %add3A_253 : i32
      %sub3A_255 = arith.constant 1 : i32
      %sub3A_256 = arith.subi %add3A_254, %sub3A_255 : i32
      %lt3A_257 = arith.constant 125 : i32
      %lt3A_258 = arith.cmpi slt, %sub3A_256, %lt3A_257 : i32
      %convert_element_type3A_259 = arith.extui %lt3A_258 : i1 to i32
      %cond3A_260 = arith.constant 0 : i32
      %cond3A_261 = arith.cmpi ne, %convert_element_type3A_259, %cond3A_260 : i32
      scf.if %cond3A_261 {
        %gt3A = arith.constant 0 : i32
        %gt3A_319 = arith.cmpi sgt, %add3A_206, %gt3A : i32
        %convert_element_type3A_320 = arith.extui %gt3A_319 : i1 to i32
        %cond3A_321 = arith.constant 0 : i32
        %cond3A_322 = arith.cmpi ne, %convert_element_type3A_320, %cond3A_321 : i32
        scf.if %cond3A_322 {
          %dma_wait3A_334 = arith.constant 0 : i32
          %dma_wait3A_335 = arith.constant 0 : i32
          %dma_wait3A_336 = tpu.memref_slice %arg10[%dma_wait3A_334, %dma_wait3A_335] : memref<10016x128xf32, #tpu.memory_space<vmem_shared>> -> memref<10016x128xf32, #tpu.memory_space<vmem_shared>>
          tpu.wait_indirect_dma semaphore(%arg29 : memref<!tpu.dma_semaphore, #tpu.memory_space<semaphore_mem>>) src(%arg23 : memref<80x128xf32, #tpu.memory_space<vmem>>) dst(%dma_wait3A_336 : memref<10016x128xf32, #tpu.memory_space<vmem_shared>>)
        } else {
        }
        %dma_wait3A_323 = arith.constant 0 : i32
        %dma_wait3A_324 = tpu.memref_slice %arg3[%dma_wait3A_323] : memref<320000xi32, #tpu.memory_space<hbm>> -> memref<80xi32, #tpu.memory_space<hbm>>
        %dma_wait3A_325 = arith.constant 0 : i32
        %dma_wait3A_326 = tpu.memref_slice %arg3[%dma_wait3A_325] : memref<320000xi32, #tpu.memory_space<hbm>> -> memref<80xi32, #tpu.memory_space<hbm>>
        tpu.wait_dma2 semaphore(%arg20 : memref<!tpu.dma_semaphore, #tpu.memory_space<semaphore_mem>>) src(%dma_wait3A_326 : memref<80xi32, #tpu.memory_space<hbm>>) dst(%arg11 : memref<80xi32, #tpu.memory_space<vmem>>)
        %dma_wait3A_327 = arith.constant 0 : i32
        %dma_wait3A_328 = tpu.memref_slice %arg4[%dma_wait3A_327] : memref<320000xi32, #tpu.memory_space<hbm>> -> memref<80xi32, #tpu.memory_space<hbm>>
        %dma_wait3A_329 = arith.constant 0 : i32
        %dma_wait3A_330 = tpu.memref_slice %arg4[%dma_wait3A_329] : memref<320000xi32, #tpu.memory_space<hbm>> -> memref<80xi32, #tpu.memory_space<hbm>>
        tpu.wait_dma2 semaphore(%arg20 : memref<!tpu.dma_semaphore, #tpu.memory_space<semaphore_mem>>) src(%dma_wait3A_330 : memref<80xi32, #tpu.memory_space<hbm>>) dst(%arg14 : memref<80xi32, #tpu.memory_space<vmem>>)
        %dma_start3A_331 = arith.constant 0 : i32
        %dma_start3A_332 = arith.constant 0 : i32
        %dma_start3A_333 = tpu.memref_slice %arg2[%dma_start3A_331, %dma_start3A_332] : memref<10000x128xf32, #tpu.memory_space<hbm>> -> memref<10000x128xf32, #tpu.memory_space<hbm>>
        tpu.enqueue_indirect_dma source(%dma_start3A_333 : memref<10000x128xf32, #tpu.memory_space<hbm>>) target(%arg23 : memref<80x128xf32, #tpu.memory_space<vmem>>) offsets(%arg11 : memref<80xi32, #tpu.memory_space<vmem>>) semaphore(%arg26 : memref<!tpu.dma_semaphore, #tpu.memory_space<semaphore_mem>>)
      } else {
      }
      %add3A_262 = arith.constant 2 : i32
      %add3A_263 = arith.addi %add3A_149, %add3A_262 : i32
      %dma_wait3A_264 = arith.constant 0 : i32
      %dma_wait3A_265 = arith.constant 0 : i32
      %dma_wait3A_266 = tpu.memref_slice %arg2[%dma_wait3A_264, %dma_wait3A_265] : memref<10000x128xf32, #tpu.memory_space<hbm>> -> memref<80x128xf32, #tpu.memory_space<hbm>>
      %dma_wait3A_267 = arith.constant 0 : i32
      %dma_wait3A_268 = arith.constant 0 : i32
      %dma_wait3A_269 = tpu.memref_slice %arg2[%dma_wait3A_267, %dma_wait3A_268] : memref<10000x128xf32, #tpu.memory_space<hbm>> -> memref<80x128xf32, #tpu.memory_space<hbm>>
      tpu.wait_dma2 semaphore(%arg28 : memref<!tpu.dma_semaphore, #tpu.memory_space<semaphore_mem>>) src(%dma_wait3A_269 : memref<80x128xf32, #tpu.memory_space<hbm>>) dst(%arg25 : memref<80x128xf32, #tpu.memory_space<vmem>>)
      %get3A_270 = arith.constant 0 : index
      %get3A_271 = tpu.vector_load %arg16[%get3A_270] {strides = array<i32>} : memref<80xi32, #tpu.memory_space<vmem>>, vector<16xi32>,
      %swap3A_272 = arith.constant 0 : index
      %swap3A_273 = tpu.vector_load %arg19[%swap3A_272] {strides = array<i32>} : memref<80xi32, #tpu.memory_space<vmem>>, vector<16xi32>,
      tpu.vector_store %arg19[%swap3A_272], %get3A_271 {strides = array<i32>} : memref<80xi32, #tpu.memory_space<vmem>>, vector<16xi32>,
      %get3A_274 = arith.constant 16 : index
      %get3A_275 = tpu.vector_load %arg16[%get3A_274] {strides = array<i32>} : memref<80xi32, #tpu.memory_space<vmem>>, vector<16xi32>,
      %swap3A_276 = arith.constant 16 : index
      %swap3A_277 = tpu.vector_load %arg19[%swap3A_276] {strides = array<i32>} : memref<80xi32, #tpu.memory_space<vmem>>, vector<16xi32>,
      tpu.vector_store %arg19[%swap3A_276], %get3A_275 {strides = array<i32>} : memref<80xi32, #tpu.memory_space<vmem>>, vector<16xi32>,
      %get3A_278 = arith.constant 32 : index
      %get3A_279 = tpu.vector_load %arg16[%get3A_278] {strides = array<i32>} : memref<80xi32, #tpu.memory_space<vmem>>, vector<16xi32>,
      %swap3A_280 = arith.constant 32 : index
      %swap3A_281 = tpu.vector_load %arg19[%swap3A_280] {strides = array<i32>} : memref<80xi32, #tpu.memory_space<vmem>>, vector<16xi32>,
      tpu.vector_store %arg19[%swap3A_280], %get3A_279 {strides = array<i32>} : memref<80xi32, #tpu.memory_space<vmem>>, vector<16xi32>,
      %get3A_282 = arith.constant 48 : index
      %get3A_283 = tpu.vector_load %arg16[%get3A_282] {strides = array<i32>} : memref<80xi32, #tpu.memory_space<vmem>>, vector<16xi32>,
      %swap3A_284 = arith.constant 48 : index
      %swap3A_285 = tpu.vector_load %arg19[%swap3A_284] {strides = array<i32>} : memref<80xi32, #tpu.memory_space<vmem>>, vector<16xi32>,
      tpu.vector_store %arg19[%swap3A_284], %get3A_283 {strides = array<i32>} : memref<80xi32, #tpu.memory_space<vmem>>, vector<16xi32>,
      %get3A_286 = arith.constant 64 : index
      %get3A_287 = tpu.vector_load %arg16[%get3A_286] {strides = array<i32>} : memref<80xi32, #tpu.memory_space<vmem>>, vector<16xi32>,
      %swap3A_288 = arith.constant 64 : index
      %swap3A_289 = tpu.vector_load %arg19[%swap3A_288] {strides = array<i32>} : memref<80xi32, #tpu.memory_space<vmem>>, vector<16xi32>,
      tpu.vector_store %arg19[%swap3A_288], %get3A_287 {strides = array<i32>} : memref<80xi32, #tpu.memory_space<vmem>>, vector<16xi32>,
      %dma_start3A_290 = arith.constant 0 : i32
      %dma_start3A_291 = arith.constant 0 : i32
      %dma_start3A_292 = tpu.memref_slice %arg10[%dma_start3A_290, %dma_start3A_291] : memref<10016x128xf32, #tpu.memory_space<vmem_shared>> -> memref<10016x128xf32, #tpu.memory_space<vmem_shared>>
      tpu.enqueue_indirect_dma source(%arg25 : memref<80x128xf32, #tpu.memory_space<vmem>>) target(%dma_start3A_292 : memref<10016x128xf32, #tpu.memory_space<vmem_shared>>) offsets(%arg19 : memref<80xi32, #tpu.memory_space<vmem>>) semaphore(%arg31 : memref<!tpu.dma_semaphore, #tpu.memory_space<semaphore_mem>>) {add = true}
      %get3A_293 = arith.constant 0 : index
      %get3A_294 = tpu.vector_load %arg19[%get3A_293] {strides = array<i32>} : memref<80xi32, #tpu.memory_space<vmem>>, vector<16xi32>,
      tpu.vector_store_idx %arg9[%get3A_294], %broadcast_in_dim3A_7 {add = true} : memref<10016xf32, #tpu.memory_space<vmem>>[vector<16xi32>], vector<16xf32>,
      %get3A_295 = arith.constant 16 : index
      %get3A_296 = tpu.vector_load %arg19[%get3A_295] {strides = array<i32>} : memref<80xi32, #tpu.memory_space<vmem>>, vector<16xi32>,
      tpu.vector_store_idx %arg9[%get3A_296], %broadcast_in_dim3A_7 {add = true} : memref<10016xf32, #tpu.memory_space<vmem>>[vector<16xi32>], vector<16xf32>,
      %get3A_297 = arith.constant 32 : index
      %get3A_298 = tpu.vector_load %arg19[%get3A_297] {strides = array<i32>} : memref<80xi32, #tpu.memory_space<vmem>>, vector<16xi32>,
      tpu.vector_store_idx %arg9[%get3A_298], %broadcast_in_dim3A_7 {add = true} : memref<10016xf32, #tpu.memory_space<vmem>>[vector<16xi32>], vector<16xf32>,
      %get3A_299 = arith.constant 48 : index
      %get3A_300 = tpu.vector_load %arg19[%get3A_299] {strides = array<i32>} : memref<80xi32, #tpu.memory_space<vmem>>, vector<16xi32>,
      tpu.vector_store_idx %arg9[%get3A_300], %broadcast_in_dim3A_7 {add = true} : memref<10016xf32, #tpu.memory_space<vmem>>[vector<16xi32>], vector<16xf32>,
      %get3A_301 = arith.constant 64 : index
      %get3A_302 = tpu.vector_load %arg19[%get3A_301] {strides = array<i32>} : memref<80xi32, #tpu.memory_space<vmem>>, vector<16xi32>,
      tpu.vector_store_idx %arg9[%get3A_302], %broadcast_in_dim3A_7 {add = true} : memref<10016xf32, #tpu.memory_space<vmem>>[vector<16xi32>], vector<16xf32>,
      %add3A_303 = arith.constant 3 : i32
      %add3A_304 = arith.addi %add3A_263, %add3A_303 : i32
      %lt3A_305 = arith.constant 125 : i32
      %lt3A_306 = arith.cmpi slt, %add3A_304, %lt3A_305 : i32
      %convert_element_type3A_307 = arith.extui %lt3A_306 : i1 to i32
      %cond3A_308 = arith.constant 0 : i32
      %cond3A_309 = arith.cmpi ne, %convert_element_type3A_307, %cond3A_308 : i32
      scf.if %cond3A_309 {
        %mul3A_319 = arith.constant 80 : i32
        %mul3A_320 = arith.muli %add3A_304, %mul3A_319 : i32
        %add3A_321 = arith.addi %mul3A_2, %mul3A_320 : i32
        %dma_start3A_322 = tpu.memref_slice %arg3[%add3A_321] : memref<320000xi32, #tpu.memory_space<hbm>> -> memref<80xi32, #tpu.memory_space<hbm>>
        %dma_start3A_323 = tpu.memref_slice %arg3[%add3A_321] : memref<320000xi32, #tpu.memory_space<hbm>> -> memref<80xi32, #tpu.memory_space<hbm>>
        tpu.enqueue_dma source(%dma_start3A_323 : memref<80xi32, #tpu.memory_space<hbm>>) target(%arg13 : memref<80xi32, #tpu.memory_space<vmem>>) target_semaphore(%arg22 : memref<!tpu.dma_semaphore, #tpu.memory_space<semaphore_mem>>)
        %dma_start3A_324 = tpu.memref_slice %arg4[%add3A_321] : memref<320000xi32, #tpu.memory_space<hbm>> -> memref<80xi32, #tpu.memory_space<hbm>>
        %dma_start3A_325 = tpu.memref_slice %arg4[%add3A_321] : memref<320000xi32, #tpu.memory_space<hbm>> -> memref<80xi32, #tpu.memory_space<hbm>>
        tpu.enqueue_dma source(%dma_start3A_325 : memref<80xi32, #tpu.memory_space<hbm>>) target(%arg16 : memref<80xi32, #tpu.memory_space<vmem>>) target_semaphore(%arg22 : memref<!tpu.dma_semaphore, #tpu.memory_space<semaphore_mem>>)
      } else {
      }
      %add3A_310 = arith.constant 3 : i32
      %add3A_311 = arith.addi %add3A_263, %add3A_310 : i32
      %sub3A_312 = arith.constant 1 : i32
      %sub3A_313 = arith.subi %add3A_311, %sub3A_312 : i32
      %lt3A_314 = arith.constant 125 : i32
      %lt3A_315 = arith.cmpi slt, %sub3A_313, %lt3A_314 : i32
      %convert_element_type3A_316 = arith.extui %lt3A_315 : i1 to i32
      %cond3A_317 = arith.constant 0 : i32
      %cond3A_318 = arith.cmpi ne, %convert_element_type3A_316, %cond3A_317 : i32
      scf.if %cond3A_318 {
        %gt3A = arith.constant 0 : i32
        %gt3A_319 = arith.cmpi sgt, %add3A_263, %gt3A : i32
        %convert_element_type3A_320 = arith.extui %gt3A_319 : i1 to i32
        %cond3A_321 = arith.constant 0 : i32
        %cond3A_322 = arith.cmpi ne, %convert_element_type3A_320, %cond3A_321 : i32
        scf.if %cond3A_322 {
          %dma_wait3A_334 = arith.constant 0 : i32
          %dma_wait3A_335 = arith.constant 0 : i32
          %dma_wait3A_336 = tpu.memref_slice %arg10[%dma_wait3A_334, %dma_wait3A_335] : memref<10016x128xf32, #tpu.memory_space<vmem_shared>> -> memref<10016x128xf32, #tpu.memory_space<vmem_shared>>
          tpu.wait_indirect_dma semaphore(%arg30 : memref<!tpu.dma_semaphore, #tpu.memory_space<semaphore_mem>>) src(%arg24 : memref<80x128xf32, #tpu.memory_space<vmem>>) dst(%dma_wait3A_336 : memref<10016x128xf32, #tpu.memory_space<vmem_shared>>)
        } else {
        }
        %dma_wait3A_323 = arith.constant 0 : i32
        %dma_wait3A_324 = tpu.memref_slice %arg3[%dma_wait3A_323] : memref<320000xi32, #tpu.memory_space<hbm>> -> memref<80xi32, #tpu.memory_space<hbm>>
        %dma_wait3A_325 = arith.constant 0 : i32
        %dma_wait3A_326 = tpu.memref_slice %arg3[%dma_wait3A_325] : memref<320000xi32, #tpu.memory_space<hbm>> -> memref<80xi32, #tpu.memory_space<hbm>>
        tpu.wait_dma2 semaphore(%arg21 : memref<!tpu.dma_semaphore, #tpu.memory_space<semaphore_mem>>) src(%dma_wait3A_326 : memref<80xi32, #tpu.memory_space<hbm>>) dst(%arg12 : memref<80xi32, #tpu.memory_space<vmem>>)
        %dma_wait3A_327 = arith.constant 0 : i32
        %dma_wait3A_328 = tpu.memref_slice %arg4[%dma_wait3A_327] : memref<320000xi32, #tpu.memory_space<hbm>> -> memref<80xi32, #tpu.memory_space<hbm>>
        %dma_wait3A_329 = arith.constant 0 : i32
        %dma_wait3A_330 = tpu.memref_slice %arg4[%dma_wait3A_329] : memref<320000xi32, #tpu.memory_space<hbm>> -> memref<80xi32, #tpu.memory_space<hbm>>
        tpu.wait_dma2 semaphore(%arg21 : memref<!tpu.dma_semaphore, #tpu.memory_space<semaphore_mem>>) src(%dma_wait3A_330 : memref<80xi32, #tpu.memory_space<hbm>>) dst(%arg15 : memref<80xi32, #tpu.memory_space<vmem>>)
        %dma_start3A_331 = arith.constant 0 : i32
        %dma_start3A_332 = arith.constant 0 : i32
        %dma_start3A_333 = tpu.memref_slice %arg2[%dma_start3A_331, %dma_start3A_332] : memref<10000x128xf32, #tpu.memory_space<hbm>> -> memref<10000x128xf32, #tpu.memory_space<hbm>>
        tpu.enqueue_indirect_dma source(%dma_start3A_333 : memref<10000x128xf32, #tpu.memory_space<hbm>>) target(%arg24 : memref<80x128xf32, #tpu.memory_space<vmem>>) offsets(%arg12 : memref<80xi32, #tpu.memory_space<vmem>>) semaphore(%arg27 : memref<!tpu.dma_semaphore, #tpu.memory_space<semaphore_mem>>)
      } else {
      }
    }
    %scan3A_49 = arith.constant 41 : i32
    %dma_wait3A_50 = arith.constant 0 : i32
    %dma_wait3A_51 = arith.constant 0 : i32
    %dma_wait3A_52 = tpu.memref_slice %arg2[%dma_wait3A_50, %dma_wait3A_51] : memref<10000x128xf32, #tpu.memory_space<hbm>> -> memref<80x128xf32, #tpu.memory_space<hbm>>
    %dma_wait3A_53 = arith.constant 0 : i32
    %dma_wait3A_54 = arith.constant 0 : i32
    %dma_wait3A_55 = tpu.memref_slice %arg2[%dma_wait3A_53, %dma_wait3A_54] : memref<10000x128xf32, #tpu.memory_space<hbm>> -> memref<80x128xf32, #tpu.memory_space<hbm>>
    tpu.wait_dma2 semaphore(%arg26 : memref<!tpu.dma_semaphore, #tpu.memory_space<semaphore_mem>>) src(%dma_wait3A_55 : memref<80x128xf32, #tpu.memory_space<hbm>>) dst(%arg23 : memref<80x128xf32, #tpu.memory_space<vmem>>)
    %get3A = arith.constant 0 : index
    %get3A_56 = tpu.vector_load %arg14[%get3A] {strides = array<i32>} : memref<80xi32, #tpu.memory_space<vmem>>, vector<16xi32>,
    %swap3A = arith.constant 0 : index
    %swap3A_57 = tpu.vector_load %arg17[%swap3A] {strides = array<i32>} : memref<80xi32, #tpu.memory_space<vmem>>, vector<16xi32>,
    tpu.vector_store %arg17[%swap3A], %get3A_56 {strides = array<i32>} : memref<80xi32, #tpu.memory_space<vmem>>, vector<16xi32>,
    %get3A_58 = arith.constant 16 : index
    %get3A_59 = tpu.vector_load %arg14[%get3A_58] {strides = array<i32>} : memref<80xi32, #tpu.memory_space<vmem>>, vector<16xi32>,
    %swap3A_60 = arith.constant 16 : index
    %swap3A_61 = tpu.vector_load %arg17[%swap3A_60] {strides = array<i32>} : memref<80xi32, #tpu.memory_space<vmem>>, vector<16xi32>,
    tpu.vector_store %arg17[%swap3A_60], %get3A_59 {strides = array<i32>} : memref<80xi32, #tpu.memory_space<vmem>>, vector<16xi32>,
    %get3A_62 = arith.constant 32 : index
    %get3A_63 = tpu.vector_load %arg14[%get3A_62] {strides = array<i32>} : memref<80xi32, #tpu.memory_space<vmem>>, vector<16xi32>,
    %swap3A_64 = arith.constant 32 : index
    %swap3A_65 = tpu.vector_load %arg17[%swap3A_64] {strides = array<i32>} : memref<80xi32, #tpu.memory_space<vmem>>, vector<16xi32>,
    tpu.vector_store %arg17[%swap3A_64], %get3A_63 {strides = array<i32>} : memref<80xi32, #tpu.memory_space<vmem>>, vector<16xi32>,
    %get3A_66 = arith.constant 48 : index
    %get3A_67 = tpu.vector_load %arg14[%get3A_66] {strides = array<i32>} : memref<80xi32, #tpu.memory_space<vmem>>, vector<16xi32>,
    %swap3A_68 = arith.constant 48 : index
    %swap3A_69 = tpu.vector_load %arg17[%swap3A_68] {strides = array<i32>} : memref<80xi32, #tpu.memory_space<vmem>>, vector<16xi32>,
    tpu.vector_store %arg17[%swap3A_68], %get3A_67 {strides = array<i32>} : memref<80xi32, #tpu.memory_space<vmem>>, vector<16xi32>,
    %get3A_70 = arith.constant 64 : index
    %get3A_71 = tpu.vector_load %arg14[%get3A_70] {strides = array<i32>} : memref<80xi32, #tpu.memory_space<vmem>>, vector<16xi32>,
    %swap3A_72 = arith.constant 64 : index
    %swap3A_73 = tpu.vector_load %arg17[%swap3A_72] {strides = array<i32>} : memref<80xi32, #tpu.memory_space<vmem>>, vector<16xi32>,
    tpu.vector_store %arg17[%swap3A_72], %get3A_71 {strides = array<i32>} : memref<80xi32, #tpu.memory_space<vmem>>, vector<16xi32>,
    %dma_start3A_74 = arith.constant 0 : i32
    %dma_start3A_75 = arith.constant 0 : i32
    %dma_start3A_76 = tpu.memref_slice %arg10[%dma_start3A_74, %dma_start3A_75] : memref<10016x128xf32, #tpu.memory_space<vmem_shared>> -> memref<10016x128xf32, #tpu.memory_space<vmem_shared>>
    tpu.enqueue_indirect_dma source(%arg23 : memref<80x128xf32, #tpu.memory_space<vmem>>) target(%dma_start3A_76 : memref<10016x128xf32, #tpu.memory_space<vmem_shared>>) offsets(%arg17 : memref<80xi32, #tpu.memory_space<vmem>>) semaphore(%arg29 : memref<!tpu.dma_semaphore, #tpu.memory_space<semaphore_mem>>) {add = true}
    %get3A_77 = arith.constant 0 : index
    %get3A_78 = tpu.vector_load %arg17[%get3A_77] {strides = array<i32>} : memref<80xi32, #tpu.memory_space<vmem>>, vector<16xi32>,
    tpu.vector_store_idx %arg9[%get3A_78], %broadcast_in_dim3A_7 {add = true} : memref<10016xf32, #tpu.memory_space<vmem>>[vector<16xi32>], vector<16xf32>,
    %get3A_79 = arith.constant 16 : index
    %get3A_80 = tpu.vector_load %arg17[%get3A_79] {strides = array<i32>} : memref<80xi32, #tpu.memory_space<vmem>>, vector<16xi32>,
    tpu.vector_store_idx %arg9[%get3A_80], %broadcast_in_dim3A_7 {add = true} : memref<10016xf32, #tpu.memory_space<vmem>>[vector<16xi32>], vector<16xf32>,
    %get3A_81 = arith.constant 32 : index
    %get3A_82 = tpu.vector_load %arg17[%get3A_81] {strides = array<i32>} : memref<80xi32, #tpu.memory_space<vmem>>, vector<16xi32>,
    tpu.vector_store_idx %arg9[%get3A_82], %broadcast_in_dim3A_7 {add = true} : memref<10016xf32, #tpu.memory_space<vmem>>[vector<16xi32>], vector<16xf32>,
    %get3A_83 = arith.constant 48 : index
    %get3A_84 = tpu.vector_load %arg17[%get3A_83] {strides = array<i32>} : memref<80xi32, #tpu.memory_space<vmem>>, vector<16xi32>,
    tpu.vector_store_idx %arg9[%get3A_84], %broadcast_in_dim3A_7 {add = true} : memref<10016xf32, #tpu.memory_space<vmem>>[vector<16xi32>], vector<16xf32>,
    %get3A_85 = arith.constant 64 : index
    %get3A_86 = tpu.vector_load %arg17[%get3A_85] {strides = array<i32>} : memref<80xi32, #tpu.memory_space<vmem>>, vector<16xi32>,
    tpu.vector_store_idx %arg9[%get3A_86], %broadcast_in_dim3A_7 {add = true} : memref<10016xf32, #tpu.memory_space<vmem>>[vector<16xi32>], vector<16xf32>,
    %dma_wait3A_87 = arith.constant 0 : i32
    %dma_wait3A_88 = arith.constant 0 : i32
    %dma_wait3A_89 = tpu.memref_slice %arg2[%dma_wait3A_87, %dma_wait3A_88] : memref<10000x128xf32, #tpu.memory_space<hbm>> -> memref<80x128xf32, #tpu.memory_space<hbm>>
    %dma_wait3A_90 = arith.constant 0 : i32
    %dma_wait3A_91 = arith.constant 0 : i32
    %dma_wait3A_92 = tpu.memref_slice %arg2[%dma_wait3A_90, %dma_wait3A_91] : memref<10000x128xf32, #tpu.memory_space<hbm>> -> memref<80x128xf32, #tpu.memory_space<hbm>>
    tpu.wait_dma2 semaphore(%arg27 : memref<!tpu.dma_semaphore, #tpu.memory_space<semaphore_mem>>) src(%dma_wait3A_92 : memref<80x128xf32, #tpu.memory_space<hbm>>) dst(%arg24 : memref<80x128xf32, #tpu.memory_space<vmem>>)
    %get3A_93 = arith.constant 0 : index
    %get3A_94 = tpu.vector_load %arg15[%get3A_93] {strides = array<i32>} : memref<80xi32, #tpu.memory_space<vmem>>, vector<16xi32>,
    %swap3A_95 = arith.constant 0 : index
    %swap3A_96 = tpu.vector_load %arg18[%swap3A_95] {strides = array<i32>} : memref<80xi32, #tpu.memory_space<vmem>>, vector<16xi32>,
    tpu.vector_store %arg18[%swap3A_95], %get3A_94 {strides = array<i32>} : memref<80xi32, #tpu.memory_space<vmem>>, vector<16xi32>,
    %get3A_97 = arith.constant 16 : index
    %get3A_98 = tpu.vector_load %arg15[%get3A_97] {strides = array<i32>} : memref<80xi32, #tpu.memory_space<vmem>>, vector<16xi32>,
    %swap3A_99 = arith.constant 16 : index
    %swap3A_100 = tpu.vector_load %arg18[%swap3A_99] {strides = array<i32>} : memref<80xi32, #tpu.memory_space<vmem>>, vector<16xi32>,
    tpu.vector_store %arg18[%swap3A_99], %get3A_98 {strides = array<i32>} : memref<80xi32, #tpu.memory_space<vmem>>, vector<16xi32>,
    %get3A_101 = arith.constant 32 : index
    %get3A_102 = tpu.vector_load %arg15[%get3A_101] {strides = array<i32>} : memref<80xi32, #tpu.memory_space<vmem>>, vector<16xi32>,
    %swap3A_103 = arith.constant 32 : index
    %swap3A_104 = tpu.vector_load %arg18[%swap3A_103] {strides = array<i32>} : memref<80xi32, #tpu.memory_space<vmem>>, vector<16xi32>,
    tpu.vector_store %arg18[%swap3A_103], %get3A_102 {strides = array<i32>} : memref<80xi32, #tpu.memory_space<vmem>>, vector<16xi32>,
    %get3A_105 = arith.constant 48 : index
    %get3A_106 = tpu.vector_load %arg15[%get3A_105] {strides = array<i32>} : memref<80xi32, #tpu.memory_space<vmem>>, vector<16xi32>,
    %swap3A_107 = arith.constant 48 : index
    %swap3A_108 = tpu.vector_load %arg18[%swap3A_107] {strides = array<i32>} : memref<80xi32, #tpu.memory_space<vmem>>, vector<16xi32>,
    tpu.vector_store %arg18[%swap3A_107], %get3A_106 {strides = array<i32>} : memref<80xi32, #tpu.memory_space<vmem>>, vector<16xi32>,
    %get3A_109 = arith.constant 64 : index
    %get3A_110 = tpu.vector_load %arg15[%get3A_109] {strides = array<i32>} : memref<80xi32, #tpu.memory_space<vmem>>, vector<16xi32>,
    %swap3A_111 = arith.constant 64 : index
    %swap3A_112 = tpu.vector_load %arg18[%swap3A_111] {strides = array<i32>} : memref<80xi32, #tpu.memory_space<vmem>>, vector<16xi32>,
    tpu.vector_store %arg18[%swap3A_111], %get3A_110 {strides = array<i32>} : memref<80xi32, #tpu.memory_space<vmem>>, vector<16xi32>,
    %dma_start3A_113 = arith.constant 0 : i32
    %dma_start3A_114 = arith.constant 0 : i32
    %dma_start3A_115 = tpu.memref_slice %arg10[%dma_start3A_113, %dma_start3A_114] : memref<10016x128xf32, #tpu.memory_space<vmem_shared>> -> memref<10016x128xf32, #tpu.memory_space<vmem_shared>>
    tpu.enqueue_indirect_dma source(%arg24 : memref<80x128xf32, #tpu.memory_space<vmem>>) target(%dma_start3A_115 : memref<10016x128xf32, #tpu.memory_space<vmem_shared>>) offsets(%arg18 : memref<80xi32, #tpu.memory_space<vmem>>) semaphore(%arg30 : memref<!tpu.dma_semaphore, #tpu.memory_space<semaphore_mem>>) {add = true}
    %get3A_116 = arith.constant 0 : index
    %get3A_117 = tpu.vector_load %arg18[%get3A_116] {strides = array<i32>} : memref<80xi32, #tpu.memory_space<vmem>>, vector<16xi32>,
    tpu.vector_store_idx %arg9[%get3A_117], %broadcast_in_dim3A_7 {add = true} : memref<10016xf32, #tpu.memory_space<vmem>>[vector<16xi32>], vector<16xf32>,
    %get3A_118 = arith.constant 16 : index
    %get3A_119 = tpu.vector_load %arg18[%get3A_118] {strides = array<i32>} : memref<80xi32, #tpu.memory_space<vmem>>, vector<16xi32>,
    tpu.vector_store_idx %arg9[%get3A_119], %broadcast_in_dim3A_7 {add = true} : memref<10016xf32, #tpu.memory_space<vmem>>[vector<16xi32>], vector<16xf32>,
    %get3A_120 = arith.constant 32 : index
    %get3A_121 = tpu.vector_load %arg18[%get3A_120] {strides = array<i32>} : memref<80xi32, #tpu.memory_space<vmem>>, vector<16xi32>,
    tpu.vector_store_idx %arg9[%get3A_121], %broadcast_in_dim3A_7 {add = true} : memref<10016xf32, #tpu.memory_space<vmem>>[vector<16xi32>], vector<16xf32>,
    %get3A_122 = arith.constant 48 : index
    %get3A_123 = tpu.vector_load %arg18[%get3A_122] {strides = array<i32>} : memref<80xi32, #tpu.memory_space<vmem>>, vector<16xi32>,
    tpu.vector_store_idx %arg9[%get3A_123], %broadcast_in_dim3A_7 {add = true} : memref<10016xf32, #tpu.memory_space<vmem>>[vector<16xi32>], vector<16xf32>,
    %get3A_124 = arith.constant 64 : index
    %get3A_125 = tpu.vector_load %arg18[%get3A_124] {strides = array<i32>} : memref<80xi32, #tpu.memory_space<vmem>>, vector<16xi32>,
    tpu.vector_store_idx %arg9[%get3A_125], %broadcast_in_dim3A_7 {add = true} : memref<10016xf32, #tpu.memory_space<vmem>>[vector<16xi32>], vector<16xf32>,
    %dma_wait3A_126 = arith.constant 0 : i32
    %dma_wait3A_127 = arith.constant 0 : i32
    %dma_wait3A_128 = tpu.memref_slice %arg10[%dma_wait3A_126, %dma_wait3A_127] : memref<10016x128xf32, #tpu.memory_space<vmem_shared>> -> memref<10016x128xf32, #tpu.memory_space<vmem_shared>>
    tpu.wait_indirect_dma semaphore(%arg29 : memref<!tpu.dma_semaphore, #tpu.memory_space<semaphore_mem>>) src(%arg23 : memref<80x128xf32, #tpu.memory_space<vmem>>) dst(%dma_wait3A_128 : memref<10016x128xf32, #tpu.memory_space<vmem_shared>>)
    %dma_wait3A_129 = arith.constant 0 : i32
    %dma_wait3A_130 = arith.constant 0 : i32
    %dma_wait3A_131 = tpu.memref_slice %arg10[%dma_wait3A_129, %dma_wait3A_130] : memref<10016x128xf32, #tpu.memory_space<vmem_shared>> -> memref<10016x128xf32, #tpu.memory_space<vmem_shared>>
    tpu.wait_indirect_dma semaphore(%arg30 : memref<!tpu.dma_semaphore, #tpu.memory_space<semaphore_mem>>) src(%arg24 : memref<80x128xf32, #tpu.memory_space<vmem>>) dst(%dma_wait3A_131 : memref<10016x128xf32, #tpu.memory_space<vmem_shared>>)
    %dma_wait3A_132 = arith.constant 0 : i32
    %dma_wait3A_133 = arith.constant 0 : i32
    %dma_wait3A_134 = tpu.memref_slice %arg10[%dma_wait3A_132, %dma_wait3A_133] : memref<10016x128xf32, #tpu.memory_space<vmem_shared>> -> memref<10016x128xf32, #tpu.memory_space<vmem_shared>>
    tpu.wait_indirect_dma semaphore(%arg31 : memref<!tpu.dma_semaphore, #tpu.memory_space<semaphore_mem>>) src(%arg25 : memref<80x128xf32, #tpu.memory_space<vmem>>) dst(%dma_wait3A_134 : memref<10016x128xf32, #tpu.memory_space<vmem_shared>>)
    %barrier3A_135 = arith.constant 0 : index
    tpu.barrier barrier_id(%barrier3A_135)
    %mul3A_136 = arith.constant 624 : i32
    %mul3A_137 = arith.muli %arg1, %mul3A_136 : i32
    "tpu.region"() ({
      %run_scoped3A = tpu.sem_alloc : memref<!tpu.dma_semaphore, #tpu.memory_space<semaphore_mem>>
      %dma_start3A_145 = arith.constant 0 : i32
      %dma_start3A_146 = tpu.memref_slice %arg7[%arg0, %mul3A_137, %dma_start3A_145] : memref<2x10000x128xf32, #tpu.memory_space<hbm>> -> memref<1x624x128xf32, #tpu.memory_space<hbm>>
      %dma_start3A_147 = tpu.memref_squeeze %dma_start3A_146 : memref<1x624x128xf32, #tpu.memory_space<hbm>> -> memref<624x128xf32, #tpu.memory_space<hbm>>
      %dma_start3A_148 = arith.constant 0 : i32
      %dma_start3A_149 = tpu.memref_slice %arg10[%mul3A_137, %dma_start3A_148] : memref<10016x128xf32, #tpu.memory_space<vmem_shared>> -> memref<624x128xf32, #tpu.memory_space<vmem_shared>>
      tpu.enqueue_dma source(%dma_start3A_149 : memref<624x128xf32, #tpu.memory_space<vmem_shared>>) target(%dma_start3A_147 : memref<624x128xf32, #tpu.memory_space<hbm>>) target_semaphore(%run_scoped3A : memref<!tpu.dma_semaphore, #tpu.memory_space<semaphore_mem>>)
      %dma_wait3A_150 = arith.constant 0 : i32
      %dma_wait3A_151 = tpu.memref_slice %arg7[%arg0, %mul3A_137, %dma_wait3A_150] : memref<2x10000x128xf32, #tpu.memory_space<hbm>> -> memref<1x624x128xf32, #tpu.memory_space<hbm>>
      %dma_wait3A_152 = tpu.memref_squeeze %dma_wait3A_151 : memref<1x624x128xf32, #tpu.memory_space<hbm>> -> memref<624x128xf32, #tpu.memory_space<hbm>>
      %dma_wait3A_153 = arith.constant 0 : i32
      %dma_wait3A_154 = tpu.memref_slice %arg10[%mul3A_137, %dma_wait3A_153] : memref<10016x128xf32, #tpu.memory_space<vmem_shared>> -> memref<624x128xf32, #tpu.memory_space<vmem_shared>>
      tpu.wait_dma2 semaphore(%run_scoped3A : memref<!tpu.dma_semaphore, #tpu.memory_space<semaphore_mem>>) src(%dma_wait3A_154 : memref<624x128xf32, #tpu.memory_space<vmem_shared>>) dst(%dma_wait3A_152 : memref<624x128xf32, #tpu.memory_space<hbm>>)
      tpu.yield
    }) : () -> ()
    %eq3A_138 = arith.constant 0 : i32
    %eq3A_139 = arith.cmpi eq, %arg1, %eq3A_138 : i32
    %convert_element_type3A_140 = arith.extui %eq3A_139 : i1 to i32
    %cond3A_141 = arith.constant 0 : i32
    %cond3A_142 = arith.cmpi ne, %convert_element_type3A_140, %cond3A_141 : i32
    scf.if %cond3A_142 {
      "tpu.region"() ({
        %run_scoped3A = tpu.sem_alloc : memref<!tpu.dma_semaphore, #tpu.memory_space<semaphore_mem>>
        %dma_start3A_145 = arith.constant 9984 : i32
        %dma_start3A_146 = arith.constant 0 : i32
        %dma_start3A_147 = tpu.memref_slice %arg7[%arg0, %dma_start3A_145, %dma_start3A_146] : memref<2x10000x128xf32, #tpu.memory_space<hbm>> -> memref<1x16x128xf32, #tpu.memory_space<hbm>>
        %dma_start3A_148 = tpu.memref_squeeze %dma_start3A_147 : memref<1x16x128xf32, #tpu.memory_space<hbm>> -> memref<16x128xf32, #tpu.memory_space<hbm>>
        %dma_start3A_149 = arith.constant 9984 : i32
        %dma_start3A_150 = arith.constant 0 : i32
        %dma_start3A_151 = tpu.memref_slice %arg10[%dma_start3A_149, %dma_start3A_150] : memref<10016x128xf32, #tpu.memory_space<vmem_shared>> -> memref<16x128xf32, #tpu.memory_space<vmem_shared>>
        tpu.enqueue_dma source(%dma_start3A_151 : memref<16x128xf32, #tpu.memory_space<vmem_shared>>) target(%dma_start3A_148 : memref<16x128xf32, #tpu.memory_space<hbm>>) target_semaphore(%run_scoped3A : memref<!tpu.dma_semaphore, #tpu.memory_space<semaphore_mem>>)
        %dma_wait3A_152 = arith.constant 9984 : i32
        %dma_wait3A_153 = arith.constant 0 : i32
        %dma_wait3A_154 = tpu.memref_slice %arg7[%arg0, %dma_wait3A_152, %dma_wait3A_153] : memref<2x10000x128xf32, #tpu.memory_space<hbm>> -> memref<1x16x128xf32, #tpu.memory_space<hbm>>
        %dma_wait3A_155 = tpu.memref_squeeze %dma_wait3A_154 : memref<1x16x128xf32, #tpu.memory_space<hbm>> -> memref<16x128xf32, #tpu.memory_space<hbm>>
        %dma_wait3A_156 = arith.constant 9984 : i32
        %dma_wait3A_157 = arith.constant 0 : i32
        %dma_wait3A_158 = tpu.memref_slice %arg10[%dma_wait3A_156, %dma_wait3A_157] : memref<10016x128xf32, #tpu.memory_space<vmem_shared>> -> memref<16x128xf32, #tpu.memory_space<vmem_shared>>
        tpu.wait_dma2 semaphore(%run_scoped3A : memref<!tpu.dma_semaphore, #tpu.memory_space<semaphore_mem>>) src(%dma_wait3A_158 : memref<16x128xf32, #tpu.memory_space<vmem_shared>>) dst(%dma_wait3A_155 : memref<16x128xf32, #tpu.memory_space<hbm>>)
        tpu.yield
      }) : () -> ()
    } else {
    }
    %mul3A_143 = arith.constant 10000 : i32
    %mul3A_144 = arith.muli %add3A, %mul3A_143 : i32
    "tpu.region"() ({
      %run_scoped3A = tpu.sem_alloc : memref<!tpu.dma_semaphore, #tpu.memory_space<semaphore_mem>>
      %dma_start3A_145 = arith.constant 0 : i32
      %dma_start3A_146 = tpu.memref_slice %arg9[%dma_start3A_145] : memref<10016xf32, #tpu.memory_space<vmem>> -> memref<10000xf32, #tpu.memory_space<vmem>>
      %dma_start3A_147 = tpu.memref_slice %arg8[%mul3A_144] : memref<320000xf32, #tpu.memory_space<hbm>> -> memref<10000xf32, #tpu.memory_space<hbm>>
      %dma_start3A_148 = tpu.memref_slice %arg8[%mul3A_144] : memref<320000xf32, #tpu.memory_space<hbm>> -> memref<10000xf32, #tpu.memory_space<hbm>>
      %dma_start3A_149 = arith.constant 0 : i32
      %dma_start3A_150 = tpu.memref_slice %arg9[%dma_start3A_149] : memref<10016xf32, #tpu.memory_space<vmem>> -> memref<10000xf32, #tpu.memory_space<vmem>>
      tpu.enqueue_dma source(%dma_start3A_150 : memref<10000xf32, #tpu.memory_space<vmem>>) target(%dma_start3A_148 : memref<10000xf32, #tpu.memory_space<hbm>>) target_semaphore(%run_scoped3A : memref<!tpu.dma_semaphore, #tpu.memory_space<semaphore_mem>>)
      %dma_wait3A_151 = arith.constant 0 : i32
      %dma_wait3A_152 = tpu.memref_slice %arg9[%dma_wait3A_151] : memref<10016xf32, #tpu.memory_space<vmem>> -> memref<10000xf32, #tpu.memory_space<vmem>>
      %dma_wait3A_153 = tpu.memref_slice %arg8[%mul3A_144] : memref<320000xf32, #tpu.memory_space<hbm>> -> memref<10000xf32, #tpu.memory_space<hbm>>
      %dma_wait3A_154 = tpu.memref_slice %arg8[%mul3A_144] : memref<320000xf32, #tpu.memory_space<hbm>> -> memref<10000xf32, #tpu.memory_space<hbm>>
      %dma_wait3A_155 = arith.constant 0 : i32
      %dma_wait3A_156 = tpu.memref_slice %arg9[%dma_wait3A_155] : memref<10016xf32, #tpu.memory_space<vmem>> -> memref<10000xf32, #tpu.memory_space<vmem>>
      tpu.wait_dma2 semaphore(%run_scoped3A : memref<!tpu.dma_semaphore, #tpu.memory_space<semaphore_mem>>) src(%dma_wait3A_156 : memref<10000xf32, #tpu.memory_space<vmem>>) dst(%dma_wait3A_154 : memref<10000xf32, #tpu.memory_space<hbm>>)
      tpu.yield
    }) : () -> ()
    return
  }
}

#map = affine_map<(d0, d1) -> (0, 0)>
#map1 = affine_map<(d0, d1) -> (0)>
#map2 = affine_map<(d0, d1) -> (0, 0, 0)>
module attributes {stable_mosaic.version = 14 : i64} {
  func.func @body(%arg0: i32, %arg1: i32, %arg2: memref<10000x128xf32, #tpu.memory_space<hbm>>, %arg3: memref<320000xi32, #tpu.memory_space<hbm>>, %arg4: memref<320000xi32, #tpu.memory_space<hbm>>, %arg5: memref<10000x128xf32, #tpu.memory_space<hbm>>, %arg6: memref<2x10000x128xf32, #tpu.memory_space<hbm>>, %arg7: memref<10016x128xf32, #tpu.memory_space<vmem_shared>>, %arg8: memref<80xi32, #tpu.memory_space<vmem>>, %arg9: memref<80xi32, #tpu.memory_space<vmem>>, %arg10: memref<80xi32, #tpu.memory_space<vmem>>, %arg11: memref<80xi32, #tpu.memory_space<vmem>>, %arg12: memref<80xi32, #tpu.memory_space<vmem>>, %arg13: memref<80xi32, #tpu.memory_space<vmem>>, %arg14: memref<80xi32, #tpu.memory_space<vmem>>, %arg15: memref<80xi32, #tpu.memory_space<vmem>>, %arg16: memref<80xi32, #tpu.memory_space<vmem>>, %arg17: memref<80xi32, #tpu.memory_space<vmem>>, %arg18: memref<80xi32, #tpu.memory_space<vmem>>, %arg19: memref<80xi32, #tpu.memory_space<vmem>>, %arg20: memref<!tpu.dma_semaphore, #tpu.memory_space<semaphore_mem>>, %arg21: memref<!tpu.dma_semaphore, #tpu.memory_space<semaphore_mem>>, %arg22: memref<!tpu.dma_semaphore, #tpu.memory_space<semaphore_mem>>, %arg23: memref<!tpu.dma_semaphore, #tpu.memory_space<semaphore_mem>>, %arg24: memref<80x128xf32, #tpu.memory_space<vmem>>, %arg25: memref<80x128xf32, #tpu.memory_space<vmem>>, %arg26: memref<80x128xf32, #tpu.memory_space<vmem>>, %arg27: memref<80x128xf32, #tpu.memory_space<vmem>>, %arg28: memref<!tpu.dma_semaphore, #tpu.memory_space<semaphore_mem>>, %arg29: memref<!tpu.dma_semaphore, #tpu.memory_space<semaphore_mem>>, %arg30: memref<!tpu.dma_semaphore, #tpu.memory_space<semaphore_mem>>, %arg31: memref<!tpu.dma_semaphore, #tpu.memory_space<semaphore_mem>>, %arg32: memref<!tpu.dma_semaphore, #tpu.memory_space<semaphore_mem>>, %arg33: memref<!tpu.dma_semaphore, #tpu.memory_space<semaphore_mem>>, %arg34: memref<!tpu.dma_semaphore, #tpu.memory_space<semaphore_mem>>, %arg35: memref<!tpu.dma_semaphore, #tpu.memory_space<semaphore_mem>>) attributes {dimension_semantics = [#tpu.dimension_semantics<core_parallel>, #tpu.dimension_semantics<subcore_parallel>], iteration_bounds = array<i64: 2, 16>, scalar_prefetch = 0 : i64, scratch_operands = 29 : i64, tpu.core_type = #tpu.core_type<sc_vector_subcore>, window_params = [{transform_indices = #map}, {transform_indices = #map1}, {transform_indices = #map1}, {transform_indices = #map}, {transform_indices = #map2}]} {
    %mul3A = arith.constant 2 : i32
    %mul3A_0 = arith.muli %arg1, %mul3A : i32
    %add3A = arith.addi %mul3A_0, %arg0 : i32
    %mul3A_1 = arith.constant 10000 : i32
    %mul3A_2 = arith.muli %add3A, %mul3A_1 : i32
    %mul3A_3 = arith.constant 624 : i32
    %mul3A_4 = arith.muli %arg1, %mul3A_3 : i32
    "tpu.region"() ({
      %run_scoped3A = tpu.sem_alloc : memref<!tpu.dma_semaphore, #tpu.memory_space<semaphore_mem>>
      %dma_start3A_114 = arith.constant 0 : i32
      %dma_start3A_115 = tpu.memref_slice %arg7[%mul3A_4, %dma_start3A_114] : memref<10016x128xf32, #tpu.memory_space<vmem_shared>> -> memref<624x128xf32, #tpu.memory_space<vmem_shared>>
      %dma_start3A_116 = arith.constant 0 : i32
      %dma_start3A_117 = tpu.memref_slice %arg5[%mul3A_4, %dma_start3A_116] : memref<10000x128xf32, #tpu.memory_space<hbm>> -> memref<624x128xf32, #tpu.memory_space<hbm>>
      tpu.enqueue_dma source(%dma_start3A_117 : memref<624x128xf32, #tpu.memory_space<hbm>>) target(%dma_start3A_115 : memref<624x128xf32, #tpu.memory_space<vmem_shared>>) target_semaphore(%run_scoped3A : memref<!tpu.dma_semaphore, #tpu.memory_space<semaphore_mem>>)
      %dma_wait3A_118 = arith.constant 0 : i32
      %dma_wait3A_119 = tpu.memref_slice %arg7[%mul3A_4, %dma_wait3A_118] : memref<10016x128xf32, #tpu.memory_space<vmem_shared>> -> memref<624x128xf32, #tpu.memory_space<vmem_shared>>
      %dma_wait3A_120 = arith.constant 0 : i32
      %dma_wait3A_121 = tpu.memref_slice %arg5[%mul3A_4, %dma_wait3A_120] : memref<10000x128xf32, #tpu.memory_space<hbm>> -> memref<624x128xf32, #tpu.memory_space<hbm>>
      tpu.wait_dma2 semaphore(%run_scoped3A : memref<!tpu.dma_semaphore, #tpu.memory_space<semaphore_mem>>) src(%dma_wait3A_121 : memref<624x128xf32, #tpu.memory_space<hbm>>) dst(%dma_wait3A_119 : memref<624x128xf32, #tpu.memory_space<vmem_shared>>)
      tpu.yield
    }) : () -> ()
    %eq3A = arith.constant 0 : i32
    %eq3A_5 = arith.cmpi eq, %arg1, %eq3A : i32
    %convert_element_type3A = arith.extui %eq3A_5 : i1 to i32
    %cond3A = arith.constant 0 : i32
    %cond3A_6 = arith.cmpi ne, %convert_element_type3A, %cond3A : i32
    scf.if %cond3A_6 {
      "tpu.region"() ({
        %run_scoped3A = tpu.sem_alloc : memref<!tpu.dma_semaphore, #tpu.memory_space<semaphore_mem>>
        %dma_start3A_114 = arith.constant 9984 : i32
        %dma_start3A_115 = arith.constant 0 : i32
        %dma_start3A_116 = tpu.memref_slice %arg7[%dma_start3A_114, %dma_start3A_115] : memref<10016x128xf32, #tpu.memory_space<vmem_shared>> -> memref<16x128xf32, #tpu.memory_space<vmem_shared>>
        %dma_start3A_117 = arith.constant 9984 : i32
        %dma_start3A_118 = arith.constant 0 : i32
        %dma_start3A_119 = tpu.memref_slice %arg5[%dma_start3A_117, %dma_start3A_118] : memref<10000x128xf32, #tpu.memory_space<hbm>> -> memref<16x128xf32, #tpu.memory_space<hbm>>
        tpu.enqueue_dma source(%dma_start3A_119 : memref<16x128xf32, #tpu.memory_space<hbm>>) target(%dma_start3A_116 : memref<16x128xf32, #tpu.memory_space<vmem_shared>>) target_semaphore(%run_scoped3A : memref<!tpu.dma_semaphore, #tpu.memory_space<semaphore_mem>>)
        %dma_wait3A_120 = arith.constant 9984 : i32
        %dma_wait3A_121 = arith.constant 0 : i32
        %dma_wait3A_122 = tpu.memref_slice %arg7[%dma_wait3A_120, %dma_wait3A_121] : memref<10016x128xf32, #tpu.memory_space<vmem_shared>> -> memref<16x128xf32, #tpu.memory_space<vmem_shared>>
        %dma_wait3A_123 = arith.constant 9984 : i32
        %dma_wait3A_124 = arith.constant 0 : i32
        %dma_wait3A_125 = tpu.memref_slice %arg5[%dma_wait3A_123, %dma_wait3A_124] : memref<10000x128xf32, #tpu.memory_space<hbm>> -> memref<16x128xf32, #tpu.memory_space<hbm>>
        tpu.wait_dma2 semaphore(%run_scoped3A : memref<!tpu.dma_semaphore, #tpu.memory_space<semaphore_mem>>) src(%dma_wait3A_125 : memref<16x128xf32, #tpu.memory_space<hbm>>) dst(%dma_wait3A_122 : memref<16x128xf32, #tpu.memory_space<vmem_shared>>)
        tpu.yield
      }) : () -> ()
    } else {
    }
    %barrier3A = arith.constant 0 : index
    tpu.barrier barrier_id(%barrier3A)
    %broadcast_in_dim3A = arith.constant 1.000000e+00 : f32
    %broadcast_in_dim3A_7 = vector.broadcast %broadcast_in_dim3A : f32 to vector<16xf32>
    %add3A_8 = arith.constant 0 : i32
    %add3A_9 = arith.addi %mul3A_2, %add3A_8 : i32
    %dma_start3A = tpu.memref_slice %arg3[%add3A_9] : memref<320000xi32, #tpu.memory_space<hbm>> -> memref<80xi32, #tpu.memory_space<hbm>>
    %dma_start3A_10 = tpu.memref_slice %arg3[%add3A_9] : memref<320000xi32, #tpu.memory_space<hbm>> -> memref<80xi32, #tpu.memory_space<hbm>>
    tpu.enqueue_dma source(%dma_start3A_10 : memref<80xi32, #tpu.memory_space<hbm>>) target(%arg8 : memref<80xi32, #tpu.memory_space<vmem>>) target_semaphore(%arg20 : memref<!tpu.dma_semaphore, #tpu.memory_space<semaphore_mem>>)
    %dma_start3A_11 = tpu.memref_slice %arg4[%add3A_9] : memref<320000xi32, #tpu.memory_space<hbm>> -> memref<80xi32, #tpu.memory_space<hbm>>
    %dma_start3A_12 = tpu.memref_slice %arg4[%add3A_9] : memref<320000xi32, #tpu.memory_space<hbm>> -> memref<80xi32, #tpu.memory_space<hbm>>
    tpu.enqueue_dma source(%dma_start3A_12 : memref<80xi32, #tpu.memory_space<hbm>>) target(%arg12 : memref<80xi32, #tpu.memory_space<vmem>>) target_semaphore(%arg20 : memref<!tpu.dma_semaphore, #tpu.memory_space<semaphore_mem>>)
    %add3A_13 = arith.constant 80 : i32
    %add3A_14 = arith.addi %mul3A_2, %add3A_13 : i32
    %dma_start3A_15 = tpu.memref_slice %arg3[%add3A_14] : memref<320000xi32, #tpu.memory_space<hbm>> -> memref<80xi32, #tpu.memory_space<hbm>>
    %dma_start3A_16 = tpu.memref_slice %arg3[%add3A_14] : memref<320000xi32, #tpu.memory_space<hbm>> -> memref<80xi32, #tpu.memory_space<hbm>>
    tpu.enqueue_dma source(%dma_start3A_16 : memref<80xi32, #tpu.memory_space<hbm>>) target(%arg9 : memref<80xi32, #tpu.memory_space<vmem>>) target_semaphore(%arg21 : memref<!tpu.dma_semaphore, #tpu.memory_space<semaphore_mem>>)
    %dma_start3A_17 = tpu.memref_slice %arg4[%add3A_14] : memref<320000xi32, #tpu.memory_space<hbm>> -> memref<80xi32, #tpu.memory_space<hbm>>
    %dma_start3A_18 = tpu.memref_slice %arg4[%add3A_14] : memref<320000xi32, #tpu.memory_space<hbm>> -> memref<80xi32, #tpu.memory_space<hbm>>
    tpu.enqueue_dma source(%dma_start3A_18 : memref<80xi32, #tpu.memory_space<hbm>>) target(%arg13 : memref<80xi32, #tpu.memory_space<vmem>>) target_semaphore(%arg21 : memref<!tpu.dma_semaphore, #tpu.memory_space<semaphore_mem>>)
    %add3A_19 = arith.constant 160 : i32
    %add3A_20 = arith.addi %mul3A_2, %add3A_19 : i32
    %dma_start3A_21 = tpu.memref_slice %arg3[%add3A_20] : memref<320000xi32, #tpu.memory_space<hbm>> -> memref<80xi32, #tpu.memory_space<hbm>>
    %dma_start3A_22 = tpu.memref_slice %arg3[%add3A_20] : memref<320000xi32, #tpu.memory_space<hbm>> -> memref<80xi32, #tpu.memory_space<hbm>>
    tpu.enqueue_dma source(%dma_start3A_22 : memref<80xi32, #tpu.memory_space<hbm>>) target(%arg10 : memref<80xi32, #tpu.memory_space<vmem>>) target_semaphore(%arg22 : memref<!tpu.dma_semaphore, #tpu.memory_space<semaphore_mem>>)
    %dma_start3A_23 = tpu.memref_slice %arg4[%add3A_20] : memref<320000xi32, #tpu.memory_space<hbm>> -> memref<80xi32, #tpu.memory_space<hbm>>
    %dma_start3A_24 = tpu.memref_slice %arg4[%add3A_20] : memref<320000xi32, #tpu.memory_space<hbm>> -> memref<80xi32, #tpu.memory_space<hbm>>
    tpu.enqueue_dma source(%dma_start3A_24 : memref<80xi32, #tpu.memory_space<hbm>>) target(%arg14 : memref<80xi32, #tpu.memory_space<vmem>>) target_semaphore(%arg22 : memref<!tpu.dma_semaphore, #tpu.memory_space<semaphore_mem>>)
    %add3A_25 = arith.constant 240 : i32
    %add3A_26 = arith.addi %mul3A_2, %add3A_25 : i32
    %dma_start3A_27 = tpu.memref_slice %arg3[%add3A_26] : memref<320000xi32, #tpu.memory_space<hbm>> -> memref<80xi32, #tpu.memory_space<hbm>>
    %dma_start3A_28 = tpu.memref_slice %arg3[%add3A_26] : memref<320000xi32, #tpu.memory_space<hbm>> -> memref<80xi32, #tpu.memory_space<hbm>>
    tpu.enqueue_dma source(%dma_start3A_28 : memref<80xi32, #tpu.memory_space<hbm>>) target(%arg11 : memref<80xi32, #tpu.memory_space<vmem>>) target_semaphore(%arg23 : memref<!tpu.dma_semaphore, #tpu.memory_space<semaphore_mem>>)
    %dma_start3A_29 = tpu.memref_slice %arg4[%add3A_26] : memref<320000xi32, #tpu.memory_space<hbm>> -> memref<80xi32, #tpu.memory_space<hbm>>
    %dma_start3A_30 = tpu.memref_slice %arg4[%add3A_26] : memref<320000xi32, #tpu.memory_space<hbm>> -> memref<80xi32, #tpu.memory_space<hbm>>
    tpu.enqueue_dma source(%dma_start3A_30 : memref<80xi32, #tpu.memory_space<hbm>>) target(%arg15 : memref<80xi32, #tpu.memory_space<vmem>>) target_semaphore(%arg23 : memref<!tpu.dma_semaphore, #tpu.memory_space<semaphore_mem>>)
    %dma_wait3A = arith.constant 0 : i32
    %dma_wait3A_31 = tpu.memref_slice %arg3[%dma_wait3A] : memref<320000xi32, #tpu.memory_space<hbm>> -> memref<80xi32, #tpu.memory_space<hbm>>
    %dma_wait3A_32 = arith.constant 0 : i32
    %dma_wait3A_33 = tpu.memref_slice %arg3[%dma_wait3A_32] : memref<320000xi32, #tpu.memory_space<hbm>> -> memref<80xi32, #tpu.memory_space<hbm>>
    tpu.wait_dma2 semaphore(%arg20 : memref<!tpu.dma_semaphore, #tpu.memory_space<semaphore_mem>>) src(%dma_wait3A_33 : memref<80xi32, #tpu.memory_space<hbm>>) dst(%arg8 : memref<80xi32, #tpu.memory_space<vmem>>)
    %dma_wait3A_34 = arith.constant 0 : i32
    %dma_wait3A_35 = tpu.memref_slice %arg4[%dma_wait3A_34] : memref<320000xi32, #tpu.memory_space<hbm>> -> memref<80xi32, #tpu.memory_space<hbm>>
    %dma_wait3A_36 = arith.constant 0 : i32
    %dma_wait3A_37 = tpu.memref_slice %arg4[%dma_wait3A_36] : memref<320000xi32, #tpu.memory_space<hbm>> -> memref<80xi32, #tpu.memory_space<hbm>>
    tpu.wait_dma2 semaphore(%arg20 : memref<!tpu.dma_semaphore, #tpu.memory_space<semaphore_mem>>) src(%dma_wait3A_37 : memref<80xi32, #tpu.memory_space<hbm>>) dst(%arg12 : memref<80xi32, #tpu.memory_space<vmem>>)
    %dma_start3A_38 = arith.constant 0 : i32
    %dma_start3A_39 = arith.constant 0 : i32
    %dma_start3A_40 = tpu.memref_slice %arg2[%dma_start3A_38, %dma_start3A_39] : memref<10000x128xf32, #tpu.memory_space<hbm>> -> memref<10000x128xf32, #tpu.memory_space<hbm>>
    tpu.enqueue_indirect_dma source(%dma_start3A_40 : memref<10000x128xf32, #tpu.memory_space<hbm>>) target(%arg24 : memref<80x128xf32, #tpu.memory_space<vmem>>) offsets(%arg8 : memref<80xi32, #tpu.memory_space<vmem>>) semaphore(%arg28 : memref<!tpu.dma_semaphore, #tpu.memory_space<semaphore_mem>>)
    %dma_wait3A_41 = arith.constant 0 : i32
    %dma_wait3A_42 = tpu.memref_slice %arg3[%dma_wait3A_41] : memref<320000xi32, #tpu.memory_space<hbm>> -> memref<80xi32, #tpu.memory_space<hbm>>
    %dma_wait3A_43 = arith.constant 0 : i32
    %dma_wait3A_44 = tpu.memref_slice %arg3[%dma_wait3A_43] : memref<320000xi32, #tpu.memory_space<hbm>> -> memref<80xi32, #tpu.memory_space<hbm>>
    tpu.wait_dma2 semaphore(%arg21 : memref<!tpu.dma_semaphore, #tpu.memory_space<semaphore_mem>>) src(%dma_wait3A_44 : memref<80xi32, #tpu.memory_space<hbm>>) dst(%arg9 : memref<80xi32, #tpu.memory_space<vmem>>)
    %dma_wait3A_45 = arith.constant 0 : i32
    %dma_wait3A_46 = tpu.memref_slice %arg4[%dma_wait3A_45] : memref<320000xi32, #tpu.memory_space<hbm>> -> memref<80xi32, #tpu.memory_space<hbm>>
    %dma_wait3A_47 = arith.constant 0 : i32
    %dma_wait3A_48 = tpu.memref_slice %arg4[%dma_wait3A_47] : memref<320000xi32, #tpu.memory_space<hbm>> -> memref<80xi32, #tpu.memory_space<hbm>>
    tpu.wait_dma2 semaphore(%arg21 : memref<!tpu.dma_semaphore, #tpu.memory_space<semaphore_mem>>) src(%dma_wait3A_48 : memref<80xi32, #tpu.memory_space<hbm>>) dst(%arg13 : memref<80xi32, #tpu.memory_space<vmem>>)
    %dma_start3A_49 = arith.constant 0 : i32
    %dma_start3A_50 = arith.constant 0 : i32
    %dma_start3A_51 = tpu.memref_slice %arg2[%dma_start3A_49, %dma_start3A_50] : memref<10000x128xf32, #tpu.memory_space<hbm>> -> memref<10000x128xf32, #tpu.memory_space<hbm>>
    tpu.enqueue_indirect_dma source(%dma_start3A_51 : memref<10000x128xf32, #tpu.memory_space<hbm>>) target(%arg25 : memref<80x128xf32, #tpu.memory_space<vmem>>) offsets(%arg9 : memref<80xi32, #tpu.memory_space<vmem>>) semaphore(%arg29 : memref<!tpu.dma_semaphore, #tpu.memory_space<semaphore_mem>>)
    %dma_wait3A_52 = arith.constant 0 : i32
    %dma_wait3A_53 = tpu.memref_slice %arg3[%dma_wait3A_52] : memref<320000xi32, #tpu.memory_space<hbm>> -> memref<80xi32, #tpu.memory_space<hbm>>
    %dma_wait3A_54 = arith.constant 0 : i32
    %dma_wait3A_55 = tpu.memref_slice %arg3[%dma_wait3A_54] : memref<320000xi32, #tpu.memory_space<hbm>> -> memref<80xi32, #tpu.memory_space<hbm>>
    tpu.wait_dma2 semaphore(%arg22 : memref<!tpu.dma_semaphore, #tpu.memory_space<semaphore_mem>>) src(%dma_wait3A_55 : memref<80xi32, #tpu.memory_space<hbm>>) dst(%arg10 : memref<80xi32, #tpu.memory_space<vmem>>)
    %dma_wait3A_56 = arith.constant 0 : i32
    %dma_wait3A_57 = tpu.memref_slice %arg4[%dma_wait3A_56] : memref<320000xi32, #tpu.memory_space<hbm>> -> memref<80xi32, #tpu.memory_space<hbm>>
    %dma_wait3A_58 = arith.constant 0 : i32
    %dma_wait3A_59 = tpu.memref_slice %arg4[%dma_wait3A_58] : memref<320000xi32, #tpu.memory_space<hbm>> -> memref<80xi32, #tpu.memory_space<hbm>>
    tpu.wait_dma2 semaphore(%arg22 : memref<!tpu.dma_semaphore, #tpu.memory_space<semaphore_mem>>) src(%dma_wait3A_59 : memref<80xi32, #tpu.memory_space<hbm>>) dst(%arg14 : memref<80xi32, #tpu.memory_space<vmem>>)
    %dma_start3A_60 = arith.constant 0 : i32
    %dma_start3A_61 = arith.constant 0 : i32
    %dma_start3A_62 = tpu.memref_slice %arg2[%dma_start3A_60, %dma_start3A_61] : memref<10000x128xf32, #tpu.memory_space<hbm>> -> memref<10000x128xf32, #tpu.memory_space<hbm>>
    tpu.enqueue_indirect_dma source(%dma_start3A_62 : memref<10000x128xf32, #tpu.memory_space<hbm>>) target(%arg26 : memref<80x128xf32, #tpu.memory_space<vmem>>) offsets(%arg10 : memref<80xi32, #tpu.memory_space<vmem>>) semaphore(%arg30 : memref<!tpu.dma_semaphore, #tpu.memory_space<semaphore_mem>>)
    %scan3A = arith.constant 0 : i32
    %scan3A_63 = arith.constant 31 : i32
    %scan3A_64 = arith.addi %scan3A, %scan3A_63 : i32
    %scan3A_65 = arith.constant 1 : i32
    scf.for %scan3A_114 = %scan3A to %scan3A_64 step %scan3A_65  : i32 {
      %mul3A_115 = arith.constant 4 : i32
      %mul3A_116 = arith.muli %scan3A_114, %mul3A_115 : i32
      %add3A_117 = arith.constant 0 : i32
      %add3A_118 = arith.addi %add3A_117, %mul3A_116 : i32
      %add3A_119 = arith.constant 0 : i32
      %add3A_120 = arith.addi %add3A_118, %add3A_119 : i32
      %dma_wait3A_121 = arith.constant 0 : i32
      %dma_wait3A_122 = arith.constant 0 : i32
      %dma_wait3A_123 = tpu.memref_slice %arg2[%dma_wait3A_121, %dma_wait3A_122] : memref<10000x128xf32, #tpu.memory_space<hbm>> -> memref<80x128xf32, #tpu.memory_space<hbm>>
      %dma_wait3A_124 = arith.constant 0 : i32
      %dma_wait3A_125 = arith.constant 0 : i32
      %dma_wait3A_126 = tpu.memref_slice %arg2[%dma_wait3A_124, %dma_wait3A_125] : memref<10000x128xf32, #tpu.memory_space<hbm>> -> memref<80x128xf32, #tpu.memory_space<hbm>>
      tpu.wait_dma2 semaphore(%arg28 : memref<!tpu.dma_semaphore, #tpu.memory_space<semaphore_mem>>) src(%dma_wait3A_126 : memref<80x128xf32, #tpu.memory_space<hbm>>) dst(%arg24 : memref<80x128xf32, #tpu.memory_space<vmem>>)
      %get3A_127 = arith.constant 0 : index
      %get3A_128 = tpu.vector_load %arg12[%get3A_127] {strides = array<i32>} : memref<80xi32, #tpu.memory_space<vmem>>, vector<16xi32>,
      %swap3A_129 = arith.constant 0 : index
      %swap3A_130 = tpu.vector_load %arg16[%swap3A_129] {strides = array<i32>} : memref<80xi32, #tpu.memory_space<vmem>>, vector<16xi32>,
      tpu.vector_store %arg16[%swap3A_129], %get3A_128 {strides = array<i32>} : memref<80xi32, #tpu.memory_space<vmem>>, vector<16xi32>,
      %get3A_131 = arith.constant 16 : index
      %get3A_132 = tpu.vector_load %arg12[%get3A_131] {strides = array<i32>} : memref<80xi32, #tpu.memory_space<vmem>>, vector<16xi32>,
      %swap3A_133 = arith.constant 16 : index
      %swap3A_134 = tpu.vector_load %arg16[%swap3A_133] {strides = array<i32>} : memref<80xi32, #tpu.memory_space<vmem>>, vector<16xi32>,
      tpu.vector_store %arg16[%swap3A_133], %get3A_132 {strides = array<i32>} : memref<80xi32, #tpu.memory_space<vmem>>, vector<16xi32>,
      %get3A_135 = arith.constant 32 : index
      %get3A_136 = tpu.vector_load %arg12[%get3A_135] {strides = array<i32>} : memref<80xi32, #tpu.memory_space<vmem>>, vector<16xi32>,
      %swap3A_137 = arith.constant 32 : index
      %swap3A_138 = tpu.vector_load %arg16[%swap3A_137] {strides = array<i32>} : memref<80xi32, #tpu.memory_space<vmem>>, vector<16xi32>,
      tpu.vector_store %arg16[%swap3A_137], %get3A_136 {strides = array<i32>} : memref<80xi32, #tpu.memory_space<vmem>>, vector<16xi32>,
      %get3A_139 = arith.constant 48 : index
      %get3A_140 = tpu.vector_load %arg12[%get3A_139] {strides = array<i32>} : memref<80xi32, #tpu.memory_space<vmem>>, vector<16xi32>,
      %swap3A_141 = arith.constant 48 : index
      %swap3A_142 = tpu.vector_load %arg16[%swap3A_141] {strides = array<i32>} : memref<80xi32, #tpu.memory_space<vmem>>, vector<16xi32>,
      tpu.vector_store %arg16[%swap3A_141], %get3A_140 {strides = array<i32>} : memref<80xi32, #tpu.memory_space<vmem>>, vector<16xi32>,
      %get3A_143 = arith.constant 64 : index
      %get3A_144 = tpu.vector_load %arg12[%get3A_143] {strides = array<i32>} : memref<80xi32, #tpu.memory_space<vmem>>, vector<16xi32>,
      %swap3A_145 = arith.constant 64 : index
      %swap3A_146 = tpu.vector_load %arg16[%swap3A_145] {strides = array<i32>} : memref<80xi32, #tpu.memory_space<vmem>>, vector<16xi32>,
      tpu.vector_store %arg16[%swap3A_145], %get3A_144 {strides = array<i32>} : memref<80xi32, #tpu.memory_space<vmem>>, vector<16xi32>,
      %dma_start3A_147 = arith.constant 0 : i32
      %dma_start3A_148 = arith.constant 0 : i32
      %dma_start3A_149 = tpu.memref_slice %arg7[%dma_start3A_147, %dma_start3A_148] : memref<10016x128xf32, #tpu.memory_space<vmem_shared>> -> memref<10016x128xf32, #tpu.memory_space<vmem_shared>>
      tpu.enqueue_indirect_dma source(%arg24 : memref<80x128xf32, #tpu.memory_space<vmem>>) target(%dma_start3A_149 : memref<10016x128xf32, #tpu.memory_space<vmem_shared>>) offsets(%arg16 : memref<80xi32, #tpu.memory_space<vmem>>) semaphore(%arg32 : memref<!tpu.dma_semaphore, #tpu.memory_space<semaphore_mem>>) {add = true}
      %add3A_150 = arith.constant 4 : i32
      %add3A_151 = arith.addi %add3A_120, %add3A_150 : i32
      %lt3A = arith.constant 125 : i32
      %lt3A_152 = arith.cmpi slt, %add3A_151, %lt3A : i32
      %convert_element_type3A_153 = arith.extui %lt3A_152 : i1 to i32
      %cond3A_154 = arith.constant 0 : i32
      %cond3A_155 = arith.cmpi ne, %convert_element_type3A_153, %cond3A_154 : i32
      scf.if %cond3A_155 {
        %mul3A_305 = arith.constant 80 : i32
        %mul3A_306 = arith.muli %add3A_151, %mul3A_305 : i32
        %add3A_307 = arith.addi %mul3A_2, %mul3A_306 : i32
        %dma_start3A_308 = tpu.memref_slice %arg3[%add3A_307] : memref<320000xi32, #tpu.memory_space<hbm>> -> memref<80xi32, #tpu.memory_space<hbm>>
        %dma_start3A_309 = tpu.memref_slice %arg3[%add3A_307] : memref<320000xi32, #tpu.memory_space<hbm>> -> memref<80xi32, #tpu.memory_space<hbm>>
        tpu.enqueue_dma source(%dma_start3A_309 : memref<80xi32, #tpu.memory_space<hbm>>) target(%arg8 : memref<80xi32, #tpu.memory_space<vmem>>) target_semaphore(%arg20 : memref<!tpu.dma_semaphore, #tpu.memory_space<semaphore_mem>>)
        %dma_start3A_310 = tpu.memref_slice %arg4[%add3A_307] : memref<320000xi32, #tpu.memory_space<hbm>> -> memref<80xi32, #tpu.memory_space<hbm>>
        %dma_start3A_311 = tpu.memref_slice %arg4[%add3A_307] : memref<320000xi32, #tpu.memory_space<hbm>> -> memref<80xi32, #tpu.memory_space<hbm>>
        tpu.enqueue_dma source(%dma_start3A_311 : memref<80xi32, #tpu.memory_space<hbm>>) target(%arg12 : memref<80xi32, #tpu.memory_space<vmem>>) target_semaphore(%arg20 : memref<!tpu.dma_semaphore, #tpu.memory_space<semaphore_mem>>)
      } else {
      }
      %add3A_156 = arith.constant 4 : i32
      %add3A_157 = arith.addi %add3A_120, %add3A_156 : i32
      %sub3A = arith.constant 1 : i32
      %sub3A_158 = arith.subi %add3A_157, %sub3A : i32
      %lt3A_159 = arith.constant 125 : i32
      %lt3A_160 = arith.cmpi slt, %sub3A_158, %lt3A_159 : i32
      %convert_element_type3A_161 = arith.extui %lt3A_160 : i1 to i32
      %cond3A_162 = arith.constant 0 : i32
      %cond3A_163 = arith.cmpi ne, %convert_element_type3A_161, %cond3A_162 : i32
      scf.if %cond3A_163 {
        %gt3A = arith.constant 0 : i32
        %gt3A_305 = arith.cmpi sgt, %add3A_120, %gt3A : i32
        %convert_element_type3A_306 = arith.extui %gt3A_305 : i1 to i32
        %cond3A_307 = arith.constant 0 : i32
        %cond3A_308 = arith.cmpi ne, %convert_element_type3A_306, %cond3A_307 : i32
        scf.if %cond3A_308 {
          %dma_wait3A_320 = arith.constant 0 : i32
          %dma_wait3A_321 = arith.constant 0 : i32
          %dma_wait3A_322 = tpu.memref_slice %arg7[%dma_wait3A_320, %dma_wait3A_321] : memref<10016x128xf32, #tpu.memory_space<vmem_shared>> -> memref<10016x128xf32, #tpu.memory_space<vmem_shared>>
          tpu.wait_indirect_dma semaphore(%arg35 : memref<!tpu.dma_semaphore, #tpu.memory_space<semaphore_mem>>) src(%arg27 : memref<80x128xf32, #tpu.memory_space<vmem>>) dst(%dma_wait3A_322 : memref<10016x128xf32, #tpu.memory_space<vmem_shared>>)
        } else {
        }
        %dma_wait3A_309 = arith.constant 0 : i32
        %dma_wait3A_310 = tpu.memref_slice %arg3[%dma_wait3A_309] : memref<320000xi32, #tpu.memory_space<hbm>> -> memref<80xi32, #tpu.memory_space<hbm>>
        %dma_wait3A_311 = arith.constant 0 : i32
        %dma_wait3A_312 = tpu.memref_slice %arg3[%dma_wait3A_311] : memref<320000xi32, #tpu.memory_space<hbm>> -> memref<80xi32, #tpu.memory_space<hbm>>
        tpu.wait_dma2 semaphore(%arg23 : memref<!tpu.dma_semaphore, #tpu.memory_space<semaphore_mem>>) src(%dma_wait3A_312 : memref<80xi32, #tpu.memory_space<hbm>>) dst(%arg11 : memref<80xi32, #tpu.memory_space<vmem>>)
        %dma_wait3A_313 = arith.constant 0 : i32
        %dma_wait3A_314 = tpu.memref_slice %arg4[%dma_wait3A_313] : memref<320000xi32, #tpu.memory_space<hbm>> -> memref<80xi32, #tpu.memory_space<hbm>>
        %dma_wait3A_315 = arith.constant 0 : i32
        %dma_wait3A_316 = tpu.memref_slice %arg4[%dma_wait3A_315] : memref<320000xi32, #tpu.memory_space<hbm>> -> memref<80xi32, #tpu.memory_space<hbm>>
        tpu.wait_dma2 semaphore(%arg23 : memref<!tpu.dma_semaphore, #tpu.memory_space<semaphore_mem>>) src(%dma_wait3A_316 : memref<80xi32, #tpu.memory_space<hbm>>) dst(%arg15 : memref<80xi32, #tpu.memory_space<vmem>>)
        %dma_start3A_317 = arith.constant 0 : i32
        %dma_start3A_318 = arith.constant 0 : i32
        %dma_start3A_319 = tpu.memref_slice %arg2[%dma_start3A_317, %dma_start3A_318] : memref<10000x128xf32, #tpu.memory_space<hbm>> -> memref<10000x128xf32, #tpu.memory_space<hbm>>
        tpu.enqueue_indirect_dma source(%dma_start3A_319 : memref<10000x128xf32, #tpu.memory_space<hbm>>) target(%arg27 : memref<80x128xf32, #tpu.memory_space<vmem>>) offsets(%arg11 : memref<80xi32, #tpu.memory_space<vmem>>) semaphore(%arg31 : memref<!tpu.dma_semaphore, #tpu.memory_space<semaphore_mem>>)
      } else {
      }
      %add3A_164 = arith.constant 1 : i32
      %add3A_165 = arith.addi %add3A_118, %add3A_164 : i32
      %dma_wait3A_166 = arith.constant 0 : i32
      %dma_wait3A_167 = arith.constant 0 : i32
      %dma_wait3A_168 = tpu.memref_slice %arg2[%dma_wait3A_166, %dma_wait3A_167] : memref<10000x128xf32, #tpu.memory_space<hbm>> -> memref<80x128xf32, #tpu.memory_space<hbm>>
      %dma_wait3A_169 = arith.constant 0 : i32
      %dma_wait3A_170 = arith.constant 0 : i32
      %dma_wait3A_171 = tpu.memref_slice %arg2[%dma_wait3A_169, %dma_wait3A_170] : memref<10000x128xf32, #tpu.memory_space<hbm>> -> memref<80x128xf32, #tpu.memory_space<hbm>>
      tpu.wait_dma2 semaphore(%arg29 : memref<!tpu.dma_semaphore, #tpu.memory_space<semaphore_mem>>) src(%dma_wait3A_171 : memref<80x128xf32, #tpu.memory_space<hbm>>) dst(%arg25 : memref<80x128xf32, #tpu.memory_space<vmem>>)
      %get3A_172 = arith.constant 0 : index
      %get3A_173 = tpu.vector_load %arg13[%get3A_172] {strides = array<i32>} : memref<80xi32, #tpu.memory_space<vmem>>, vector<16xi32>,
      %swap3A_174 = arith.constant 0 : index
      %swap3A_175 = tpu.vector_load %arg17[%swap3A_174] {strides = array<i32>} : memref<80xi32, #tpu.memory_space<vmem>>, vector<16xi32>,
      tpu.vector_store %arg17[%swap3A_174], %get3A_173 {strides = array<i32>} : memref<80xi32, #tpu.memory_space<vmem>>, vector<16xi32>,
      %get3A_176 = arith.constant 16 : index
      %get3A_177 = tpu.vector_load %arg13[%get3A_176] {strides = array<i32>} : memref<80xi32, #tpu.memory_space<vmem>>, vector<16xi32>,
      %swap3A_178 = arith.constant 16 : index
      %swap3A_179 = tpu.vector_load %arg17[%swap3A_178] {strides = array<i32>} : memref<80xi32, #tpu.memory_space<vmem>>, vector<16xi32>,
      tpu.vector_store %arg17[%swap3A_178], %get3A_177 {strides = array<i32>} : memref<80xi32, #tpu.memory_space<vmem>>, vector<16xi32>,
      %get3A_180 = arith.constant 32 : index
      %get3A_181 = tpu.vector_load %arg13[%get3A_180] {strides = array<i32>} : memref<80xi32, #tpu.memory_space<vmem>>, vector<16xi32>,
      %swap3A_182 = arith.constant 32 : index
      %swap3A_183 = tpu.vector_load %arg17[%swap3A_182] {strides = array<i32>} : memref<80xi32, #tpu.memory_space<vmem>>, vector<16xi32>,
      tpu.vector_store %arg17[%swap3A_182], %get3A_181 {strides = array<i32>} : memref<80xi32, #tpu.memory_space<vmem>>, vector<16xi32>,
      %get3A_184 = arith.constant 48 : index
      %get3A_185 = tpu.vector_load %arg13[%get3A_184] {strides = array<i32>} : memref<80xi32, #tpu.memory_space<vmem>>, vector<16xi32>,
      %swap3A_186 = arith.constant 48 : index
      %swap3A_187 = tpu.vector_load %arg17[%swap3A_186] {strides = array<i32>} : memref<80xi32, #tpu.memory_space<vmem>>, vector<16xi32>,
      tpu.vector_store %arg17[%swap3A_186], %get3A_185 {strides = array<i32>} : memref<80xi32, #tpu.memory_space<vmem>>, vector<16xi32>,
      %get3A_188 = arith.constant 64 : index
      %get3A_189 = tpu.vector_load %arg13[%get3A_188] {strides = array<i32>} : memref<80xi32, #tpu.memory_space<vmem>>, vector<16xi32>,
      %swap3A_190 = arith.constant 64 : index
      %swap3A_191 = tpu.vector_load %arg17[%swap3A_190] {strides = array<i32>} : memref<80xi32, #tpu.memory_space<vmem>>, vector<16xi32>,
      tpu.vector_store %arg17[%swap3A_190], %get3A_189 {strides = array<i32>} : memref<80xi32, #tpu.memory_space<vmem>>, vector<16xi32>,
      %dma_start3A_192 = arith.constant 0 : i32
      %dma_start3A_193 = arith.constant 0 : i32
      %dma_start3A_194 = tpu.memref_slice %arg7[%dma_start3A_192, %dma_start3A_193] : memref<10016x128xf32, #tpu.memory_space<vmem_shared>> -> memref<10016x128xf32, #tpu.memory_space<vmem_shared>>
      tpu.enqueue_indirect_dma source(%arg25 : memref<80x128xf32, #tpu.memory_space<vmem>>) target(%dma_start3A_194 : memref<10016x128xf32, #tpu.memory_space<vmem_shared>>) offsets(%arg17 : memref<80xi32, #tpu.memory_space<vmem>>) semaphore(%arg33 : memref<!tpu.dma_semaphore, #tpu.memory_space<semaphore_mem>>) {add = true}
      %add3A_195 = arith.constant 4 : i32
      %add3A_196 = arith.addi %add3A_165, %add3A_195 : i32
      %lt3A_197 = arith.constant 125 : i32
      %lt3A_198 = arith.cmpi slt, %add3A_196, %lt3A_197 : i32
      %convert_element_type3A_199 = arith.extui %lt3A_198 : i1 to i32
      %cond3A_200 = arith.constant 0 : i32
      %cond3A_201 = arith.cmpi ne, %convert_element_type3A_199, %cond3A_200 : i32
      scf.if %cond3A_201 {
        %mul3A_305 = arith.constant 80 : i32
        %mul3A_306 = arith.muli %add3A_196, %mul3A_305 : i32
        %add3A_307 = arith.addi %mul3A_2, %mul3A_306 : i32
        %dma_start3A_308 = tpu.memref_slice %arg3[%add3A_307] : memref<320000xi32, #tpu.memory_space<hbm>> -> memref<80xi32, #tpu.memory_space<hbm>>
        %dma_start3A_309 = tpu.memref_slice %arg3[%add3A_307] : memref<320000xi32, #tpu.memory_space<hbm>> -> memref<80xi32, #tpu.memory_space<hbm>>
        tpu.enqueue_dma source(%dma_start3A_309 : memref<80xi32, #tpu.memory_space<hbm>>) target(%arg9 : memref<80xi32, #tpu.memory_space<vmem>>) target_semaphore(%arg21 : memref<!tpu.dma_semaphore, #tpu.memory_space<semaphore_mem>>)
        %dma_start3A_310 = tpu.memref_slice %arg4[%add3A_307] : memref<320000xi32, #tpu.memory_space<hbm>> -> memref<80xi32, #tpu.memory_space<hbm>>
        %dma_start3A_311 = tpu.memref_slice %arg4[%add3A_307] : memref<320000xi32, #tpu.memory_space<hbm>> -> memref<80xi32, #tpu.memory_space<hbm>>
        tpu.enqueue_dma source(%dma_start3A_311 : memref<80xi32, #tpu.memory_space<hbm>>) target(%arg13 : memref<80xi32, #tpu.memory_space<vmem>>) target_semaphore(%arg21 : memref<!tpu.dma_semaphore, #tpu.memory_space<semaphore_mem>>)
      } else {
      }
      %add3A_202 = arith.constant 4 : i32
      %add3A_203 = arith.addi %add3A_165, %add3A_202 : i32
      %sub3A_204 = arith.constant 1 : i32
      %sub3A_205 = arith.subi %add3A_203, %sub3A_204 : i32
      %lt3A_206 = arith.constant 125 : i32
      %lt3A_207 = arith.cmpi slt, %sub3A_205, %lt3A_206 : i32
      %convert_element_type3A_208 = arith.extui %lt3A_207 : i1 to i32
      %cond3A_209 = arith.constant 0 : i32
      %cond3A_210 = arith.cmpi ne, %convert_element_type3A_208, %cond3A_209 : i32
      scf.if %cond3A_210 {
        %gt3A = arith.constant 0 : i32
        %gt3A_305 = arith.cmpi sgt, %add3A_165, %gt3A : i32
        %convert_element_type3A_306 = arith.extui %gt3A_305 : i1 to i32
        %cond3A_307 = arith.constant 0 : i32
        %cond3A_308 = arith.cmpi ne, %convert_element_type3A_306, %cond3A_307 : i32
        scf.if %cond3A_308 {
          %dma_wait3A_320 = arith.constant 0 : i32
          %dma_wait3A_321 = arith.constant 0 : i32
          %dma_wait3A_322 = tpu.memref_slice %arg7[%dma_wait3A_320, %dma_wait3A_321] : memref<10016x128xf32, #tpu.memory_space<vmem_shared>> -> memref<10016x128xf32, #tpu.memory_space<vmem_shared>>
          tpu.wait_indirect_dma semaphore(%arg32 : memref<!tpu.dma_semaphore, #tpu.memory_space<semaphore_mem>>) src(%arg24 : memref<80x128xf32, #tpu.memory_space<vmem>>) dst(%dma_wait3A_322 : memref<10016x128xf32, #tpu.memory_space<vmem_shared>>)
        } else {
        }
        %dma_wait3A_309 = arith.constant 0 : i32
        %dma_wait3A_310 = tpu.memref_slice %arg3[%dma_wait3A_309] : memref<320000xi32, #tpu.memory_space<hbm>> -> memref<80xi32, #tpu.memory_space<hbm>>
        %dma_wait3A_311 = arith.constant 0 : i32
        %dma_wait3A_312 = tpu.memref_slice %arg3[%dma_wait3A_311] : memref<320000xi32, #tpu.memory_space<hbm>> -> memref<80xi32, #tpu.memory_space<hbm>>
        tpu.wait_dma2 semaphore(%arg20 : memref<!tpu.dma_semaphore, #tpu.memory_space<semaphore_mem>>) src(%dma_wait3A_312 : memref<80xi32, #tpu.memory_space<hbm>>) dst(%arg8 : memref<80xi32, #tpu.memory_space<vmem>>)
        %dma_wait3A_313 = arith.constant 0 : i32
        %dma_wait3A_314 = tpu.memref_slice %arg4[%dma_wait3A_313] : memref<320000xi32, #tpu.memory_space<hbm>> -> memref<80xi32, #tpu.memory_space<hbm>>
        %dma_wait3A_315 = arith.constant 0 : i32
        %dma_wait3A_316 = tpu.memref_slice %arg4[%dma_wait3A_315] : memref<320000xi32, #tpu.memory_space<hbm>> -> memref<80xi32, #tpu.memory_space<hbm>>
        tpu.wait_dma2 semaphore(%arg20 : memref<!tpu.dma_semaphore, #tpu.memory_space<semaphore_mem>>) src(%dma_wait3A_316 : memref<80xi32, #tpu.memory_space<hbm>>) dst(%arg12 : memref<80xi32, #tpu.memory_space<vmem>>)
        %dma_start3A_317 = arith.constant 0 : i32
        %dma_start3A_318 = arith.constant 0 : i32
        %dma_start3A_319 = tpu.memref_slice %arg2[%dma_start3A_317, %dma_start3A_318] : memref<10000x128xf32, #tpu.memory_space<hbm>> -> memref<10000x128xf32, #tpu.memory_space<hbm>>
        tpu.enqueue_indirect_dma source(%dma_start3A_319 : memref<10000x128xf32, #tpu.memory_space<hbm>>) target(%arg24 : memref<80x128xf32, #tpu.memory_space<vmem>>) offsets(%arg8 : memref<80xi32, #tpu.memory_space<vmem>>) semaphore(%arg28 : memref<!tpu.dma_semaphore, #tpu.memory_space<semaphore_mem>>)
      } else {
      }
      %add3A_211 = arith.constant 2 : i32
      %add3A_212 = arith.addi %add3A_118, %add3A_211 : i32
      %dma_wait3A_213 = arith.constant 0 : i32
      %dma_wait3A_214 = arith.constant 0 : i32
      %dma_wait3A_215 = tpu.memref_slice %arg2[%dma_wait3A_213, %dma_wait3A_214] : memref<10000x128xf32, #tpu.memory_space<hbm>> -> memref<80x128xf32, #tpu.memory_space<hbm>>
      %dma_wait3A_216 = arith.constant 0 : i32
      %dma_wait3A_217 = arith.constant 0 : i32
      %dma_wait3A_218 = tpu.memref_slice %arg2[%dma_wait3A_216, %dma_wait3A_217] : memref<10000x128xf32, #tpu.memory_space<hbm>> -> memref<80x128xf32, #tpu.memory_space<hbm>>
      tpu.wait_dma2 semaphore(%arg30 : memref<!tpu.dma_semaphore, #tpu.memory_space<semaphore_mem>>) src(%dma_wait3A_218 : memref<80x128xf32, #tpu.memory_space<hbm>>) dst(%arg26 : memref<80x128xf32, #tpu.memory_space<vmem>>)
      %get3A_219 = arith.constant 0 : index
      %get3A_220 = tpu.vector_load %arg14[%get3A_219] {strides = array<i32>} : memref<80xi32, #tpu.memory_space<vmem>>, vector<16xi32>,
      %swap3A_221 = arith.constant 0 : index
      %swap3A_222 = tpu.vector_load %arg18[%swap3A_221] {strides = array<i32>} : memref<80xi32, #tpu.memory_space<vmem>>, vector<16xi32>,
      tpu.vector_store %arg18[%swap3A_221], %get3A_220 {strides = array<i32>} : memref<80xi32, #tpu.memory_space<vmem>>, vector<16xi32>,
      %get3A_223 = arith.constant 16 : index
      %get3A_224 = tpu.vector_load %arg14[%get3A_223] {strides = array<i32>} : memref<80xi32, #tpu.memory_space<vmem>>, vector<16xi32>,
      %swap3A_225 = arith.constant 16 : index
      %swap3A_226 = tpu.vector_load %arg18[%swap3A_225] {strides = array<i32>} : memref<80xi32, #tpu.memory_space<vmem>>, vector<16xi32>,
      tpu.vector_store %arg18[%swap3A_225], %get3A_224 {strides = array<i32>} : memref<80xi32, #tpu.memory_space<vmem>>, vector<16xi32>,
      %get3A_227 = arith.constant 32 : index
      %get3A_228 = tpu.vector_load %arg14[%get3A_227] {strides = array<i32>} : memref<80xi32, #tpu.memory_space<vmem>>, vector<16xi32>,
      %swap3A_229 = arith.constant 32 : index
      %swap3A_230 = tpu.vector_load %arg18[%swap3A_229] {strides = array<i32>} : memref<80xi32, #tpu.memory_space<vmem>>, vector<16xi32>,
      tpu.vector_store %arg18[%swap3A_229], %get3A_228 {strides = array<i32>} : memref<80xi32, #tpu.memory_space<vmem>>, vector<16xi32>,
      %get3A_231 = arith.constant 48 : index
      %get3A_232 = tpu.vector_load %arg14[%get3A_231] {strides = array<i32>} : memref<80xi32, #tpu.memory_space<vmem>>, vector<16xi32>,
      %swap3A_233 = arith.constant 48 : index
      %swap3A_234 = tpu.vector_load %arg18[%swap3A_233] {strides = array<i32>} : memref<80xi32, #tpu.memory_space<vmem>>, vector<16xi32>,
      tpu.vector_store %arg18[%swap3A_233], %get3A_232 {strides = array<i32>} : memref<80xi32, #tpu.memory_space<vmem>>, vector<16xi32>,
      %get3A_235 = arith.constant 64 : index
      %get3A_236 = tpu.vector_load %arg14[%get3A_235] {strides = array<i32>} : memref<80xi32, #tpu.memory_space<vmem>>, vector<16xi32>,
      %swap3A_237 = arith.constant 64 : index
      %swap3A_238 = tpu.vector_load %arg18[%swap3A_237] {strides = array<i32>} : memref<80xi32, #tpu.memory_space<vmem>>, vector<16xi32>,
      tpu.vector_store %arg18[%swap3A_237], %get3A_236 {strides = array<i32>} : memref<80xi32, #tpu.memory_space<vmem>>, vector<16xi32>,
      %dma_start3A_239 = arith.constant 0 : i32
      %dma_start3A_240 = arith.constant 0 : i32
      %dma_start3A_241 = tpu.memref_slice %arg7[%dma_start3A_239, %dma_start3A_240] : memref<10016x128xf32, #tpu.memory_space<vmem_shared>> -> memref<10016x128xf32, #tpu.memory_space<vmem_shared>>
      tpu.enqueue_indirect_dma source(%arg26 : memref<80x128xf32, #tpu.memory_space<vmem>>) target(%dma_start3A_241 : memref<10016x128xf32, #tpu.memory_space<vmem_shared>>) offsets(%arg18 : memref<80xi32, #tpu.memory_space<vmem>>) semaphore(%arg34 : memref<!tpu.dma_semaphore, #tpu.memory_space<semaphore_mem>>) {add = true}
      %add3A_242 = arith.constant 4 : i32
      %add3A_243 = arith.addi %add3A_212, %add3A_242 : i32
      %lt3A_244 = arith.constant 125 : i32
      %lt3A_245 = arith.cmpi slt, %add3A_243, %lt3A_244 : i32
      %convert_element_type3A_246 = arith.extui %lt3A_245 : i1 to i32
      %cond3A_247 = arith.constant 0 : i32
      %cond3A_248 = arith.cmpi ne, %convert_element_type3A_246, %cond3A_247 : i32
      scf.if %cond3A_248 {
        %mul3A_305 = arith.constant 80 : i32
        %mul3A_306 = arith.muli %add3A_243, %mul3A_305 : i32
        %add3A_307 = arith.addi %mul3A_2, %mul3A_306 : i32
        %dma_start3A_308 = tpu.memref_slice %arg3[%add3A_307] : memref<320000xi32, #tpu.memory_space<hbm>> -> memref<80xi32, #tpu.memory_space<hbm>>
        %dma_start3A_309 = tpu.memref_slice %arg3[%add3A_307] : memref<320000xi32, #tpu.memory_space<hbm>> -> memref<80xi32, #tpu.memory_space<hbm>>
        tpu.enqueue_dma source(%dma_start3A_309 : memref<80xi32, #tpu.memory_space<hbm>>) target(%arg10 : memref<80xi32, #tpu.memory_space<vmem>>) target_semaphore(%arg22 : memref<!tpu.dma_semaphore, #tpu.memory_space<semaphore_mem>>)
        %dma_start3A_310 = tpu.memref_slice %arg4[%add3A_307] : memref<320000xi32, #tpu.memory_space<hbm>> -> memref<80xi32, #tpu.memory_space<hbm>>
        %dma_start3A_311 = tpu.memref_slice %arg4[%add3A_307] : memref<320000xi32, #tpu.memory_space<hbm>> -> memref<80xi32, #tpu.memory_space<hbm>>
        tpu.enqueue_dma source(%dma_start3A_311 : memref<80xi32, #tpu.memory_space<hbm>>) target(%arg14 : memref<80xi32, #tpu.memory_space<vmem>>) target_semaphore(%arg22 : memref<!tpu.dma_semaphore, #tpu.memory_space<semaphore_mem>>)
      } else {
      }
      %add3A_249 = arith.constant 4 : i32
      %add3A_250 = arith.addi %add3A_212, %add3A_249 : i32
      %sub3A_251 = arith.constant 1 : i32
      %sub3A_252 = arith.subi %add3A_250, %sub3A_251 : i32
      %lt3A_253 = arith.constant 125 : i32
      %lt3A_254 = arith.cmpi slt, %sub3A_252, %lt3A_253 : i32
      %convert_element_type3A_255 = arith.extui %lt3A_254 : i1 to i32
      %cond3A_256 = arith.constant 0 : i32
      %cond3A_257 = arith.cmpi ne, %convert_element_type3A_255, %cond3A_256 : i32
      scf.if %cond3A_257 {
        %gt3A = arith.constant 0 : i32
        %gt3A_305 = arith.cmpi sgt, %add3A_212, %gt3A : i32
        %convert_element_type3A_306 = arith.extui %gt3A_305 : i1 to i32
        %cond3A_307 = arith.constant 0 : i32
        %cond3A_308 = arith.cmpi ne, %convert_element_type3A_306, %cond3A_307 : i32
        scf.if %cond3A_308 {
          %dma_wait3A_320 = arith.constant 0 : i32
          %dma_wait3A_321 = arith.constant 0 : i32
          %dma_wait3A_322 = tpu.memref_slice %arg7[%dma_wait3A_320, %dma_wait3A_321] : memref<10016x128xf32, #tpu.memory_space<vmem_shared>> -> memref<10016x128xf32, #tpu.memory_space<vmem_shared>>
          tpu.wait_indirect_dma semaphore(%arg33 : memref<!tpu.dma_semaphore, #tpu.memory_space<semaphore_mem>>) src(%arg25 : memref<80x128xf32, #tpu.memory_space<vmem>>) dst(%dma_wait3A_322 : memref<10016x128xf32, #tpu.memory_space<vmem_shared>>)
        } else {
        }
        %dma_wait3A_309 = arith.constant 0 : i32
        %dma_wait3A_310 = tpu.memref_slice %arg3[%dma_wait3A_309] : memref<320000xi32, #tpu.memory_space<hbm>> -> memref<80xi32, #tpu.memory_space<hbm>>
        %dma_wait3A_311 = arith.constant 0 : i32
        %dma_wait3A_312 = tpu.memref_slice %arg3[%dma_wait3A_311] : memref<320000xi32, #tpu.memory_space<hbm>> -> memref<80xi32, #tpu.memory_space<hbm>>
        tpu.wait_dma2 semaphore(%arg21 : memref<!tpu.dma_semaphore, #tpu.memory_space<semaphore_mem>>) src(%dma_wait3A_312 : memref<80xi32, #tpu.memory_space<hbm>>) dst(%arg9 : memref<80xi32, #tpu.memory_space<vmem>>)
        %dma_wait3A_313 = arith.constant 0 : i32
        %dma_wait3A_314 = tpu.memref_slice %arg4[%dma_wait3A_313] : memref<320000xi32, #tpu.memory_space<hbm>> -> memref<80xi32, #tpu.memory_space<hbm>>
        %dma_wait3A_315 = arith.constant 0 : i32
        %dma_wait3A_316 = tpu.memref_slice %arg4[%dma_wait3A_315] : memref<320000xi32, #tpu.memory_space<hbm>> -> memref<80xi32, #tpu.memory_space<hbm>>
        tpu.wait_dma2 semaphore(%arg21 : memref<!tpu.dma_semaphore, #tpu.memory_space<semaphore_mem>>) src(%dma_wait3A_316 : memref<80xi32, #tpu.memory_space<hbm>>) dst(%arg13 : memref<80xi32, #tpu.memory_space<vmem>>)
        %dma_start3A_317 = arith.constant 0 : i32
        %dma_start3A_318 = arith.constant 0 : i32
        %dma_start3A_319 = tpu.memref_slice %arg2[%dma_start3A_317, %dma_start3A_318] : memref<10000x128xf32, #tpu.memory_space<hbm>> -> memref<10000x128xf32, #tpu.memory_space<hbm>>
        tpu.enqueue_indirect_dma source(%dma_start3A_319 : memref<10000x128xf32, #tpu.memory_space<hbm>>) target(%arg25 : memref<80x128xf32, #tpu.memory_space<vmem>>) offsets(%arg9 : memref<80xi32, #tpu.memory_space<vmem>>) semaphore(%arg29 : memref<!tpu.dma_semaphore, #tpu.memory_space<semaphore_mem>>)
      } else {
      }
      %add3A_258 = arith.constant 3 : i32
      %add3A_259 = arith.addi %add3A_118, %add3A_258 : i32
      %dma_wait3A_260 = arith.constant 0 : i32
      %dma_wait3A_261 = arith.constant 0 : i32
      %dma_wait3A_262 = tpu.memref_slice %arg2[%dma_wait3A_260, %dma_wait3A_261] : memref<10000x128xf32, #tpu.memory_space<hbm>> -> memref<80x128xf32, #tpu.memory_space<hbm>>
      %dma_wait3A_263 = arith.constant 0 : i32
      %dma_wait3A_264 = arith.constant 0 : i32
      %dma_wait3A_265 = tpu.memref_slice %arg2[%dma_wait3A_263, %dma_wait3A_264] : memref<10000x128xf32, #tpu.memory_space<hbm>> -> memref<80x128xf32, #tpu.memory_space<hbm>>
      tpu.wait_dma2 semaphore(%arg31 : memref<!tpu.dma_semaphore, #tpu.memory_space<semaphore_mem>>) src(%dma_wait3A_265 : memref<80x128xf32, #tpu.memory_space<hbm>>) dst(%arg27 : memref<80x128xf32, #tpu.memory_space<vmem>>)
      %get3A_266 = arith.constant 0 : index
      %get3A_267 = tpu.vector_load %arg15[%get3A_266] {strides = array<i32>} : memref<80xi32, #tpu.memory_space<vmem>>, vector<16xi32>,
      %swap3A_268 = arith.constant 0 : index
      %swap3A_269 = tpu.vector_load %arg19[%swap3A_268] {strides = array<i32>} : memref<80xi32, #tpu.memory_space<vmem>>, vector<16xi32>,
      tpu.vector_store %arg19[%swap3A_268], %get3A_267 {strides = array<i32>} : memref<80xi32, #tpu.memory_space<vmem>>, vector<16xi32>,
      %get3A_270 = arith.constant 16 : index
      %get3A_271 = tpu.vector_load %arg15[%get3A_270] {strides = array<i32>} : memref<80xi32, #tpu.memory_space<vmem>>, vector<16xi32>,
      %swap3A_272 = arith.constant 16 : index
      %swap3A_273 = tpu.vector_load %arg19[%swap3A_272] {strides = array<i32>} : memref<80xi32, #tpu.memory_space<vmem>>, vector<16xi32>,
      tpu.vector_store %arg19[%swap3A_272], %get3A_271 {strides = array<i32>} : memref<80xi32, #tpu.memory_space<vmem>>, vector<16xi32>,
      %get3A_274 = arith.constant 32 : index
      %get3A_275 = tpu.vector_load %arg15[%get3A_274] {strides = array<i32>} : memref<80xi32, #tpu.memory_space<vmem>>, vector<16xi32>,
      %swap3A_276 = arith.constant 32 : index
      %swap3A_277 = tpu.vector_load %arg19[%swap3A_276] {strides = array<i32>} : memref<80xi32, #tpu.memory_space<vmem>>, vector<16xi32>,
      tpu.vector_store %arg19[%swap3A_276], %get3A_275 {strides = array<i32>} : memref<80xi32, #tpu.memory_space<vmem>>, vector<16xi32>,
      %get3A_278 = arith.constant 48 : index
      %get3A_279 = tpu.vector_load %arg15[%get3A_278] {strides = array<i32>} : memref<80xi32, #tpu.memory_space<vmem>>, vector<16xi32>,
      %swap3A_280 = arith.constant 48 : index
      %swap3A_281 = tpu.vector_load %arg19[%swap3A_280] {strides = array<i32>} : memref<80xi32, #tpu.memory_space<vmem>>, vector<16xi32>,
      tpu.vector_store %arg19[%swap3A_280], %get3A_279 {strides = array<i32>} : memref<80xi32, #tpu.memory_space<vmem>>, vector<16xi32>,
      %get3A_282 = arith.constant 64 : index
      %get3A_283 = tpu.vector_load %arg15[%get3A_282] {strides = array<i32>} : memref<80xi32, #tpu.memory_space<vmem>>, vector<16xi32>,
      %swap3A_284 = arith.constant 64 : index
      %swap3A_285 = tpu.vector_load %arg19[%swap3A_284] {strides = array<i32>} : memref<80xi32, #tpu.memory_space<vmem>>, vector<16xi32>,
      tpu.vector_store %arg19[%swap3A_284], %get3A_283 {strides = array<i32>} : memref<80xi32, #tpu.memory_space<vmem>>, vector<16xi32>,
      %dma_start3A_286 = arith.constant 0 : i32
      %dma_start3A_287 = arith.constant 0 : i32
      %dma_start3A_288 = tpu.memref_slice %arg7[%dma_start3A_286, %dma_start3A_287] : memref<10016x128xf32, #tpu.memory_space<vmem_shared>> -> memref<10016x128xf32, #tpu.memory_space<vmem_shared>>
      tpu.enqueue_indirect_dma source(%arg27 : memref<80x128xf32, #tpu.memory_space<vmem>>) target(%dma_start3A_288 : memref<10016x128xf32, #tpu.memory_space<vmem_shared>>) offsets(%arg19 : memref<80xi32, #tpu.memory_space<vmem>>) semaphore(%arg35 : memref<!tpu.dma_semaphore, #tpu.memory_space<semaphore_mem>>) {add = true}
      %add3A_289 = arith.constant 4 : i32
      %add3A_290 = arith.addi %add3A_259, %add3A_289 : i32
      %lt3A_291 = arith.constant 125 : i32
      %lt3A_292 = arith.cmpi slt, %add3A_290, %lt3A_291 : i32
      %convert_element_type3A_293 = arith.extui %lt3A_292 : i1 to i32
      %cond3A_294 = arith.constant 0 : i32
      %cond3A_295 = arith.cmpi ne, %convert_element_type3A_293, %cond3A_294 : i32
      scf.if %cond3A_295 {
        %mul3A_305 = arith.constant 80 : i32
        %mul3A_306 = arith.muli %add3A_290, %mul3A_305 : i32
        %add3A_307 = arith.addi %mul3A_2, %mul3A_306 : i32
        %dma_start3A_308 = tpu.memref_slice %arg3[%add3A_307] : memref<320000xi32, #tpu.memory_space<hbm>> -> memref<80xi32, #tpu.memory_space<hbm>>
        %dma_start3A_309 = tpu.memref_slice %arg3[%add3A_307] : memref<320000xi32, #tpu.memory_space<hbm>> -> memref<80xi32, #tpu.memory_space<hbm>>
        tpu.enqueue_dma source(%dma_start3A_309 : memref<80xi32, #tpu.memory_space<hbm>>) target(%arg11 : memref<80xi32, #tpu.memory_space<vmem>>) target_semaphore(%arg23 : memref<!tpu.dma_semaphore, #tpu.memory_space<semaphore_mem>>)
        %dma_start3A_310 = tpu.memref_slice %arg4[%add3A_307] : memref<320000xi32, #tpu.memory_space<hbm>> -> memref<80xi32, #tpu.memory_space<hbm>>
        %dma_start3A_311 = tpu.memref_slice %arg4[%add3A_307] : memref<320000xi32, #tpu.memory_space<hbm>> -> memref<80xi32, #tpu.memory_space<hbm>>
        tpu.enqueue_dma source(%dma_start3A_311 : memref<80xi32, #tpu.memory_space<hbm>>) target(%arg15 : memref<80xi32, #tpu.memory_space<vmem>>) target_semaphore(%arg23 : memref<!tpu.dma_semaphore, #tpu.memory_space<semaphore_mem>>)
      } else {
      }
      %add3A_296 = arith.constant 4 : i32
      %add3A_297 = arith.addi %add3A_259, %add3A_296 : i32
      %sub3A_298 = arith.constant 1 : i32
      %sub3A_299 = arith.subi %add3A_297, %sub3A_298 : i32
      %lt3A_300 = arith.constant 125 : i32
      %lt3A_301 = arith.cmpi slt, %sub3A_299, %lt3A_300 : i32
      %convert_element_type3A_302 = arith.extui %lt3A_301 : i1 to i32
      %cond3A_303 = arith.constant 0 : i32
      %cond3A_304 = arith.cmpi ne, %convert_element_type3A_302, %cond3A_303 : i32
      scf.if %cond3A_304 {
        %gt3A = arith.constant 0 : i32
        %gt3A_305 = arith.cmpi sgt, %add3A_259, %gt3A : i32
        %convert_element_type3A_306 = arith.extui %gt3A_305 : i1 to i32
        %cond3A_307 = arith.constant 0 : i32
        %cond3A_308 = arith.cmpi ne, %convert_element_type3A_306, %cond3A_307 : i32
        scf.if %cond3A_308 {
          %dma_wait3A_320 = arith.constant 0 : i32
          %dma_wait3A_321 = arith.constant 0 : i32
          %dma_wait3A_322 = tpu.memref_slice %arg7[%dma_wait3A_320, %dma_wait3A_321] : memref<10016x128xf32, #tpu.memory_space<vmem_shared>> -> memref<10016x128xf32, #tpu.memory_space<vmem_shared>>
          tpu.wait_indirect_dma semaphore(%arg34 : memref<!tpu.dma_semaphore, #tpu.memory_space<semaphore_mem>>) src(%arg26 : memref<80x128xf32, #tpu.memory_space<vmem>>) dst(%dma_wait3A_322 : memref<10016x128xf32, #tpu.memory_space<vmem_shared>>)
        } else {
        }
        %dma_wait3A_309 = arith.constant 0 : i32
        %dma_wait3A_310 = tpu.memref_slice %arg3[%dma_wait3A_309] : memref<320000xi32, #tpu.memory_space<hbm>> -> memref<80xi32, #tpu.memory_space<hbm>>
        %dma_wait3A_311 = arith.constant 0 : i32
        %dma_wait3A_312 = tpu.memref_slice %arg3[%dma_wait3A_311] : memref<320000xi32, #tpu.memory_space<hbm>> -> memref<80xi32, #tpu.memory_space<hbm>>
        tpu.wait_dma2 semaphore(%arg22 : memref<!tpu.dma_semaphore, #tpu.memory_space<semaphore_mem>>) src(%dma_wait3A_312 : memref<80xi32, #tpu.memory_space<hbm>>) dst(%arg10 : memref<80xi32, #tpu.memory_space<vmem>>)
        %dma_wait3A_313 = arith.constant 0 : i32
        %dma_wait3A_314 = tpu.memref_slice %arg4[%dma_wait3A_313] : memref<320000xi32, #tpu.memory_space<hbm>> -> memref<80xi32, #tpu.memory_space<hbm>>
        %dma_wait3A_315 = arith.constant 0 : i32
        %dma_wait3A_316 = tpu.memref_slice %arg4[%dma_wait3A_315] : memref<320000xi32, #tpu.memory_space<hbm>> -> memref<80xi32, #tpu.memory_space<hbm>>
        tpu.wait_dma2 semaphore(%arg22 : memref<!tpu.dma_semaphore, #tpu.memory_space<semaphore_mem>>) src(%dma_wait3A_316 : memref<80xi32, #tpu.memory_space<hbm>>) dst(%arg14 : memref<80xi32, #tpu.memory_space<vmem>>)
        %dma_start3A_317 = arith.constant 0 : i32
        %dma_start3A_318 = arith.constant 0 : i32
        %dma_start3A_319 = tpu.memref_slice %arg2[%dma_start3A_317, %dma_start3A_318] : memref<10000x128xf32, #tpu.memory_space<hbm>> -> memref<10000x128xf32, #tpu.memory_space<hbm>>
        tpu.enqueue_indirect_dma source(%dma_start3A_319 : memref<10000x128xf32, #tpu.memory_space<hbm>>) target(%arg26 : memref<80x128xf32, #tpu.memory_space<vmem>>) offsets(%arg10 : memref<80xi32, #tpu.memory_space<vmem>>) semaphore(%arg30 : memref<!tpu.dma_semaphore, #tpu.memory_space<semaphore_mem>>)
      } else {
      }
    }
    %scan3A_66 = arith.constant 31 : i32
    %dma_wait3A_67 = arith.constant 0 : i32
    %dma_wait3A_68 = arith.constant 0 : i32
    %dma_wait3A_69 = tpu.memref_slice %arg2[%dma_wait3A_67, %dma_wait3A_68] : memref<10000x128xf32, #tpu.memory_space<hbm>> -> memref<80x128xf32, #tpu.memory_space<hbm>>
    %dma_wait3A_70 = arith.constant 0 : i32
    %dma_wait3A_71 = arith.constant 0 : i32
    %dma_wait3A_72 = tpu.memref_slice %arg2[%dma_wait3A_70, %dma_wait3A_71] : memref<10000x128xf32, #tpu.memory_space<hbm>> -> memref<80x128xf32, #tpu.memory_space<hbm>>
    tpu.wait_dma2 semaphore(%arg28 : memref<!tpu.dma_semaphore, #tpu.memory_space<semaphore_mem>>) src(%dma_wait3A_72 : memref<80x128xf32, #tpu.memory_space<hbm>>) dst(%arg24 : memref<80x128xf32, #tpu.memory_space<vmem>>)
    %get3A = arith.constant 0 : index
    %get3A_73 = tpu.vector_load %arg12[%get3A] {strides = array<i32>} : memref<80xi32, #tpu.memory_space<vmem>>, vector<16xi32>,
    %swap3A = arith.constant 0 : index
    %swap3A_74 = tpu.vector_load %arg16[%swap3A] {strides = array<i32>} : memref<80xi32, #tpu.memory_space<vmem>>, vector<16xi32>,
    tpu.vector_store %arg16[%swap3A], %get3A_73 {strides = array<i32>} : memref<80xi32, #tpu.memory_space<vmem>>, vector<16xi32>,
    %get3A_75 = arith.constant 16 : index
    %get3A_76 = tpu.vector_load %arg12[%get3A_75] {strides = array<i32>} : memref<80xi32, #tpu.memory_space<vmem>>, vector<16xi32>,
    %swap3A_77 = arith.constant 16 : index
    %swap3A_78 = tpu.vector_load %arg16[%swap3A_77] {strides = array<i32>} : memref<80xi32, #tpu.memory_space<vmem>>, vector<16xi32>,
    tpu.vector_store %arg16[%swap3A_77], %get3A_76 {strides = array<i32>} : memref<80xi32, #tpu.memory_space<vmem>>, vector<16xi32>,
    %get3A_79 = arith.constant 32 : index
    %get3A_80 = tpu.vector_load %arg12[%get3A_79] {strides = array<i32>} : memref<80xi32, #tpu.memory_space<vmem>>, vector<16xi32>,
    %swap3A_81 = arith.constant 32 : index
    %swap3A_82 = tpu.vector_load %arg16[%swap3A_81] {strides = array<i32>} : memref<80xi32, #tpu.memory_space<vmem>>, vector<16xi32>,
    tpu.vector_store %arg16[%swap3A_81], %get3A_80 {strides = array<i32>} : memref<80xi32, #tpu.memory_space<vmem>>, vector<16xi32>,
    %get3A_83 = arith.constant 48 : index
    %get3A_84 = tpu.vector_load %arg12[%get3A_83] {strides = array<i32>} : memref<80xi32, #tpu.memory_space<vmem>>, vector<16xi32>,
    %swap3A_85 = arith.constant 48 : index
    %swap3A_86 = tpu.vector_load %arg16[%swap3A_85] {strides = array<i32>} : memref<80xi32, #tpu.memory_space<vmem>>, vector<16xi32>,
    tpu.vector_store %arg16[%swap3A_85], %get3A_84 {strides = array<i32>} : memref<80xi32, #tpu.memory_space<vmem>>, vector<16xi32>,
    %get3A_87 = arith.constant 64 : index
    %get3A_88 = tpu.vector_load %arg12[%get3A_87] {strides = array<i32>} : memref<80xi32, #tpu.memory_space<vmem>>, vector<16xi32>,
    %swap3A_89 = arith.constant 64 : index
    %swap3A_90 = tpu.vector_load %arg16[%swap3A_89] {strides = array<i32>} : memref<80xi32, #tpu.memory_space<vmem>>, vector<16xi32>,
    tpu.vector_store %arg16[%swap3A_89], %get3A_88 {strides = array<i32>} : memref<80xi32, #tpu.memory_space<vmem>>, vector<16xi32>,
    %dma_start3A_91 = arith.constant 0 : i32
    %dma_start3A_92 = arith.constant 0 : i32
    %dma_start3A_93 = tpu.memref_slice %arg7[%dma_start3A_91, %dma_start3A_92] : memref<10016x128xf32, #tpu.memory_space<vmem_shared>> -> memref<10016x128xf32, #tpu.memory_space<vmem_shared>>
    tpu.enqueue_indirect_dma source(%arg24 : memref<80x128xf32, #tpu.memory_space<vmem>>) target(%dma_start3A_93 : memref<10016x128xf32, #tpu.memory_space<vmem_shared>>) offsets(%arg16 : memref<80xi32, #tpu.memory_space<vmem>>) semaphore(%arg32 : memref<!tpu.dma_semaphore, #tpu.memory_space<semaphore_mem>>) {add = true}
    %dma_wait3A_94 = arith.constant 0 : i32
    %dma_wait3A_95 = arith.constant 0 : i32
    %dma_wait3A_96 = tpu.memref_slice %arg7[%dma_wait3A_94, %dma_wait3A_95] : memref<10016x128xf32, #tpu.memory_space<vmem_shared>> -> memref<10016x128xf32, #tpu.memory_space<vmem_shared>>
    tpu.wait_indirect_dma semaphore(%arg32 : memref<!tpu.dma_semaphore, #tpu.memory_space<semaphore_mem>>) src(%arg24 : memref<80x128xf32, #tpu.memory_space<vmem>>) dst(%dma_wait3A_96 : memref<10016x128xf32, #tpu.memory_space<vmem_shared>>)
    %dma_wait3A_97 = arith.constant 0 : i32
    %dma_wait3A_98 = arith.constant 0 : i32
    %dma_wait3A_99 = tpu.memref_slice %arg7[%dma_wait3A_97, %dma_wait3A_98] : memref<10016x128xf32, #tpu.memory_space<vmem_shared>> -> memref<10016x128xf32, #tpu.memory_space<vmem_shared>>
    tpu.wait_indirect_dma semaphore(%arg33 : memref<!tpu.dma_semaphore, #tpu.memory_space<semaphore_mem>>) src(%arg25 : memref<80x128xf32, #tpu.memory_space<vmem>>) dst(%dma_wait3A_99 : memref<10016x128xf32, #tpu.memory_space<vmem_shared>>)
    %dma_wait3A_100 = arith.constant 0 : i32
    %dma_wait3A_101 = arith.constant 0 : i32
    %dma_wait3A_102 = tpu.memref_slice %arg7[%dma_wait3A_100, %dma_wait3A_101] : memref<10016x128xf32, #tpu.memory_space<vmem_shared>> -> memref<10016x128xf32, #tpu.memory_space<vmem_shared>>
    tpu.wait_indirect_dma semaphore(%arg34 : memref<!tpu.dma_semaphore, #tpu.memory_space<semaphore_mem>>) src(%arg26 : memref<80x128xf32, #tpu.memory_space<vmem>>) dst(%dma_wait3A_102 : memref<10016x128xf32, #tpu.memory_space<vmem_shared>>)
    %dma_wait3A_103 = arith.constant 0 : i32
    %dma_wait3A_104 = arith.constant 0 : i32
    %dma_wait3A_105 = tpu.memref_slice %arg7[%dma_wait3A_103, %dma_wait3A_104] : memref<10016x128xf32, #tpu.memory_space<vmem_shared>> -> memref<10016x128xf32, #tpu.memory_space<vmem_shared>>
    tpu.wait_indirect_dma semaphore(%arg35 : memref<!tpu.dma_semaphore, #tpu.memory_space<semaphore_mem>>) src(%arg27 : memref<80x128xf32, #tpu.memory_space<vmem>>) dst(%dma_wait3A_105 : memref<10016x128xf32, #tpu.memory_space<vmem_shared>>)
    %barrier3A_106 = arith.constant 0 : index
    tpu.barrier barrier_id(%barrier3A_106)
    %mul3A_107 = arith.constant 624 : i32
    %mul3A_108 = arith.muli %arg1, %mul3A_107 : i32
    "tpu.region"() ({
      %run_scoped3A = tpu.sem_alloc : memref<!tpu.dma_semaphore, #tpu.memory_space<semaphore_mem>>
      %dma_start3A_114 = arith.constant 0 : i32
      %dma_start3A_115 = tpu.memref_slice %arg6[%arg0, %mul3A_108, %dma_start3A_114] : memref<2x10000x128xf32, #tpu.memory_space<hbm>> -> memref<1x624x128xf32, #tpu.memory_space<hbm>>
      %dma_start3A_116 = tpu.memref_squeeze %dma_start3A_115 : memref<1x624x128xf32, #tpu.memory_space<hbm>> -> memref<624x128xf32, #tpu.memory_space<hbm>>
      %dma_start3A_117 = arith.constant 0 : i32
      %dma_start3A_118 = tpu.memref_slice %arg7[%mul3A_108, %dma_start3A_117] : memref<10016x128xf32, #tpu.memory_space<vmem_shared>> -> memref<624x128xf32, #tpu.memory_space<vmem_shared>>
      tpu.enqueue_dma source(%dma_start3A_118 : memref<624x128xf32, #tpu.memory_space<vmem_shared>>) target(%dma_start3A_116 : memref<624x128xf32, #tpu.memory_space<hbm>>) target_semaphore(%run_scoped3A : memref<!tpu.dma_semaphore, #tpu.memory_space<semaphore_mem>>)
      %dma_wait3A_119 = arith.constant 0 : i32
      %dma_wait3A_120 = tpu.memref_slice %arg6[%arg0, %mul3A_108, %dma_wait3A_119] : memref<2x10000x128xf32, #tpu.memory_space<hbm>> -> memref<1x624x128xf32, #tpu.memory_space<hbm>>
      %dma_wait3A_121 = tpu.memref_squeeze %dma_wait3A_120 : memref<1x624x128xf32, #tpu.memory_space<hbm>> -> memref<624x128xf32, #tpu.memory_space<hbm>>
      %dma_wait3A_122 = arith.constant 0 : i32
      %dma_wait3A_123 = tpu.memref_slice %arg7[%mul3A_108, %dma_wait3A_122] : memref<10016x128xf32, #tpu.memory_space<vmem_shared>> -> memref<624x128xf32, #tpu.memory_space<vmem_shared>>
      tpu.wait_dma2 semaphore(%run_scoped3A : memref<!tpu.dma_semaphore, #tpu.memory_space<semaphore_mem>>) src(%dma_wait3A_123 : memref<624x128xf32, #tpu.memory_space<vmem_shared>>) dst(%dma_wait3A_121 : memref<624x128xf32, #tpu.memory_space<hbm>>)
      tpu.yield
    }) : () -> ()
    %eq3A_109 = arith.constant 0 : i32
    %eq3A_110 = arith.cmpi eq, %arg1, %eq3A_109 : i32
    %convert_element_type3A_111 = arith.extui %eq3A_110 : i1 to i32
    %cond3A_112 = arith.constant 0 : i32
    %cond3A_113 = arith.cmpi ne, %convert_element_type3A_111, %cond3A_112 : i32
    scf.if %cond3A_113 {
      "tpu.region"() ({
        %run_scoped3A = tpu.sem_alloc : memref<!tpu.dma_semaphore, #tpu.memory_space<semaphore_mem>>
        %dma_start3A_114 = arith.constant 9984 : i32
        %dma_start3A_115 = arith.constant 0 : i32
        %dma_start3A_116 = tpu.memref_slice %arg6[%arg0, %dma_start3A_114, %dma_start3A_115] : memref<2x10000x128xf32, #tpu.memory_space<hbm>> -> memref<1x16x128xf32, #tpu.memory_space<hbm>>
        %dma_start3A_117 = tpu.memref_squeeze %dma_start3A_116 : memref<1x16x128xf32, #tpu.memory_space<hbm>> -> memref<16x128xf32, #tpu.memory_space<hbm>>
        %dma_start3A_118 = arith.constant 9984 : i32
        %dma_start3A_119 = arith.constant 0 : i32
        %dma_start3A_120 = tpu.memref_slice %arg7[%dma_start3A_118, %dma_start3A_119] : memref<10016x128xf32, #tpu.memory_space<vmem_shared>> -> memref<16x128xf32, #tpu.memory_space<vmem_shared>>
        tpu.enqueue_dma source(%dma_start3A_120 : memref<16x128xf32, #tpu.memory_space<vmem_shared>>) target(%dma_start3A_117 : memref<16x128xf32, #tpu.memory_space<hbm>>) target_semaphore(%run_scoped3A : memref<!tpu.dma_semaphore, #tpu.memory_space<semaphore_mem>>)
        %dma_wait3A_121 = arith.constant 9984 : i32
        %dma_wait3A_122 = arith.constant 0 : i32
        %dma_wait3A_123 = tpu.memref_slice %arg6[%arg0, %dma_wait3A_121, %dma_wait3A_122] : memref<2x10000x128xf32, #tpu.memory_space<hbm>> -> memref<1x16x128xf32, #tpu.memory_space<hbm>>
        %dma_wait3A_124 = tpu.memref_squeeze %dma_wait3A_123 : memref<1x16x128xf32, #tpu.memory_space<hbm>> -> memref<16x128xf32, #tpu.memory_space<hbm>>
        %dma_wait3A_125 = arith.constant 9984 : i32
        %dma_wait3A_126 = arith.constant 0 : i32
        %dma_wait3A_127 = tpu.memref_slice %arg7[%dma_wait3A_125, %dma_wait3A_126] : memref<10016x128xf32, #tpu.memory_space<vmem_shared>> -> memref<16x128xf32, #tpu.memory_space<vmem_shared>>
        tpu.wait_dma2 semaphore(%run_scoped3A : memref<!tpu.dma_semaphore, #tpu.memory_space<semaphore_mem>>) src(%dma_wait3A_127 : memref<16x128xf32, #tpu.memory_space<vmem_shared>>) dst(%dma_wait3A_124 : memref<16x128xf32, #tpu.memory_space<hbm>>)
        tpu.yield
      }) : () -> ()
    } else {
    }
    return
  }
}

module attributes {stable_mosaic.version = 14 : i64} {
  func.func @_self_kernel(%arg0: i32, %arg1: memref<1000x128xf32, #tpu.memory_space<vmem>>, %arg2: memref<128x128xf32, #tpu.memory_space<vmem>>, %arg3: memref<1x128xf32, #tpu.memory_space<vmem>>, %arg4: memref<1000x128xf32, #tpu.memory_space<vmem>>) attributes {dimension_semantics = [#tpu.dimension_semantics<arbitrary>], iteration_bounds = array<i64: 10>, scalar_prefetch = 0 : i64, scratch_operands = 0 : i64, tpu.core_type = #tpu.core_type<tc>, window_params = [{transform_indices = @transform_0, window_bounds = array<i64: 1000, 128>}, {pipeline_mode = #tpu.pipeline_mode<synchronous>, transform_indices = @transform_1, window_bounds = array<i64: 128, 128>}, {pipeline_mode = #tpu.pipeline_mode<synchronous>, transform_indices = @transform_2, window_bounds = array<i64: 1, 128>}, {transform_indices = @transform_3, window_bounds = array<i64: 1000, 128>}]} {
    %get3A = arith.constant 0 : index
    %get3A_0 = arith.constant 0 : index
    %get3A_1 = vector.load %arg1[%get3A, %get3A_0] : memref<1000x128xf32, #tpu.memory_space<vmem>>, vector<1000x128xf32>
    %get3A_2 = arith.constant 0 : index
    %get3A_3 = arith.constant 0 : index
    %get3A_4 = vector.load %arg2[%get3A_2, %get3A_3] : memref<128x128xf32, #tpu.memory_space<vmem>>, vector<128x128xf32>
    %dot_general3A = arith.constant dense<0.000000e+00> : vector<1000x128xf32>
    %dot_general3A_5 = tpu.matmul %get3A_1, %get3A_4, %dot_general3A {dimension_numbers = #tpu.dot_dimension_numbers<[1], [1], [0], [0], [0, 0, 1, 0], [], []>, transpose_lhs_hint = false} : vector<1000x128xf32>, vector<128x128xf32>, vector<1000x128xf32> -> vector<1000x128xf32>
    %get3A_6 = arith.constant 0 : index
    %get3A_7 = arith.constant 0 : index
    %get3A_8 = vector.load %arg3[%get3A_6, %get3A_7] : memref<1x128xf32, #tpu.memory_space<vmem>>, vector<1x128xf32>
    %add3A = vector.broadcast %get3A_8 : vector<1x128xf32> to vector<1000x128xf32>
    %add3A_9 = arith.addf %dot_general3A_5, %add3A : vector<1000x128xf32>
    %swap3A = arith.constant 0 : index
    %swap3A_10 = arith.constant 0 : index
    %swap3A_11 = vector.load %arg4[%swap3A, %swap3A_10] : memref<1000x128xf32, #tpu.memory_space<vmem>>, vector<1000x128xf32>
    tpu.vector_store %arg4[%swap3A, %swap3A_10], %add3A_9 {strides = array<i32>} : memref<1000x128xf32, #tpu.memory_space<vmem>>, vector<1000x128xf32>,
    return
  }
  func.func @transform_0(%arg0: i32) -> (i32, i32) {
    %c0_i32 = arith.constant 0 : i32
    %c0_i32_0 = arith.constant 0 : i32
    return %arg0, %c0_i32 : i32, i32
  }
  func.func @transform_1(%arg0: i32) -> (i32, i32) {
    %c0_i32 = arith.constant 0 : i32
    %c0_i32_0 = arith.constant 0 : i32
    %c0_i32_1 = arith.constant 0 : i32
    return %c0_i32, %c0_i32_0 : i32, i32
  }
  func.func @transform_2(%arg0: i32) -> (i32, i32) {
    %c0_i32 = arith.constant 0 : i32
    %c0_i32_0 = arith.constant 0 : i32
    %c0_i32_1 = arith.constant 0 : i32
    return %c0_i32, %c0_i32_0 : i32, i32
  }
  func.func @transform_3(%arg0: i32) -> (i32, i32) {
    %c0_i32 = arith.constant 0 : i32
    %c0_i32_0 = arith.constant 0 : i32
    return %arg0, %c0_i32 : i32, i32
  }
}

module attributes {stable_mosaic.version = 14 : i64} {
  func.func @_dense1_kernel(%arg0: i32, %arg1: memref<2x1000x128xf32, #tpu.memory_space<vmem>>, %arg2: memref<32x1x1x1000xf32, #tpu.memory_space<vmem>>, %arg3: memref<1000x128xf32, #tpu.memory_space<vmem>>, %arg4: memref<128x128xf32, #tpu.memory_space<vmem>>, %arg5: memref<1000x128xf32, #tpu.memory_space<vmem>>) attributes {dimension_semantics = [#tpu.dimension_semantics<arbitrary>], iteration_bounds = array<i64: 10>, scalar_prefetch = 0 : i64, scratch_operands = 0 : i64, tpu.core_type = #tpu.core_type<tc>, window_params = [{transform_indices = @transform_0, window_bounds = array<i64: 2, 1000, 128>}, {transform_indices = @transform_1, window_bounds = array<i64: 32, 1, 1, 1000>}, {transform_indices = @transform_2, window_bounds = array<i64: 1000, 128>}, {pipeline_mode = #tpu.pipeline_mode<synchronous>, transform_indices = @transform_3, window_bounds = array<i64: 128, 128>}, {transform_indices = @transform_4, window_bounds = array<i64: 1000, 128>}]} {
    %get3A = arith.constant 0 : index
    %get3A_0 = arith.constant 0 : index
    %get3A_1 = arith.constant 0 : index
    %get3A_2 = vector.load %arg1[%get3A, %get3A_0, %get3A_1] : memref<2x1000x128xf32, #tpu.memory_space<vmem>>, vector<2x1000x128xf32>
    %get3A_3 = arith.constant 0 : index
    %get3A_4 = arith.constant 0 : index
    %get3A_5 = arith.constant 0 : index
    %get3A_6 = arith.constant 0 : index
    %get3A_7 = vector.load %arg2[%get3A_3, %get3A_4, %get3A_5, %get3A_6] : memref<32x1x1x1000xf32, #tpu.memory_space<vmem>>, vector<32x1x1x1000xf32>
    %reshape3A = vector.shape_cast %get3A_7 : vector<32x1x1x1000xf32> to vector<32x1000xf32>
    %reduce_sum3A = arith.constant dense<0.000000e+00> : vector<1000xf32>
    %reduce_sum3A_8 = vector.multi_reduction <add>, %reshape3A, %reduce_sum3A [0] : vector<32x1000xf32> to vector<1000xf32>
    %broadcast_in_dim3A = vector.shape_cast %reduce_sum3A_8 : vector<1000xf32> to vector<1000x1xf32>
    %slice3A = vector.extract_strided_slice %get3A_2 {offsets = [0, 0, 0], sizes = [1, 1000, 128], strides = [1, 1, 1]} : vector<2x1000x128xf32> to vector<1x1000x128xf32>
    %squeeze3A = vector.shape_cast %slice3A : vector<1x1000x128xf32> to vector<1000x128xf32>
    %slice3A_9 = vector.extract_strided_slice %get3A_2 {offsets = [1, 0, 0], sizes = [1, 1000, 128], strides = [1, 1, 1]} : vector<2x1000x128xf32> to vector<1x1000x128xf32>
    %squeeze3A_10 = vector.shape_cast %slice3A_9 : vector<1x1000x128xf32> to vector<1000x128xf32>
    %add3A = arith.addf %squeeze3A, %squeeze3A_10 : vector<1000x128xf32>
    %max3A = arith.constant 1.000000e+00 : f32
    %max3A_11 = vector.broadcast %max3A : f32 to vector<1000x1xf32>
    %max3A_12 = arith.maximumf %broadcast_in_dim3A, %max3A_11 : vector<1000x1xf32>
    %div3A = vector.broadcast %max3A_12 : vector<1000x1xf32> to vector<1000x128xf32>
    %div3A_13 = arith.divf %add3A, %div3A : vector<1000x128xf32>
    %get3A_14 = arith.constant 0 : index
    %get3A_15 = arith.constant 0 : index
    %get3A_16 = vector.load %arg4[%get3A_14, %get3A_15] : memref<128x128xf32, #tpu.memory_space<vmem>>, vector<128x128xf32>
    %dot_general3A = arith.constant dense<0.000000e+00> : vector<1000x128xf32>
    %dot_general3A_17 = tpu.matmul %div3A_13, %get3A_16, %dot_general3A {dimension_numbers = #tpu.dot_dimension_numbers<[1], [1], [0], [0], [0, 0, 1, 0], [], []>, transpose_lhs_hint = false} : vector<1000x128xf32>, vector<128x128xf32>, vector<1000x128xf32> -> vector<1000x128xf32>
    %get3A_18 = arith.constant 0 : index
    %get3A_19 = arith.constant 0 : index
    %get3A_20 = vector.load %arg3[%get3A_18, %get3A_19] : memref<1000x128xf32, #tpu.memory_space<vmem>>, vector<1000x128xf32>
    %add3A_21 = arith.addf %dot_general3A_17, %get3A_20 : vector<1000x128xf32>
    %max3A_22 = arith.constant 0.000000e+00 : f32
    %max3A_23 = vector.broadcast %max3A_22 : f32 to vector<1000x128xf32>
    %max3A_24 = arith.maximumf %add3A_21, %max3A_23 : vector<1000x128xf32>
    %swap3A = arith.constant 0 : index
    %swap3A_25 = arith.constant 0 : index
    %swap3A_26 = vector.load %arg5[%swap3A, %swap3A_25] : memref<1000x128xf32, #tpu.memory_space<vmem>>, vector<1000x128xf32>
    tpu.vector_store %arg5[%swap3A, %swap3A_25], %max3A_24 {strides = array<i32>} : memref<1000x128xf32, #tpu.memory_space<vmem>>, vector<1000x128xf32>,
    return
  }
  func.func @transform_0(%arg0: i32) -> (i32, i32, i32) {
    %c0_i32 = arith.constant 0 : i32
    %c0_i32_0 = arith.constant 0 : i32
    %c0_i32_1 = arith.constant 0 : i32
    return %c0_i32, %arg0, %c0_i32_0 : i32, i32, i32
  }
  func.func @transform_1(%arg0: i32) -> (i32, i32, i32, i32) {
    %c0_i32 = arith.constant 0 : i32
    %c0_i32_0 = arith.constant 0 : i32
    %c0_i32_1 = arith.constant 0 : i32
    %c0_i32_2 = arith.constant 0 : i32
    return %c0_i32, %arg0, %c0_i32_0, %c0_i32_1 : i32, i32, i32, i32
  }
  func.func @transform_2(%arg0: i32) -> (i32, i32) {
    %c0_i32 = arith.constant 0 : i32
    %c0_i32_0 = arith.constant 0 : i32
    return %arg0, %c0_i32 : i32, i32
  }
  func.func @transform_3(%arg0: i32) -> (i32, i32) {
    %c0_i32 = arith.constant 0 : i32
    %c0_i32_0 = arith.constant 0 : i32
    %c0_i32_1 = arith.constant 0 : i32
    return %c0_i32, %c0_i32_0 : i32, i32
  }
  func.func @transform_4(%arg0: i32) -> (i32, i32) {
    %c0_i32 = arith.constant 0 : i32
    %c0_i32_0 = arith.constant 0 : i32
    return %arg0, %c0_i32 : i32, i32
  }
}

module attributes {stable_mosaic.version = 14 : i64} {
  func.func @_dense2_kernel(%arg0: i32, %arg1: memref<2x1000x128xf32, #tpu.memory_space<vmem>>, %arg2: memref<32x1x1x1000xf32, #tpu.memory_space<vmem>>, %arg3: memref<1000x128xf32, #tpu.memory_space<vmem>>, %arg4: memref<128x128xf32, #tpu.memory_space<vmem>>, %arg5: memref<64x128xf32, #tpu.memory_space<vmem>>, %arg6: memref<1x64xf32, #tpu.memory_space<vmem>>, %arg7: memref<1000x64xf32, #tpu.memory_space<vmem>>) attributes {dimension_semantics = [#tpu.dimension_semantics<arbitrary>], iteration_bounds = array<i64: 10>, scalar_prefetch = 0 : i64, scratch_operands = 0 : i64, tpu.core_type = #tpu.core_type<tc>, window_params = [{transform_indices = @transform_0, window_bounds = array<i64: 2, 1000, 128>}, {transform_indices = @transform_1, window_bounds = array<i64: 32, 1, 1, 1000>}, {transform_indices = @transform_2, window_bounds = array<i64: 1000, 128>}, {pipeline_mode = #tpu.pipeline_mode<synchronous>, transform_indices = @transform_3, window_bounds = array<i64: 128, 128>}, {pipeline_mode = #tpu.pipeline_mode<synchronous>, transform_indices = @transform_4, window_bounds = array<i64: 64, 128>}, {pipeline_mode = #tpu.pipeline_mode<synchronous>, transform_indices = @transform_5, window_bounds = array<i64: 1, 64>}, {transform_indices = @transform_6, window_bounds = array<i64: 1000, 64>}]} {
    %get3A = arith.constant 0 : index
    %get3A_0 = arith.constant 0 : index
    %get3A_1 = arith.constant 0 : index
    %get3A_2 = vector.load %arg1[%get3A, %get3A_0, %get3A_1] : memref<2x1000x128xf32, #tpu.memory_space<vmem>>, vector<2x1000x128xf32>
    %get3A_3 = arith.constant 0 : index
    %get3A_4 = arith.constant 0 : index
    %get3A_5 = arith.constant 0 : index
    %get3A_6 = arith.constant 0 : index
    %get3A_7 = vector.load %arg2[%get3A_3, %get3A_4, %get3A_5, %get3A_6] : memref<32x1x1x1000xf32, #tpu.memory_space<vmem>>, vector<32x1x1x1000xf32>
    %reshape3A = vector.shape_cast %get3A_7 : vector<32x1x1x1000xf32> to vector<32x1000xf32>
    %reduce_sum3A = arith.constant dense<0.000000e+00> : vector<1000xf32>
    %reduce_sum3A_8 = vector.multi_reduction <add>, %reshape3A, %reduce_sum3A [0] : vector<32x1000xf32> to vector<1000xf32>
    %broadcast_in_dim3A = vector.shape_cast %reduce_sum3A_8 : vector<1000xf32> to vector<1000x1xf32>
    %slice3A = vector.extract_strided_slice %get3A_2 {offsets = [0, 0, 0], sizes = [1, 1000, 128], strides = [1, 1, 1]} : vector<2x1000x128xf32> to vector<1x1000x128xf32>
    %squeeze3A = vector.shape_cast %slice3A : vector<1x1000x128xf32> to vector<1000x128xf32>
    %slice3A_9 = vector.extract_strided_slice %get3A_2 {offsets = [1, 0, 0], sizes = [1, 1000, 128], strides = [1, 1, 1]} : vector<2x1000x128xf32> to vector<1x1000x128xf32>
    %squeeze3A_10 = vector.shape_cast %slice3A_9 : vector<1x1000x128xf32> to vector<1000x128xf32>
    %add3A = arith.addf %squeeze3A, %squeeze3A_10 : vector<1000x128xf32>
    %max3A = arith.constant 1.000000e+00 : f32
    %max3A_11 = vector.broadcast %max3A : f32 to vector<1000x1xf32>
    %max3A_12 = arith.maximumf %broadcast_in_dim3A, %max3A_11 : vector<1000x1xf32>
    %div3A = vector.broadcast %max3A_12 : vector<1000x1xf32> to vector<1000x128xf32>
    %div3A_13 = arith.divf %add3A, %div3A : vector<1000x128xf32>
    %get3A_14 = arith.constant 0 : index
    %get3A_15 = arith.constant 0 : index
    %get3A_16 = vector.load %arg4[%get3A_14, %get3A_15] : memref<128x128xf32, #tpu.memory_space<vmem>>, vector<128x128xf32>
    %dot_general3A = arith.constant dense<0.000000e+00> : vector<1000x128xf32>
    %dot_general3A_17 = tpu.matmul %div3A_13, %get3A_16, %dot_general3A {dimension_numbers = #tpu.dot_dimension_numbers<[1], [1], [0], [0], [0, 0, 1, 0], [], []>, transpose_lhs_hint = false} : vector<1000x128xf32>, vector<128x128xf32>, vector<1000x128xf32> -> vector<1000x128xf32>
    %get3A_18 = arith.constant 0 : index
    %get3A_19 = arith.constant 0 : index
    %get3A_20 = vector.load %arg3[%get3A_18, %get3A_19] : memref<1000x128xf32, #tpu.memory_space<vmem>>, vector<1000x128xf32>
    %add3A_21 = arith.addf %dot_general3A_17, %get3A_20 : vector<1000x128xf32>
    %max3A_22 = arith.constant 0.000000e+00 : f32
    %max3A_23 = vector.broadcast %max3A_22 : f32 to vector<1000x128xf32>
    %max3A_24 = arith.maximumf %add3A_21, %max3A_23 : vector<1000x128xf32>
    %get3A_25 = arith.constant 0 : index
    %get3A_26 = arith.constant 0 : index
    %get3A_27 = vector.load %arg5[%get3A_25, %get3A_26] : memref<64x128xf32, #tpu.memory_space<vmem>>, vector<64x128xf32>
    %dot_general3A_28 = arith.constant dense<0.000000e+00> : vector<1000x64xf32>
    %dot_general3A_29 = tpu.matmul %max3A_24, %get3A_27, %dot_general3A_28 {dimension_numbers = #tpu.dot_dimension_numbers<[1], [1], [0], [0], [0, 0, 1, 0], [], []>, transpose_lhs_hint = false} : vector<1000x128xf32>, vector<64x128xf32>, vector<1000x64xf32> -> vector<1000x64xf32>
    %get3A_30 = arith.constant 0 : index
    %get3A_31 = arith.constant 0 : index
    %get3A_32 = vector.load %arg6[%get3A_30, %get3A_31] : memref<1x64xf32, #tpu.memory_space<vmem>>, vector<1x64xf32>
    %add3A_33 = vector.broadcast %get3A_32 : vector<1x64xf32> to vector<1000x64xf32>
    %add3A_34 = arith.addf %dot_general3A_29, %add3A_33 : vector<1000x64xf32>
    %swap3A = arith.constant 0 : index
    %swap3A_35 = arith.constant 0 : index
    %swap3A_36 = vector.load %arg7[%swap3A, %swap3A_35] : memref<1000x64xf32, #tpu.memory_space<vmem>>, vector<1000x64xf32>
    tpu.vector_store %arg7[%swap3A, %swap3A_35], %add3A_34 {strides = array<i32>} : memref<1000x64xf32, #tpu.memory_space<vmem>>, vector<1000x64xf32>,
    return
  }
  func.func @transform_0(%arg0: i32) -> (i32, i32, i32) {
    %c0_i32 = arith.constant 0 : i32
    %c0_i32_0 = arith.constant 0 : i32
    %c0_i32_1 = arith.constant 0 : i32
    return %c0_i32, %arg0, %c0_i32_0 : i32, i32, i32
  }
  func.func @transform_1(%arg0: i32) -> (i32, i32, i32, i32) {
    %c0_i32 = arith.constant 0 : i32
    %c0_i32_0 = arith.constant 0 : i32
    %c0_i32_1 = arith.constant 0 : i32
    %c0_i32_2 = arith.constant 0 : i32
    return %c0_i32, %arg0, %c0_i32_0, %c0_i32_1 : i32, i32, i32, i32
  }
  func.func @transform_2(%arg0: i32) -> (i32, i32) {
    %c0_i32 = arith.constant 0 : i32
    %c0_i32_0 = arith.constant 0 : i32
    return %arg0, %c0_i32 : i32, i32
  }
  func.func @transform_3(%arg0: i32) -> (i32, i32) {
    %c0_i32 = arith.constant 0 : i32
    %c0_i32_0 = arith.constant 0 : i32
    %c0_i32_1 = arith.constant 0 : i32
    return %c0_i32, %c0_i32_0 : i32, i32
  }
  func.func @transform_4(%arg0: i32) -> (i32, i32) {
    %c0_i32 = arith.constant 0 : i32
    %c0_i32_0 = arith.constant 0 : i32
    %c0_i32_1 = arith.constant 0 : i32
    return %c0_i32, %c0_i32_0 : i32, i32
  }
  func.func @transform_5(%arg0: i32) -> (i32, i32) {
    %c0_i32 = arith.constant 0 : i32
    %c0_i32_0 = arith.constant 0 : i32
    %c0_i32_1 = arith.constant 0 : i32
    return %c0_i32, %c0_i32_0 : i32, i32
  }
  func.func @transform_6(%arg0: i32) -> (i32, i32) {
    %c0_i32 = arith.constant 0 : i32
    %c0_i32_0 = arith.constant 0 : i32
    return %arg0, %c0_i32 : i32, i32
  }
}

</mosaic_0001>

<sc_bundles>
// kernel: kernel.11.cloned.1.call-start
scs
__scs_entry_jumppad:
0x0: {  	(pc) =	sbr.rel $0x88, $3  }
0x1: {  	(tag) =	ssettag $0x0;
	lr =	simm.s32 $0x1  }
0x2: {  	[smem:$0x3F97] =	sst lr;
	_ =	strace $0xD0000000  }
0x3: {  	_ = 	snop  }
0x4: {  	_ = 	snop  }
0x5: {  	_ = 	snop  }
0x6: {  	_ = 	snop  }
0x7: {  	_ = 	snop  }
__scs_overlays_trampoline_lowered:
0x8: {  	[smem:$0x3FA6] =	sst s0  }
0x9: {  	[smem:$0x3FA7] =	sst s1  }
0xa: {  	[smem:$0x3FA8] =	sst s2  }
0xb: {  	[smem:$0x3FA9] =	sst s3  }
0xc: {  	[smem:$0x3FAA] =	sst s4  }
0xd: {  	[smem:$0x3FAB] =	sst s5  }
0xe: {  	[smem:$0x3FAC] =	sst s6  }
0xf: {  	[smem:$0x3FAD] =	sst s7  }
0x10: {  	[smem:$0x3FAE] =	sst s8  }
0x11: {  	[smem:$0x3FAF] =	sst s9;
	s0 =	simm.s32 @!p0 $0x0  }
0x12: {  	s1 =	sld [smem:$0x3F95];
	s0 =	simm.s32 @p0 $0x1  }
0x13: {  	[smem:$0x3FB0] =	sst s0;
	s0 =	simm.s32 @!p1 $0x0  }
0x14: {  	s2 =	sld [smem:$0x3F94];
	s0 =	simm.s32 @p1 $0x1  }
0x15: {  	[smem:$0x3FB1] =	sst s0;
	s0 =	simm.s32 @!p2 $0x0  }
0x16: {  	s3 =	sld [smem:$0x3FDB];
	s0 =	simm.s32 @p2 $0x1  }
0x17: {  	s4 =	simm.s32 $0x1BF5;
	[smem:$0x3FB3] =	sst s0  }
0x18: {  	s0 =	sld [smem:$0x3F96];
	_ =	swait.ge [sflag:s4], $0x0  }
0x19: {  	s7 =	sld [smem:$0x3F97]  }
0x1a: {  	s8 =	sadd.s32 $0xFFFFE003, lr  }
0x1b: {  	s9 =	sadd.s32 $0xFFFFFEF7, lr;
	s5 =	simm.s32 $0xFFFFFFFF;
	p2 =	slt.u32 s8, $0xFFFFF086  }
0x1c: {  	p1 =	slt.u32 s9, $0xF7A;
	s5 =	simm.s32 @!p2 $0x0  }
0x1d: {  	s5 =	simm.s32 @p1 $0x1;
	p0 =	seq.s32 s7, s2  }
0x1e: {  	s7 =	smul.u32 @!p0 $0xF7A, s2;
	p2 =	seq.s32 @!p0 s5, $0x0  }
0x1f: {  	s9 =	smul.u32 $0xF7A, s1;
	s8 =	simm.s32 @!p0 $0x1BF5;
	p2 =	por !p2, p0  }
0x20: {  	[sflag:s8] =	ssyncset.s32 @!p0 $0xFFFFF086;
	s6 =	sadd.s32 @!p0 s3, s7;
	s7 =	simm.s32 @!p0 $0x108  }
0x21: {  	s3 =	sadd.s32 s3, s9;
	s6 =	sadd.s32 @!p0 $0x88, s6;
	s7 =	simm.s32 @p2 $0x1082  }
0x22: {  	[simem:s7], [sflag:s8] =	dma.local @!p0 [hbm:s6], $0xF7A  }
0x23: {  	s9 =	sor.u32 $0xD0000000, s2;
	s6 =	simm.s32 $0x108;
	_ =	swait.ge @!p0 [sflag:s8], $0x0  }
0x24: {  	s3 =	sadd.s32 $0x88, s3;
	s6 =	simm.s32 @!p1 $0x1082;
	[sflag:s4] =	ssyncset.s32 $0xFFFFF086  }
0x25: {  	[simem:s6], [sflag:s4] =	dma.local [hbm:s3], $0xF7A  }
0x26: {  	[smem:$0x3F97] =	sst s1;
	(tag) =	ssettag s2;
	_ =	strace s9  }
0x27: {  	s1 =	sld [smem:$0x3FA7]  }
0x28: {  	s2 =	sld [smem:$0x3FA8]  }
0x29: {  	s4 =	sld [smem:$0x3FAA]  }
0x2a: {  	p0 =	seq.s32 s5, $0x0;
	s5 =	sld [smem:$0x3FAB]  }
0x2b: {  	s6 =	sld [smem:$0x3FAC]  }
0x2c: {  	s7 =	sld [smem:$0x3FAD]  }
0x2d: {  	s3 =	simm.s32 $0x108;
	s8 =	sld [smem:$0x3FAE]  }
0x2e: {  	s3 =	simm.s32 @!p0 $0x1082;
	s9 =	sld [smem:$0x3FAF]  }
0x2f: {  	lr =	sadd.s32 s0, s3;
	s0 =	sld [smem:$0x3FA6]  }
0x30: {  	s3 =	sld [smem:$0x3FA9]  }
0x31: {  	[smem:$0x3FB2] =	sst s10  }
0x32: {  	s10 =	sld [smem:$0x3FB0];
	_ =	sdelay $0x3  }
0x33: {  	p0 =	seq.s32 s10, $0x1;
	s10 =	sld [smem:$0x3FB2];
	_ =	sdelay $0x3  }
0x34: {  	[smem:$0x3FB2] =	sst s10  }
0x35: {  	s10 =	sld [smem:$0x3FB1];
	_ =	sdelay $0x3  }
0x36: {  	p1 =	seq.s32 s10, $0x1;
	s10 =	sld [smem:$0x3FB2];
	_ =	sdelay $0x3  }
0x37: {  	[smem:$0x3FB2] =	sst s10  }
0x38: {  	s10 =	sld [smem:$0x3FB3]  }
0x39: {  	_ = 	snop;
	(pc) =	sbr.ind lr, $3  }
0x3a: {  	_ = 	snop  }
0x3b: {  	_ = 	snop  }
0x3c: {  	p2 =	seq.s32 s10, $0x1;
	s10 =	sld [smem:$0x3FB2]  }
0x3d: {  	_ =	shalt  }
0x3e: {  	_ =	shalt  }
0x3f: {  	_ =	shalt  }
0x40: {  	_ =	shalt  }
0x41: {  	_ =	shalt  }
0x42: {  	_ =	shalt  }
0x43: {  	_ =	shalt  }
0x44: {  	_ =	shalt  }
0x45: {  	_ =	shalt  }
0x46: {  	_ =	shalt  }
0x47: {  	_ =	shalt  }
0x48: {  	_ =	shalt  }
0x49: {  	_ =	shalt  }
0x4a: {  	_ =	shalt  }
0x4b: {  	_ =	shalt  }
0x4c: {  	_ =	shalt  }
0x4d: {  	_ =	shalt  }
0x4e: {  	_ =	shalt  }
0x4f: {  	_ =	shalt  }
0x50: {  	_ =	shalt  }
0x51: {  	_ =	shalt  }
0x52: {  	_ =	shalt  }
0x53: {  	_ =	shalt  }
0x54: {  	_ =	shalt  }
0x55: {  	_ =	shalt  }
0x56: {  	_ =	shalt  }
0x57: {  	_ =	shalt  }
0x58: {  	_ =	shalt  }
0x59: {  	_ =	shalt  }
0x5a: {  	_ =	shalt  }
0x5b: {  	_ =	shalt  }
0x5c: {  	_ =	shalt  }
0x5d: {  	_ =	shalt  }
0x5e: {  	_ =	shalt  }
0x5f: {  	_ =	shalt  }
0x60: {  	_ =	shalt  }
0x61: {  	_ =	shalt  }
0x62: {  	_ =	shalt  }
0x63: {  	_ =	shalt  }
0x64: {  	_ =	shalt  }
0x65: {  	_ =	shalt  }
0x66: {  	_ =	shalt  }
0x67: {  	_ =	shalt  }
0x68: {  	_ =	shalt  }
0x69: {  	_ =	shalt  }
0x6a: {  	_ =	shalt  }
0x6b: {  	_ =	shalt  }
0x6c: {  	_ =	shalt  }
0x6d: {  	_ =	shalt  }
0x6e: {  	_ =	shalt  }
0x6f: {  	_ =	shalt  }
0x70: {  	_ =	shalt  }
0x71: {  	_ =	shalt  }
0x72: {  	_ =	shalt  }
0x73: {  	_ =	shalt  }
0x74: {  	_ =	shalt  }
0x75: {  	_ =	shalt  }
0x76: {  	_ =	shalt  }
0x77: {  	_ =	shalt  }
0x78: {  	_ =	shalt  }
0x79: {  	_ =	shalt  }
0x7a: {  	_ =	shalt  }
0x7b: {  	_ =	shalt  }
0x7c: {  	_ =	shalt  }
0x7d: {  	_ =	shalt  }
0x7e: {  	_ =	shalt  }
0x7f: {  	_ =	shalt  }
0x80: {  	_ =	shalt  }
0x81: {  	_ =	shalt  }
0x82: {  	_ =	shalt  }
0x83: {  	_ =	shalt  }
0x84: {  	_ =	shalt  }
0x85: {  	_ =	shalt  }
0x86: {  	_ =	shalt  }
0x87: {  	_ =	shalt  }
.Lfunc_end0:
.L_simem_size_0:
called_computation.1_lowered:
.L_overlay_start_0:
0x88: {  	s2 =	sld [smem:$0x3FD9]  }
0x89: {  	s3 =	sld [smem:$0x3FFE];
	_ =	sdelay $0x1  }
0x8a: {  	s1 =	srdreg.scid  }
0x8b: {  	s0 =	sand.u32 $0x1, s1  }
0x8c: {  	s17 =	sshll.u32 s0, $0xA;
	s2 =	sadd.s32 s3, s2  }
0x8d: {  	s2 =	sadd.s32 s2, s17  }
0x8e: {  	[smem:$0x3FBE] =	sst s2  }
0x8f: {  	_ = 	snop  }
0x90: {  	s2 =	sld [smem:$0x3FD0];
	(tm) =	ssettm $0x1  }
0x91: {  	s18 =	sld [smem:$0x3FFB];
	_ =	sdelay $0x3  }
0x92: {  	_ =	strace s18  }
0x93: {  	s3 =	sld [smem:$0x3FFC];
	_ =	sdelay $0x3  }
0x94: {  	_ =	strace s3  }
0x95: {  	s3 =	sld [smem:$0x3FFD];
	_ =	sdelay $0x3  }
0x96: {  	_ =	strace s3  }
0x97: {  	_ =	strace $0x8FFFFFFF  }
0x98: {  	s19 =	sld [smem:$0x3FDB];
	_ =	sdelay $0x1  }
0x99: {  	s4 =	simm.s32 $_scs_section_size  }
0x9a: {  	s5 =	simm.s32 $_size__tile_overlayer_lowered;
	s6 =	simm.s32 $_tile_overlayer_lowered  }
0x9b: {  	s22 =	simm.s32 $0x1BFF;
	s21 =	sshll.u32 s6, $0x1;
	s3 =	sadd.s32 s4, s19  }
0x9c: {  	s7 =	simm.s32 $0x0;
	s20 =	sshll.u32 s5, $0x1;
	s5 =	sadd.s32 s21, s3  }
0x9d: {  	[timem:s7], [sflag:s22] =	dma.local [hbm:s5], s20  }
0x9e: {  	_ =	swait.ge [sflag:s22], s20  }
0x9f: {  	s4 =	ssub.s32 $0x0, s20;
	[sflag:s22] =	ssyncset.done $0x0  }
0xa0: {  	[sflag:s22] =	ssyncadd.s32 s4;
	_ =	sdelay $0x1  }
0xa1: {  	s23 =	simm.s32 $0x1B8B  }
0xa2: {  	_ =	swait.ge [sflag:s23], $0x1  }
0xa3: {  	[sflag:s23] =	ssyncset.done $0x0  }
0xa4: {  	s25 =	simm.s32 $0x1B8E;
	s24 =	sld [smem:$0x3FFE];
	[sflag:s23] =	ssyncadd.s32 $0xFFFFFFFF  }
0xa5: {  	s26 =	simm.s32 $execute0_lowered;
	[smem:$0x3FD2] =	sst s25  }
0xa6: {  	s5 =	sshll.u32 s26, $0x1;
	_ =	strace $0x80000049;
	[dreg:$0x1] =	wrdreg $0xFFFFFFFF  }
0xa7: {  	s28 =	simm.s32 $_size_execute0_lowered;
	s3 =	sadd.s32 s3, s5;
	[dreg:$0x0] =	wrdreg $0x0  }
0xa8: {  	s5 =	sshll.u32 s28, $0x1;
	[dreg:$0x2] =	wrdreg s3  }
0xa9: {  	[dreg:$0x3] =	wrdreg s5  }
0xaa: {  	[dreg:$0x4] =	wrdreg $0xC0  }
0xab: {  	_ =	task [dreg:s7], $0x5FFFF  }
0xac: {  	[dreg:$0x1] =	wrdreg $0xFFFFFFFF  }
0xad: {  	[dreg:$0x0] =	wrdreg $0x60  }
0xae: {  	[dreg:$0x2] =	wrdreg s24  }
0xaf: {  	[dreg:$0x3] =	wrdreg s2  }
0xb0: {  	[dreg:$0x4] =	wrdreg $0x0  }
0xb1: {  	[dreg:$0x5] =	wrdreg $0x9  }
0xb2: {  	_ =	task.clear_ibuf [dreg:s7], $0x6FFFF;
	_ =	strace $0x90000049  }
0xb3: {  	s29 =	simm.s32 $0x9;
	_ =	strace $0x8000004B  }
0xb4: {  	_ =	swait.ge [sflag:s29], $0x1  }
0xb5: {  	[sflag:s29] =	ssyncadd.s32 $0xFFFFFFFF  }
0xb6: {  	_ =	strace $0x9000004B  }
0xb7: {  	_ =	sfence  }
0xb8: {  	s30 =	sld [smem:$0x0];
	_ =	sdelay $0x2  }
0xb9: {  	s31 =	sshll.u32 s1, $0xD;
	s1 =	sshrl.u32 s1, $0x2  }
0xba: {  	s3 =	sand.u32 $0x4000, s31;
	s1 =	sadd.s32 s1, s30  }
0xbb: {  	s0 =	sor.u32 s3, s0;
	s1 =	sshll.u32 s1, $0x11  }
0xbc: {  	s0 =	sor.u32 s1, s0  }
0xbd: {  	s0 =	sadd.s32 $0x8F2B, s0  }
0xbe: {  	[sflag:s0] =	ssyncadd.remote.s32 $0x1  }
0xbf: {  	_ =	sfence.sel $0xFFFF  }
0xc0: {  	[dreg:$0x0] =	wrdreg $0xFFFFFFFF;
	(pc) =	sbr.abs _section_cstart, $3  }
0xc1: {  	[dreg:$0x1] =	wrdreg $0xFFFFFFFF  }
0xc2: {  	_ =	task.clear_ibuf [dreg:s7], $0x2FFFF;
	_ =	strace $0x9FFFFFFF  }
0xc3: {  	(tm) =	ssettm $0x7FFFFFFF  }
tec
execute0_lowered:
.L_overlay_start_1:
0x0: {  	(tag) =	ssettag $0x1  }
0x1: {  	s0 =	rddreg [dreg:$0x0]  }
0x2: {  	s14 =	rddreg [dreg:$0x1]  }
0x3: {  	s2 =	rddreg [dreg:$0x2]  }
0x4: {  	s1 =	stileid.u32;
	s3 =	simm.s32 $0x0;
	s8 =	srdreg.scid  }
0x5: {  	s31 =	simm.s32 $0x13900;
	s29 =	simm.s32 $0x6;
	s30 =	simm.s32 $0x9  }
0x6: {  	s6 =	smul.u32 $0x13800, s1;
	[smem:$0x7FF] =	sst s3;
	s4 =	sadd.s32 $0x33400, s0  }
0x7: {  	s16 =	sadd.s32 $0x2400, s0;
	s8 =	sand.u32 $0x1, s8;
	s9 =	sshll.u32 s1, $0x1  }
0x8: {  	s10 =	smul.u32 $0x4E000, s1;
	s11 =	sadd.s32 $0x5A600, s0;
	s18 =	sshll.u32 s1, $0x6  }
0x9: {  	s25 =	smul.u32 $0x4E20, s1;
	p0 =	sne.s32 s1, $0x0;
	s1 =	simm.s32 $0x8  }
0xa: {  	_ =	strace $0x8000004A;
	s12 =	ssub.s32 $0x2, s8;
	s23 =	smul.u32 $0x138800, s8  }
0xb: {  	s9 =	sor.u32 s8, s9;
	s15 =	sor.u32 $0x1C0D, s18;
	s8 =	smul.u32 $0x2710, s8  }
0xc: {  	s7 =	sshrl.u32 s6, $0x3;
	s13 =	sshrl.u32 s12, $0x1;
	s10 =	sshrl.u32 s10, $0x2  }
0xd: {  	s9 =	smul.u32 $0x2710, s9;
	[dreg:$0x6] =	wrdreg s15;
	s10 =	sadd.s32 s10, s2  }
0xe: {  	s7 =	sadd.s32 s7, s0;
	s0 =	sadd.s32 $0x33200, s0;
	[dreg:$0x4] =	wrdreg s10  }
0xf: {  	s12 =	ssub.s32 s12, s13;
	s7 =	sadd.s32 $0xC200, s7;
	[dreg:$0x7] =	wrdreg s0  }
0x10: {  	s19 =	sshrl.u32 s9, $0x3;
	s13 =	smax.u32 s12, $0x1;
	[dreg:$0x5] =	wrdreg s7  }
0x11: {  	s6 =	sadd.s32 s6, s23;
	s20 =	sadd.s32 s16, s19;
	[dreg:$0x12] =	wrdreg s13  }
0x12: {  	s21 =	sadd.s32 $0xA, s19;
	s9 =	sadd.s32 s14, s19;
	[dreg:$0x8] =	wrdreg s20  }
0x13: {  	s12 =	simm.s32 $0x50;
	[dreg:$0x9] =	wrdreg s9;
	s22 =	sadd.s32 s16, s21  }
0x14: {  	s24 =	sadd.s32 $0x14, s19;
	s0 =	sadd.s32 s14, s21;
	[dreg:$0xa] =	wrdreg s22  }
0x15: {  	s7 =	sadd.s32 $0x1E, s19;
	s26 =	sadd.s32 s16, s24;
	[dreg:$0xb] =	wrdreg s0  }
0x16: {  	s13 =	simm.s32 $0x13F00;
	s28 =	sadd.s32 s16, s7;
	[dreg:$0xc] =	wrdreg s26  }
0x17: {  	s5 =	sadd.s32 s14, s7;
	s7 =	sshrl.u32 s23, $0x3;
	[dreg:$0xe] =	wrdreg s28  }
0x18: {  	s9 =	sadd.s32 s8, s25;
	s0 =	sadd.s32 s14, s24;
	[dreg:$0xf] =	wrdreg s5  }
0x19: {  	s8 =	sadd.s32 $0x230, s9;
	s17 =	sadd.s32 $0x1E0, s9;
	s18 =	sadd.s32 $0x190, s9  }
0x1a: {  	s5 =	smov.u32 s16;
	s20 =	sadd.s32 $0x140, s9;
	s28 =	sadd.s32 $0x138000, s2  }
0x1b: {  	s9 =	simm.s32 $0x13A80;
	[dreg:$0xd] =	wrdreg s0;
	s0 =	sshrl.u32 s6, $0x3  }
0x1c: {  	s6 =	sadd.s32 s11, s7;
	s19 =	sshrl.u32 s18, $0x3;
	[dreg:$0x13] =	wrdreg s20  }
0x1d: {  	[dreg:$0x14] =	wrdreg s28;
	s18 =	simm.s32 $0x5;
	s20 =	simm.s32 $0x4  }
0x1e: {  	s0 =	sadd.s32 s11, s0;
	s10 =	sadd.s32 $0x27000, s6;
	s11 =	sshrl.u32 s8, $0x3  }
0x1f: {  	s6 =	sshrl.u32 s17, $0x3;
	s25 =	sadd.s32 s19, s14;
	s26 =	sadd.s32 s19, s16  }
.Ltmp0:
0x20: {  	s17 =	simm.s32 $0x18F00;
	[dreg:$0x10] =	wrdreg s0;
	(pc) =	sbr.rel .LBB2_1-.Ltmp0, $4  }
0x21: {  	s19 =	simm.s32 $0x0;
	[dreg:$0x11] =	wrdreg s10;
	s21 =	sadd.s32 s11, s14  }
0x22: {  	s22 =	sadd.s32 s11, s16;
	s23 =	sadd.s32 s6, s14;
	s24 =	sadd.s32 s6, s16  }
0x23: {  	s10 =	simm.s32 $0xD;
	s11 =	simm.s32 $0x1;
	s16 =	simm.s32 $0x3  }
0x24: {  	s6 =	simm.s32 $0x1B700;
	s14 =	simm.s32 $0x7;
	s0 =	simm.s32 $0xB  }
.LBB2_4:
0x25: {  	_ =	swait.ge [sflag:s18], $0x2800  }
0x26: {  	[sflag:s18] =	ssyncset.done $0x0  }
0x27: {  	[sflag:s18] =	ssyncadd.s32 $0xFFFFD800  }
0x28: {  	v0 =	vld [tilespmem:$0x13B00]  }
0x29: {  	v1 =	vld [tilespmem:$0x13B10]  }
0x2a: {  	v2 =	vld [tilespmem:$0x13B20]  }
0x2b: {  	v3 =	vld [tilespmem:$0x13B30]  }
0x2c: {  	v4 =	vld [tilespmem:$0x13B40]  }
0x2d: {  	[tilespmem:$0x13D00] =	vst v0  }
0x2e: {  	[tilespmem:$0x13D10] =	vst v1  }
0x2f: {  	[tilespmem:$0x13D20] =	vst v2  }
0x30: {  	[tilespmem:$0x13D30] =	vst v3  }
0x31: {  	s7 =	simm.s32 $0x13D00;
	[tilespmem:$0x13D40] =	vst v4  }
0x32: {  	[spmem:s2] =	stream.indirect.scatter.add.f32 [tilespmem:s13], [sflag:$0x9], $0x80, s7, s12, $0xb8;
	[tilespmem:$0x1DF00] =	vst v63  }
0x33: {  	_ =	swait.ge [sflag:s30], $0x2800  }
0x34: {  	[sflag:s30] =	ssyncset.done $0x0  }
0x35: {  	s10 =	simm.s32 $0xA;
	[sflag:s30] =	ssyncadd.s32 $0xFFFFD800  }
0x36: {  	_ =	swait.ge [sflag:s10], $0x2800  }
0x37: {  	[sflag:s10] =	ssyncset.done $0x0  }
0x38: {  	[sflag:s10] =	ssyncadd.s32 $0xFFFFD800  }
0x39: {  	_ =	swait.ge [sflag:s0], $0x2800  }
0x3a: {  	[sflag:s0] =	ssyncset.done $0x0  }
0x3b: {  	s15 =	simm.s32 $0xC;
	[sflag:s0] =	ssyncadd.s32 $0xFFFFD800  }
0x3c: {  	_ =	swait.ge [sflag:s15], $0x2800  }
0x3d: {  	[sflag:s15] =	ssyncset.done $0x0  }
0x3e: {  	[sflag:s15] =	ssyncadd.s32 $0xFFFFD800  }
0x3f: {  	[bflag:$0x0] =	sbarrier.arrive $0xFFFF  }
0x40: {  	s15 =	rddreg [dreg:$0x6]  }
0x41: {  	s19 =	rddreg [dreg:$0x10]  }
0x42: {  	s10 =	simm.s32 $0xD;
	s8 =	rddreg [dreg:$0x16]  }
0x43: {  	[hbm:s19], [sflag:s15] =	dma.local [spmem:s8], $0x2700  }
0x44: {  	_ =	swait.ge [sflag:s10], $0x2700  }
0x45: {  	[sflag:s10] =	ssyncset.done $0x0;
	s7 =	rddreg [dreg:$0x11]  }
0x46: {  	s8 =	rddreg [dreg:$0x17];
	[sflag:s10] =	ssyncadd.s32 $0xFFFFD900  }
0x47: {  	[hbm:s7], [sflag:s15] =	dma.local @!p0 [spmem:s8], $0x100  }
0x48: {  	s7 =	simm.s32 @!p0 $0xD  }
0x49: {  	_ =	swait.ge @!p0 [sflag:s7], $0x100  }
0x4a: {  	s19 =	rddreg [dreg:$0x15]  }
0x4b: {  	s28 =	rddreg [dreg:$0x12];
	s19 =	sadd.s32 $0x1, s19  }
0x4c: {  	p1 =	sne.s32 s19, s28  }
.Ltmp1:
0x4d: {  	_ = 	snop;
	(pc) =	sbr.rel @!p1 .LBB2_5-.Ltmp1, $3  }
0x4e: {  	_ =	sdelay $0x1  }
0x4f: {  	[sflag:s7] =	ssyncset.done @!p0 $0x0  }
0x50: {  	[sflag:s7] =	ssyncadd.s32 @!p0 $0xFFFFFF00  }
.LBB2_1:
0x51: {  	[dreg:$0x15] =	wrdreg s19  }
0x52: {  	s7 =	rddreg [dreg:$0x4]  }
0x53: {  	s19 =	rddreg [dreg:$0x5];
	s8 =	sshrl.u32 s7, $0x3  }
0x54: {  	[dreg:$0x16] =	wrdreg s8  }
0x55: {  	[spmem:s8], [sflag:s15] =	dma.local [hbm:s19], $0x2700  }
0x56: {  	_ =	swait.ge [sflag:s10], $0x2700  }
0x57: {  	s7 =	rddreg [dreg:$0x14]  }
0x58: {  	[sflag:s10] =	ssyncset.done $0x0;
	s8 =	sshrl.u32 @!p0 s7, $0x3;
	s7 =	rddreg [dreg:$0x7]  }
0x59: {  	[sflag:s10] =	ssyncadd.s32 $0xFFFFD900;
	[dreg:$0x17] =	wrdreg s8  }
0x5a: {  	[spmem:s8], [sflag:s15] =	dma.local @!p0 [hbm:s7], $0x100  }
0x5b: {  	s7 =	simm.s32 @!p0 $0xD  }
0x5c: {  	_ =	swait.ge @!p0 [sflag:s7], $0x100  }
0x5d: {  	[sflag:s7] =	ssyncset.done @!p0 $0x0  }
0x5e: {  	[sflag:s7] =	ssyncadd.s32 @!p0 $0xFFFFFF00  }
0x5f: {  	[bflag:$0x0] =	sbarrier.arrive $0xFFFF  }
0x60: {  	s28 =	rddreg [dreg:$0x8]  }
0x61: {  	[tilespmem:s31], [sflag:$0x1] =	stream.linear.gather [hbm4b:s28+s3], $0x50, $0x38;
	[tilespmem:$0x1DF00] =	vst v63  }
0x62: {  	s10 =	simm.s32 $0x13B00;
	s8 =	rddreg [dreg:$0x9]  }
0x63: {  	[tilespmem:s10], [sflag:$0x1] =	stream.linear.gather [hbm4b:s8+s3], $0x50, $0x38;
	[tilespmem:$0x1DF00] =	vst v63  }
0x64: {  	s15 =	rddreg [dreg:$0xa];
	s8 =	simm.s32 $0x13980  }
0x65: {  	[tilespmem:s8], [sflag:$0x2] =	stream.linear.gather [hbm4b:s15+s3], $0x50, $0x38;
	[tilespmem:$0x1DF00] =	vst v63  }
0x66: {  	s19 =	rddreg [dreg:$0xb];
	s28 =	simm.s32 $0x13B80  }
0x67: {  	[tilespmem:s28], [sflag:$0x2] =	stream.linear.gather [hbm4b:s19+s3], $0x50, $0x38;
	[tilespmem:$0x1DF00] =	vst v63  }
0x68: {  	s10 =	simm.s32 $0x13A00;
	s15 =	rddreg [dreg:$0xc]  }
0x69: {  	[tilespmem:s10], [sflag:$0x3] =	stream.linear.gather [hbm4b:s15+s3], $0x50, $0x38;
	[tilespmem:$0x1DF00] =	vst v63  }
0x6a: {  	s19 =	rddreg [dreg:$0xd];
	s28 =	simm.s32 $0x13C00  }
0x6b: {  	[tilespmem:s28], [sflag:$0x3] =	stream.linear.gather [hbm4b:s19+s3], $0x50, $0x38;
	[tilespmem:$0x1DF00] =	vst v63  }
0x6c: {  	s15 =	rddreg [dreg:$0xe]  }
0x6d: {  	[tilespmem:s9], [sflag:$0x4] =	stream.linear.gather [hbm4b:s15+s3], $0x50, $0x38;
	[tilespmem:$0x1DF00] =	vst v63  }
0x6e: {  	s19 =	rddreg [dreg:$0xf];
	s28 =	simm.s32 $0x13C80  }
0x6f: {  	[tilespmem:s28], [sflag:$0x4] =	stream.linear.gather [hbm4b:s19+s3], $0x50, $0x38;
	[tilespmem:$0x1DF00] =	vst v63  }
0x70: {  	_ =	swait.ge [sflag:s11], $0x50  }
0x71: {  	[sflag:s11] =	ssyncset.done $0x0  }
0x72: {  	[sflag:s11] =	ssyncadd.s32 $0xFFFFFFB0  }
0x73: {  	_ =	swait.ge [sflag:s11], $0x50  }
0x74: {  	[sflag:s11] =	ssyncset.done $0x0  }
0x75: {  	s19 =	simm.s32 $0x2;
	[sflag:s11] =	ssyncadd.s32 $0xFFFFFFB0  }
0x76: {  	[tilespmem:s13], [sflag:$0x5] =	stream.indirect.gather [hbm4b:s4+s12], $0x80, s31, s12, $0xb8;
	[tilespmem:$0x1DF00] =	vst v63  }
0x77: {  	_ =	swait.ge [sflag:s19], $0x50  }
0x78: {  	[sflag:s19] =	ssyncset.done $0x0  }
0x79: {  	[sflag:s19] =	ssyncadd.s32 $0xFFFFFFB0  }
0x7a: {  	_ =	swait.ge [sflag:s19], $0x50  }
0x7b: {  	[sflag:s19] =	ssyncset.done $0x0  }
0x7c: {  	s28 =	simm.s32 $0x16700;
	[sflag:s19] =	ssyncadd.s32 $0xFFFFFFB0  }
0x7d: {  	[tilespmem:s28], [sflag:$0x6] =	stream.indirect.gather [hbm4b:s4+s12], $0x80, s8, s12, $0xb8;
	[tilespmem:$0x1DF00] =	vst v63  }
0x7e: {  	_ =	swait.ge [sflag:s16], $0x50  }
0x7f: {  	[sflag:s16] =	ssyncset.done $0x0  }
0x80: {  	[sflag:s16] =	ssyncadd.s32 $0xFFFFFFB0  }
0x81: {  	_ =	swait.ge [sflag:s16], $0x50  }
0x82: {  	[sflag:s16] =	ssyncset.done $0x0  }
0x83: {  	s15 =	simm.s32 $0x0;
	s7 =	rddreg [dreg:$0x13];
	[sflag:s16] =	ssyncadd.s32 $0xFFFFFFB0  }
0x84: {  	[tilespmem:s17], [sflag:$0x7] =	stream.indirect.gather [hbm4b:s4+s12], $0x80, s10, s12, $0xb8;
	[tilespmem:$0x1DF00] =	vst v63  }
.LBB2_2:
0x85: {  	_ =	swait.ge [sflag:s18], $0x2800  }
0x86: {  	[sflag:s18] =	ssyncset.done $0x0  }
0x87: {  	[sflag:s18] =	ssyncadd.s32 $0xFFFFD800  }
0x88: {  	v0 =	vld [tilespmem:$0x13B00]  }
0x89: {  	v1 =	vld [tilespmem:$0x13B10]  }
0x8a: {  	v2 =	vld [tilespmem:$0x13B20]  }
0x8b: {  	v3 =	vld [tilespmem:$0x13B30]  }
0x8c: {  	v4 =	vld [tilespmem:$0x13B40]  }
0x8d: {  	[tilespmem:$0x13D00] =	vst v0  }
0x8e: {  	[tilespmem:$0x13D10] =	vst v1  }
0x8f: {  	[tilespmem:$0x13D20] =	vst v2  }
0x90: {  	[tilespmem:$0x13D30] =	vst v3  }
0x91: {  	s8 =	simm.s32 $0x13D00;
	s28 =	sshrl.u32 s7, $0x3;
	[tilespmem:$0x13D40] =	vst v4  }
0x92: {  	[spmem:s2] =	stream.indirect.scatter.add.f32 [tilespmem:s13], [sflag:$0x9], $0x80, s8, s12, $0xb8;
	[tilespmem:$0x1DF00] =	vst v63  }
0x93: {  	s19 =	sadd.s32 s5, s28;
	s10 =	rddreg [dreg:$0x1]  }
0x94: {  	[tilespmem:s31], [sflag:$0x1] =	stream.linear.gather [hbm4b:s19+s3], $0x50, $0x38;
	[tilespmem:$0x1DF00] =	vst v63  }
0x95: {  	p1 =	seq.s32 s15, $0x0;
	s8 =	sadd.s32 s10, s28;
	s10 =	simm.s32 $0x13B00  }
0x96: {  	[tilespmem:s10], [sflag:$0x1] =	stream.linear.gather [hbm4b:s8+s3], $0x50, $0x38;
	[tilespmem:$0x1DF00] =	vst v63  }
0x97: {  	s8 =	simm.s32 @!p1 $0xC  }
0x98: {  	_ =	swait.ge @!p1 [sflag:s8], $0x2800  }
0x99: {  	[sflag:s8] =	ssyncset.done @!p1 $0x0  }
0x9a: {  	[sflag:s8] =	ssyncadd.s32 @!p1 $0xFFFFD800  }
0x9b: {  	_ =	swait.ge [sflag:s20], $0x50  }
0x9c: {  	[sflag:s20] =	ssyncset.done $0x0  }
0x9d: {  	[sflag:s20] =	ssyncadd.s32 $0xFFFFFFB0  }
0x9e: {  	_ =	swait.ge [sflag:s20], $0x50  }
0x9f: {  	[sflag:s20] =	ssyncset.done $0x0  }
0xa0: {  	[sflag:s20] =	ssyncadd.s32 $0xFFFFFFB0  }
0xa1: {  	[tilespmem:s6], [sflag:$0x8] =	stream.indirect.gather [hbm4b:s4+s12], $0x80, s9, s12, $0xb8;
	[tilespmem:$0x1DF00] =	vst v63  }
0xa2: {  	_ =	swait.ge [sflag:s29], $0x2800  }
0xa3: {  	[sflag:s29] =	ssyncset.done $0x0  }
0xa4: {  	[sflag:s29] =	ssyncadd.s32 $0xFFFFD800  }
0xa5: {  	v49 =	vld [tilespmem:$0x13B80]  }
0xa6: {  	v50 =	vld [tilespmem:$0x13B90]  }
0xa7: {  	v51 =	vld [tilespmem:$0x13BA0]  }
0xa8: {  	v52 =	vld [tilespmem:$0x13BB0]  }
0xa9: {  	v53 =	vld [tilespmem:$0x13BC0]  }
0xaa: {  	[tilespmem:$0x13D80] =	vst v49  }
0xab: {  	[tilespmem:$0x13D90] =	vst v50  }
0xac: {  	[tilespmem:$0x13DA0] =	vst v51  }
0xad: {  	[tilespmem:$0x13DB0] =	vst v52  }
0xae: {  	s28 =	simm.s32 $0x13D80;
	s19 =	simm.s32 $0x16700;
	p1 =	seq.s32 s15, $0x4B0;
	[tilespmem:$0x13DC0] =	vst v53  }
0xaf: {  	[spmem:s2] =	stream.indirect.scatter.add.f32 [tilespmem:s19], [sflag:$0xA], $0x80, s28, s12, $0xb8;
	[tilespmem:$0x1DF00] =	vst v63  }
0xb0: {  	s8 =	sadd.s32 @!p1 s15, s26;
	s28 =	simm.s32 @!p1 $0x0;
	s19 =	simm.s32 @!p1 $0x13980  }
0xb1: {  	[tilespmem:s19], [sflag:$0x2] =	stream.linear.gather @!p1 [hbm4b:s8+s28], $0x50, $0x38;
	[tilespmem:$0x1DF00] =	vst v63  }
0xb2: {  	s10 =	simm.s32 @!p1 $0x13B80;
	s8 =	sadd.s32 @!p1 s15, s25  }
0xb3: {  	[tilespmem:s10], [sflag:$0x2] =	stream.linear.gather @!p1 [hbm4b:s8+s28], $0x50, $0x38;
	[tilespmem:$0x1DF00] =	vst v63  }
0xb4: {  	_ =	swait.ge [sflag:s30], $0x2800  }
0xb5: {  	[sflag:s30] =	ssyncset.done $0x0  }
0xb6: {  	[sflag:s30] =	ssyncadd.s32 $0xFFFFD800  }
0xb7: {  	_ =	swait.ge [sflag:s11], $0x50  }
0xb8: {  	[sflag:s11] =	ssyncset.done $0x0  }
0xb9: {  	[sflag:s11] =	ssyncadd.s32 $0xFFFFFFB0  }
0xba: {  	_ =	swait.ge [sflag:s11], $0x50  }
0xbb: {  	[sflag:s11] =	ssyncset.done $0x0  }
0xbc: {  	[sflag:s11] =	ssyncadd.s32 $0xFFFFFFB0  }
0xbd: {  	[tilespmem:s13], [sflag:$0x5] =	stream.indirect.gather [hbm4b:s4+s12], $0x80, s31, s12, $0xb8;
	[tilespmem:$0x1DF00] =	vst v63  }
0xbe: {  	_ =	swait.ge [sflag:s14], $0x2800  }
0xbf: {  	[sflag:s14] =	ssyncset.done $0x0  }
0xc0: {  	[sflag:s14] =	ssyncadd.s32 $0xFFFFD800  }
0xc1: {  	v54 =	vld [tilespmem:$0x13C00]  }
0xc2: {  	v55 =	vld [tilespmem:$0x13C10]  }
0xc3: {  	v56 =	vld [tilespmem:$0x13C20]  }
0xc4: {  	v57 =	vld [tilespmem:$0x13C30]  }
0xc5: {  	v58 =	vld [tilespmem:$0x13C40]  }
0xc6: {  	[tilespmem:$0x13E00] =	vst v54  }
0xc7: {  	[tilespmem:$0x13E10] =	vst v55  }
0xc8: {  	[tilespmem:$0x13E20] =	vst v56  }
0xc9: {  	[tilespmem:$0x13E30] =	vst v57  }
0xca: {  	s10 =	simm.s32 $0x13E00;
	[tilespmem:$0x13E40] =	vst v58  }
0xcb: {  	[spmem:s2] =	stream.indirect.scatter.add.f32 [tilespmem:s17], [sflag:$0xB], $0x80, s10, s12, $0xb8;
	[tilespmem:$0x1DF00] =	vst v63  }
0xcc: {  	s8 =	sadd.s32 @!p1 s15, s24;
	s10 =	simm.s32 @!p1 $0x13A00  }
0xcd: {  	[tilespmem:s10], [sflag:$0x3] =	stream.linear.gather @!p1 [hbm4b:s8+s28], $0x50, $0x38;
	[tilespmem:$0x1DF00] =	vst v63  }
0xce: {  	s8 =	sadd.s32 @!p1 s15, s23;
	s10 =	simm.s32 @!p1 $0x13C00  }
0xcf: {  	[tilespmem:s10], [sflag:$0x3] =	stream.linear.gather @!p1 [hbm4b:s8+s28], $0x50, $0x38;
	[tilespmem:$0x1DF00] =	vst v63  }
0xd0: {  	s8 =	simm.s32 @!p1 $0xA  }
0xd1: {  	_ =	swait.ge @!p1 [sflag:s8], $0x2800  }
0xd2: {  	[sflag:s8] =	ssyncset.done @!p1 $0x0  }
0xd3: {  	[sflag:s8] =	ssyncadd.s32 @!p1 $0xFFFFD800;
	s8 =	simm.s32 @!p1 $0x2  }
0xd4: {  	_ =	swait.ge @!p1 [sflag:s8], $0x50  }
0xd5: {  	[sflag:s8] =	ssyncset.done @!p1 $0x0  }
0xd6: {  	[sflag:s8] =	ssyncadd.s32 @!p1 $0xFFFFFFB0  }
0xd7: {  	_ =	swait.ge @!p1 [sflag:s8], $0x50  }
0xd8: {  	[sflag:s8] =	ssyncset.done @!p1 $0x0  }
0xd9: {  	s10 =	simm.s32 @!p1 $0x16700;
	[sflag:s8] =	ssyncadd.s32 @!p1 $0xFFFFFFB0;
	s8 =	simm.s32 @!p1 $0x50  }
0xda: {  	[tilespmem:s10], [sflag:$0x6] =	stream.indirect.gather @!p1 [hbm4b:s4+s8], $0x80, s19, s8, $0xb8;
	[tilespmem:$0x1DF00] =	vst v63  }
0xdb: {  	_ =	swait.ge [sflag:s1], $0x2800  }
0xdc: {  	[sflag:s1] =	ssyncset.done $0x0  }
0xdd: {  	[sflag:s1] =	ssyncadd.s32 $0xFFFFD800  }
0xde: {  	v59 =	vld [tilespmem:$0x13C80]  }
0xdf: {  	v60 =	vld [tilespmem:$0x13C90]  }
0xe0: {  	v61 =	vld [tilespmem:$0x13CA0]  }
0xe1: {  	v62 =	vld [tilespmem:$0x13CB0]  }
0xe2: {  	v63 =	vld [tilespmem:$0x13CC0]  }
0xe3: {  	[tilespmem:$0x13E80] =	vst v59  }
.Ltmp2:
0xe4: {  	[tilespmem:$0x13E90] =	vst v60;
	(pc) =	sbr.rel @p1 .LBB2_4-.Ltmp2, $4  }
0xe5: {  	[tilespmem:$0x13EA0] =	vst v61  }
0xe6: {  	[tilespmem:$0x13EB0] =	vst v62  }
0xe7: {  	s28 =	simm.s32 $0x13E80;
	[tilespmem:$0x13EC0] =	vst v63  }
0xe8: {  	[spmem:s2] =	stream.indirect.scatter.add.f32 [tilespmem:s6], [sflag:$0xC], $0x80, s28, s12, $0xb8;
	[tilespmem:$0x1DF00] =	vst v63  }
0xe9: {  	s8 =	sadd.s32 s15, s22  }
0xea: {  	[tilespmem:s9], [sflag:$0x4] =	stream.linear.gather [hbm4b:s8+s3], $0x50, $0x38;
	[tilespmem:$0x1DF00] =	vst v63  }
0xeb: {  	s19 =	sadd.s32 s15, s21;
	s10 =	simm.s32 $0x13C80  }
0xec: {  	[tilespmem:s10], [sflag:$0x4] =	stream.linear.gather [hbm4b:s19+s3], $0x50, $0x38;
	[tilespmem:$0x1DF00] =	vst v63  }
0xed: {  	_ =	swait.ge [sflag:s0], $0x2800  }
0xee: {  	[sflag:s0] =	ssyncset.done $0x0  }
0xef: {  	[sflag:s0] =	ssyncadd.s32 $0xFFFFD800  }
0xf0: {  	_ =	swait.ge [sflag:s16], $0x50  }
0xf1: {  	[sflag:s16] =	ssyncset.done $0x0  }
.Ltmp3:
0xf2: {  	[sflag:s16] =	ssyncadd.s32 $0xFFFFFFB0;
	(pc) =	sbr.rel .LBB2_2-.Ltmp3, $4  }
0xf3: {  	_ =	swait.ge [sflag:s16], $0x50  }
0xf4: {  	s28 =	simm.s32 $0x13A00;
	[sflag:s16] =	ssyncset.done $0x0  }
0xf5: {  	s15 =	sadd.s32 $0x28, s15;
	s7 =	sadd.s32 $0x140, s7;
	[sflag:s16] =	ssyncadd.s32 $0xFFFFFFB0  }
0xf6: {  	[tilespmem:s17], [sflag:$0x7] =	stream.indirect.gather [hbm4b:s4+s12], $0x80, s28, s12, $0xb8;
	[tilespmem:$0x1DF00] =	vst v63  }
.LBB2_5:
0xf7: {  	_ =	sfence.sel $0x180000  }
0xf8: {  	[bflag:$0x0] =	sbarrier.arrive $0xFFFF  }
0xf9: {  	_ =	strace $0x9000004A  }
0xfa: {  	[bflag:$0x2] =	sbarrier.arrive $0xFFFF  }
0xfb: {  	s0 =	rddreg [dreg:$0x3]  }
0xfc: {  	s0 =	sadd.s32 @!p0 $0x100000, s0  }
0xfd: {  	[sflag:s0] =	ssyncadd.tile.s32 @!p0 $0x1;
	_ =	shalt  }
.Lfunc_end2:
_tile_overlayer_lowered:
.L_overlay_start_2:
0xfe: {  	(tag) =	ssettag $0x2  }
0xff: {  	s0 =	rddreg [dreg:$0x0];
	s2 =	stileid.u32  }
0x100: {  	s1 =	rddreg [dreg:$0x1];
	p0 =	sne.s32 s2, $0x0  }
0x101: {  	s3 =	rddreg [dreg:$0x2];
	[bflag:$0x3] =	sbarrier.arrive $0xFFFF;
	s2 =	simm.s32 @!p0 $0x1C0D  }
0x102: {  	[timem:s3], [sflag:s2] =	dma.local @!p0 [hbm:s0], s1  }
0x103: {  	s0 =	simm.s32 @!p0 $0xD  }
0x104: {  	_ =	swait.ge @!p0 [sflag:s0], s1  }
0x105: {  	s1 =	ssub.s32 @!p0 $0x0, s1;
	[sflag:s0] =	ssyncset.done @!p0 $0x0  }
0x106: {  	[sflag:s0] =	ssyncadd.s32 @!p0 s1  }
0x107: {  	[bflag:$0x3] =	sbarrier.arrive $0xFFFF  }
0x108: {  	_ =	shalt  }

// kernel: kernel.8.cloned.1.call-start
scs
__scs_entry_jumppad:
0x0: {  	(pc) =	sbr.rel $0x88, $3  }
0x1: {  	(tag) =	ssettag $0x0;
	lr =	simm.s32 $0x1  }
0x2: {  	[smem:$0x3F97] =	sst lr;
	_ =	strace $0xD0000000  }
0x3: {  	_ = 	snop  }
0x4: {  	_ = 	snop  }
0x5: {  	_ = 	snop  }
0x6: {  	_ = 	snop  }
0x7: {  	_ = 	snop  }
__scs_overlays_trampoline_lowered:
0x8: {  	[smem:$0x3FA6] =	sst s0  }
0x9: {  	[smem:$0x3FA7] =	sst s1  }
0xa: {  	[smem:$0x3FA8] =	sst s2  }
0xb: {  	[smem:$0x3FA9] =	sst s3  }
0xc: {  	[smem:$0x3FAA] =	sst s4  }
0xd: {  	[smem:$0x3FAB] =	sst s5  }
0xe: {  	[smem:$0x3FAC] =	sst s6  }
0xf: {  	[smem:$0x3FAD] =	sst s7  }
0x10: {  	[smem:$0x3FAE] =	sst s8  }
0x11: {  	[smem:$0x3FAF] =	sst s9;
	s0 =	simm.s32 @!p0 $0x0  }
0x12: {  	s1 =	sld [smem:$0x3F95];
	s0 =	simm.s32 @p0 $0x1  }
0x13: {  	[smem:$0x3FB0] =	sst s0;
	s0 =	simm.s32 @!p1 $0x0  }
0x14: {  	s2 =	sld [smem:$0x3F94];
	s0 =	simm.s32 @p1 $0x1  }
0x15: {  	[smem:$0x3FB1] =	sst s0;
	s0 =	simm.s32 @!p2 $0x0  }
0x16: {  	s3 =	sld [smem:$0x3FDB];
	s0 =	simm.s32 @p2 $0x1  }
0x17: {  	s4 =	simm.s32 $0x1BF5;
	[smem:$0x3FB3] =	sst s0  }
0x18: {  	s0 =	sld [smem:$0x3F96];
	_ =	swait.ge [sflag:s4], $0x0  }
0x19: {  	s7 =	sld [smem:$0x3F97]  }
0x1a: {  	s8 =	sadd.s32 $0xFFFFE003, lr  }
0x1b: {  	s9 =	sadd.s32 $0xFFFFFEF7, lr;
	s5 =	simm.s32 $0xFFFFFFFF;
	p2 =	slt.u32 s8, $0xFFFFF086  }
0x1c: {  	p1 =	slt.u32 s9, $0xF7A;
	s5 =	simm.s32 @!p2 $0x0  }
0x1d: {  	s5 =	simm.s32 @p1 $0x1;
	p0 =	seq.s32 s7, s2  }
0x1e: {  	s7 =	smul.u32 @!p0 $0xF7A, s2;
	p2 =	seq.s32 @!p0 s5, $0x0  }
0x1f: {  	s9 =	smul.u32 $0xF7A, s1;
	s8 =	simm.s32 @!p0 $0x1BF5;
	p2 =	por !p2, p0  }
0x20: {  	[sflag:s8] =	ssyncset.s32 @!p0 $0xFFFFF086;
	s6 =	sadd.s32 @!p0 s3, s7;
	s7 =	simm.s32 @!p0 $0x108  }
0x21: {  	s3 =	sadd.s32 s3, s9;
	s6 =	sadd.s32 @!p0 $0x88, s6;
	s7 =	simm.s32 @p2 $0x1082  }
0x22: {  	[simem:s7], [sflag:s8] =	dma.local @!p0 [hbm:s6], $0xF7A  }
0x23: {  	s9 =	sor.u32 $0xD0000000, s2;
	s6 =	simm.s32 $0x108;
	_ =	swait.ge @!p0 [sflag:s8], $0x0  }
0x24: {  	s3 =	sadd.s32 $0x88, s3;
	s6 =	simm.s32 @!p1 $0x1082;
	[sflag:s4] =	ssyncset.s32 $0xFFFFF086  }
0x25: {  	[simem:s6], [sflag:s4] =	dma.local [hbm:s3], $0xF7A  }
0x26: {  	[smem:$0x3F97] =	sst s1;
	(tag) =	ssettag s2;
	_ =	strace s9  }
0x27: {  	s1 =	sld [smem:$0x3FA7]  }
0x28: {  	s2 =	sld [smem:$0x3FA8]  }
0x29: {  	s4 =	sld [smem:$0x3FAA]  }
0x2a: {  	p0 =	seq.s32 s5, $0x0;
	s5 =	sld [smem:$0x3FAB]  }
0x2b: {  	s6 =	sld [smem:$0x3FAC]  }
0x2c: {  	s7 =	sld [smem:$0x3FAD]  }
0x2d: {  	s3 =	simm.s32 $0x108;
	s8 =	sld [smem:$0x3FAE]  }
0x2e: {  	s3 =	simm.s32 @!p0 $0x1082;
	s9 =	sld [smem:$0x3FAF]  }
0x2f: {  	lr =	sadd.s32 s0, s3;
	s0 =	sld [smem:$0x3FA6]  }
0x30: {  	s3 =	sld [smem:$0x3FA9]  }
0x31: {  	[smem:$0x3FB2] =	sst s10  }
0x32: {  	s10 =	sld [smem:$0x3FB0];
	_ =	sdelay $0x3  }
0x33: {  	p0 =	seq.s32 s10, $0x1;
	s10 =	sld [smem:$0x3FB2];
	_ =	sdelay $0x3  }
0x34: {  	[smem:$0x3FB2] =	sst s10  }
0x35: {  	s10 =	sld [smem:$0x3FB1];
	_ =	sdelay $0x3  }
0x36: {  	p1 =	seq.s32 s10, $0x1;
	s10 =	sld [smem:$0x3FB2];
	_ =	sdelay $0x3  }
0x37: {  	[smem:$0x3FB2] =	sst s10  }
0x38: {  	s10 =	sld [smem:$0x3FB3]  }
0x39: {  	_ = 	snop;
	(pc) =	sbr.ind lr, $3  }
0x3a: {  	_ = 	snop  }
0x3b: {  	_ = 	snop  }
0x3c: {  	p2 =	seq.s32 s10, $0x1;
	s10 =	sld [smem:$0x3FB2]  }
0x3d: {  	_ =	shalt  }
0x3e: {  	_ =	shalt  }
0x3f: {  	_ =	shalt  }
0x40: {  	_ =	shalt  }
0x41: {  	_ =	shalt  }
0x42: {  	_ =	shalt  }
0x43: {  	_ =	shalt  }
0x44: {  	_ =	shalt  }
0x45: {  	_ =	shalt  }
0x46: {  	_ =	shalt  }
0x47: {  	_ =	shalt  }
0x48: {  	_ =	shalt  }
0x49: {  	_ =	shalt  }
0x4a: {  	_ =	shalt  }
0x4b: {  	_ =	shalt  }
0x4c: {  	_ =	shalt  }
0x4d: {  	_ =	shalt  }
0x4e: {  	_ =	shalt  }
0x4f: {  	_ =	shalt  }
0x50: {  	_ =	shalt  }
0x51: {  	_ =	shalt  }
0x52: {  	_ =	shalt  }
0x53: {  	_ =	shalt  }
0x54: {  	_ =	shalt  }
0x55: {  	_ =	shalt  }
0x56: {  	_ =	shalt  }
0x57: {  	_ =	shalt  }
0x58: {  	_ =	shalt  }
0x59: {  	_ =	shalt  }
0x5a: {  	_ =	shalt  }
0x5b: {  	_ =	shalt  }
0x5c: {  	_ =	shalt  }
0x5d: {  	_ =	shalt  }
0x5e: {  	_ =	shalt  }
0x5f: {  	_ =	shalt  }
0x60: {  	_ =	shalt  }
0x61: {  	_ =	shalt  }
0x62: {  	_ =	shalt  }
0x63: {  	_ =	shalt  }
0x64: {  	_ =	shalt  }
0x65: {  	_ =	shalt  }
0x66: {  	_ =	shalt  }
0x67: {  	_ =	shalt  }
0x68: {  	_ =	shalt  }
0x69: {  	_ =	shalt  }
0x6a: {  	_ =	shalt  }
0x6b: {  	_ =	shalt  }
0x6c: {  	_ =	shalt  }
0x6d: {  	_ =	shalt  }
0x6e: {  	_ =	shalt  }
0x6f: {  	_ =	shalt  }
0x70: {  	_ =	shalt  }
0x71: {  	_ =	shalt  }
0x72: {  	_ =	shalt  }
0x73: {  	_ =	shalt  }
0x74: {  	_ =	shalt  }
0x75: {  	_ =	shalt  }
0x76: {  	_ =	shalt  }
0x77: {  	_ =	shalt  }
0x78: {  	_ =	shalt  }
0x79: {  	_ =	shalt  }
0x7a: {  	_ =	shalt  }
0x7b: {  	_ =	shalt  }
0x7c: {  	_ =	shalt  }
0x7d: {  	_ =	shalt  }
0x7e: {  	_ =	shalt  }
0x7f: {  	_ =	shalt  }
0x80: {  	_ =	shalt  }
0x81: {  	_ =	shalt  }
0x82: {  	_ =	shalt  }
0x83: {  	_ =	shalt  }
0x84: {  	_ =	shalt  }
0x85: {  	_ =	shalt  }
0x86: {  	_ =	shalt  }
0x87: {  	_ =	shalt  }
.Lfunc_end0:
.L_simem_size_0:
called_computation_lowered:
.L_overlay_start_0:
0x88: {  	s2 =	sld [smem:$0x3FD9]  }
0x89: {  	s3 =	sld [smem:$0x3FFE];
	_ =	sdelay $0x1  }
0x8a: {  	s1 =	srdreg.scid  }
0x8b: {  	s0 =	sand.u32 $0x1, s1  }
0x8c: {  	s17 =	sshll.u32 s0, $0xA;
	s2 =	sadd.s32 s3, s2  }
0x8d: {  	s2 =	sadd.s32 s2, s17  }
0x8e: {  	[smem:$0x3FBE] =	sst s2  }
0x8f: {  	_ = 	snop  }
0x90: {  	s2 =	sld [smem:$0x3FC9]  }
0x91: {  	s18 =	sld [smem:$0x3FD0];
	(tm) =	ssettm $0x1  }
0x92: {  	s4 =	sld [smem:$0x3FFB];
	_ =	sdelay $0x3  }
0x93: {  	_ =	strace s4  }
0x94: {  	s4 =	sld [smem:$0x3FFC];
	_ =	sdelay $0x3  }
0x95: {  	_ =	strace s4  }
0x96: {  	s4 =	sld [smem:$0x3FFD];
	_ =	sdelay $0x3  }
0x97: {  	_ =	strace s4  }
0x98: {  	_ =	strace $0x8FFFFFFF  }
0x99: {  	s19 =	sld [smem:$0x3FDB];
	_ =	sdelay $0x1  }
0x9a: {  	s5 =	simm.s32 $_scs_section_size  }
0x9b: {  	s6 =	simm.s32 $_size__tile_overlayer_lowered;
	s7 =	simm.s32 $_tile_overlayer_lowered  }
0x9c: {  	s22 =	simm.s32 $0x1BFF;
	s21 =	sshll.u32 s7, $0x1;
	s4 =	sadd.s32 s5, s19  }
0x9d: {  	s8 =	simm.s32 $0x0;
	s20 =	sshll.u32 s6, $0x1;
	s6 =	sadd.s32 s21, s4  }
0x9e: {  	[timem:s8], [sflag:s22] =	dma.local [hbm:s6], s20  }
0x9f: {  	_ =	swait.ge [sflag:s22], s20  }
0xa0: {  	s5 =	ssub.s32 $0x0, s20;
	[sflag:s22] =	ssyncset.done $0x0  }
0xa1: {  	[sflag:s22] =	ssyncadd.s32 s5;
	_ =	sdelay $0x1  }
0xa2: {  	s23 =	simm.s32 $0x1B8B  }
0xa3: {  	_ =	swait.ge [sflag:s23], $0x1  }
0xa4: {  	[sflag:s23] =	ssyncset.done $0x0  }
0xa5: {  	s25 =	simm.s32 $0x1B8E;
	s24 =	sld [smem:$0x3FFE];
	[sflag:s23] =	ssyncadd.s32 $0xFFFFFFFF  }
0xa6: {  	s26 =	simm.s32 $execute0_lowered;
	[smem:$0x3FD2] =	sst s25  }
0xa7: {  	s6 =	sshll.u32 s26, $0x1;
	_ =	strace $0x80000046;
	[dreg:$0x1] =	wrdreg $0xFFFFFFFF  }
0xa8: {  	s28 =	simm.s32 $_size_execute0_lowered;
	s4 =	sadd.s32 s4, s6;
	[dreg:$0x0] =	wrdreg $0x0  }
0xa9: {  	s6 =	sshll.u32 s28, $0x1;
	[dreg:$0x2] =	wrdreg s4  }
0xaa: {  	[dreg:$0x3] =	wrdreg s6  }
0xab: {  	[dreg:$0x4] =	wrdreg $0xC0  }
0xac: {  	_ =	task [dreg:s8], $0x5FFFF  }
0xad: {  	[dreg:$0x1] =	wrdreg $0xFFFFFFFF  }
0xae: {  	[dreg:$0x0] =	wrdreg $0x60  }
0xaf: {  	[dreg:$0x2] =	wrdreg s2  }
0xb0: {  	[dreg:$0x3] =	wrdreg s24  }
0xb1: {  	[dreg:$0x4] =	wrdreg s18  }
0xb2: {  	[dreg:$0x5] =	wrdreg $0x27800  }
0xb3: {  	[dreg:$0x6] =	wrdreg $0x9  }
0xb4: {  	_ =	task.clear_ibuf [dreg:s8], $0x7FFFF;
	_ =	strace $0x90000046  }
0xb5: {  	s29 =	simm.s32 $0x9;
	_ =	strace $0x80000048  }
0xb6: {  	_ =	swait.ge [sflag:s29], $0x1  }
0xb7: {  	[sflag:s29] =	ssyncadd.s32 $0xFFFFFFFF  }
0xb8: {  	_ =	strace $0x90000048  }
0xb9: {  	_ =	sfence  }
0xba: {  	s30 =	sld [smem:$0x0];
	_ =	sdelay $0x2  }
0xbb: {  	s31 =	sshll.u32 s1, $0xD;
	s1 =	sshrl.u32 s1, $0x2  }
0xbc: {  	s3 =	sand.u32 $0x4000, s31;
	s1 =	sadd.s32 s1, s30  }
0xbd: {  	s0 =	sor.u32 s3, s0;
	s1 =	sshll.u32 s1, $0x11  }
0xbe: {  	s0 =	sor.u32 s1, s0  }
0xbf: {  	s0 =	sadd.s32 $0x8F2B, s0  }
0xc0: {  	[sflag:s0] =	ssyncadd.remote.s32 $0x1  }
0xc1: {  	_ =	sfence.sel $0xFFFF  }
0xc2: {  	[dreg:$0x0] =	wrdreg $0xFFFFFFFF;
	(pc) =	sbr.abs _section_cstart, $3  }
0xc3: {  	[dreg:$0x1] =	wrdreg $0xFFFFFFFF  }
0xc4: {  	_ =	task.clear_ibuf [dreg:s8], $0x2FFFF;
	_ =	strace $0x9FFFFFFF  }
0xc5: {  	(tm) =	ssettm $0x7FFFFFFF  }
tec
execute0_lowered:
.L_overlay_start_1:
0x0: {  	(tag) =	ssettag $0x1  }
0x1: {  	s1 =	rddreg [dreg:$0x0]  }
0x2: {  	s0 =	rddreg [dreg:$0x1]  }
0x3: {  	s2 =	rddreg [dreg:$0x2]  }
0x4: {  	s3 =	rddreg [dreg:$0x3]  }
0x5: {  	s4 =	simm.s32 $0x0;
	s6 =	stileid.u32;
	s5 =	srdreg.scid  }
0x6: {  	s28 =	simm.s32 $0x16280;
	s29 =	simm.s32 $0x16180;
	s31 =	simm.s32 $0x1  }
0x7: {  	s30 =	simm.s32 $0x16500;
	[smem:$0x7FF] =	sst s4;
	s7 =	smul.u32 $0x13800, s6  }
0x8: {  	s8 =	sand.u32 $0x1, s5;
	s15 =	sshll.u32 s6, $0x1;
	s5 =	sadd.s32 $0x2400, s0  }
0x9: {  	s11 =	sadd.s32 $0x33400, s0;
	s16 =	smul.u32 $0x4E000, s6;
	s12 =	sadd.s32 $0x3D800, s0  }
0xa: {  	s19 =	sshll.u32 s6, $0x6;
	s20 =	smul.u32 $0x4E20, s6;
	s21 =	sadd.s32 $0x138000, s3  }
0xb: {  	p0 =	sne.s32 s6, $0x0;
	s6 =	simm.s32 $0x2;
	_ =	strace $0x80000047  }
0xc: {  	s9 =	sor.u32 s8, s15;
	[dreg:$0xa] =	wrdreg s11;
	s22 =	smul.u32 $0x2710, s8  }
0xd: {  	s17 =	ssub.s32 $0x2, s8;
	[dreg:$0xe] =	wrdreg s21;
	s8 =	smul.u32 $0x138800, s8  }
0xe: {  	s10 =	sshrl.u32 s7, $0x3;
	s9 =	smul.u32 $0x2710, s9;
	s15 =	sshrl.u32 s17, $0x1  }
0xf: {  	s11 =	sshrl.u32 s16, $0x2;
	s10 =	sadd.s32 s10, s0;
	s15 =	ssub.s32 s17, s15  }
0x10: {  	s18 =	sadd.s32 s11, s3;
	s7 =	sadd.s32 s7, s8;
	s16 =	sshrl.u32 s8, $0x3  }
0x11: {  	s13 =	sshrl.u32 s9, $0x3;
	[dreg:$0xb] =	wrdreg s18;
	s10 =	sadd.s32 $0xC200, s10  }
0x12: {  	s18 =	sor.u32 $0x1C0A, s19;
	s7 =	sshrl.u32 s7, $0x3;
	[dreg:$0xc] =	wrdreg s10  }
0x13: {  	s14 =	sadd.s32 s13, s0;
	s0 =	sadd.s32 $0x33200, s0;
	[dreg:$0xd] =	wrdreg s18  }
0x14: {  	s23 =	sadd.s32 s5, s13;
	s24 =	sadd.s32 $0xA, s13;
	[dreg:$0xf] =	wrdreg s0  }
0x15: {  	s25 =	sadd.s32 s2, s13;
	s13 =	sadd.s32 $0x14, s13;
	[dreg:$0x10] =	wrdreg s23  }
0x16: {  	s7 =	sadd.s32 s12, s7;
	[dreg:$0x11] =	wrdreg s25;
	s26 =	sadd.s32 s5, s24  }
0x17: {  	s0 =	sadd.s32 s22, s20;
	s11 =	sadd.s32 s2, s24;
	[dreg:$0x14] =	wrdreg s7  }
0x18: {  	s7 =	sadd.s32 s12, s16;
	s20 =	sadd.s32 s5, s13;
	s21 =	sadd.s32 s2, s13  }
0x19: {  	s24 =	sadd.s32 $0x33A00, s14;
	s25 =	smax.u32 s15, $0x1;
	[dreg:$0x12] =	wrdreg s26  }
0x1a: {  	s12 =	simm.s32 $0x1B500;
	s13 =	simm.s32 $0x5;
	[dreg:$0x13] =	wrdreg s11  }
0x1b: {  	s14 =	simm.s32 $0x16400;
	s15 =	simm.s32 $0x7;
	[dreg:$0x15] =	wrdreg s20  }
0x1c: {  	s16 =	simm.s32 $0x6;
	s10 =	sadd.s32 $0x190, s0;
	[dreg:$0x16] =	wrdreg s21  }
0x1d: {  	s19 =	sadd.s32 $0x140, s0;
	s7 =	sadd.s32 $0x27000, s7;
	[dreg:$0x18] =	wrdreg s24  }
0x1e: {  	[dreg:$0x19] =	wrdreg s25;
	s0 =	sadd.s32 $0xF0, s0;
	s26 =	simm.s32 $0x16480  }
0x1f: {  	s20 =	simm.s32 $0xA;
	s24 =	simm.s32 $0x16080;
	[dreg:$0x17] =	wrdreg s7  }
0x20: {  	s25 =	simm.s32 $0x16200;
	s11 =	simm.s32 $0x3;
	[dreg:$0x1a] =	wrdreg s0  }
0x21: {  	s10 =	sshrl.u32 s10, $0x3;
	s8 =	sshrl.u32 s19, $0x3;
	[dreg:$0x9] =	wrdreg s26  }
0x22: {  	s26 =	simm.s32 $0x16100;
	s0 =	simm.s32 $0x50;
	s17 =	sadd.s32 s10, s2  }
0x23: {  	s7 =	simm.s32 $0x18D00;
	s10 =	sadd.s32 s10, s5;
	[dreg:$0x5] =	wrdreg s17  }
0x24: {  	s19 =	simm.s32 $0x0;
	s22 =	sadd.s32 s8, s2;
	[dreg:$0x6] =	wrdreg s10  }
0x25: {  	s23 =	sadd.s32 s8, s5;
	s8 =	simm.s32 $0x4;
	[dreg:$0x7] =	wrdreg s22  }
0x26: {  	v0 =	vimm.f32 $1.000000000e+00;
	[dreg:$0x8] =	wrdreg s23;
	s10 =	simm.s32 $0x16380;
	s17 =	simm.s32 $0x8  }
.LBB2_1:
0x27: {  	s9 =	rddreg [dreg:$0xb]  }
0x28: {  	s23 =	rddreg [dreg:$0xc];
	s21 =	sshrl.u32 s9, $0x3  }
0x29: {  	[dreg:$0x1b] =	wrdreg s21  }
0x2a: {  	[spmem:s21], [sflag:s18] =	dma.local [hbm:s23], $0x2700  }
0x2b: {  	_ =	swait.ge [sflag:s20], $0x2700  }
0x2c: {  	s9 =	rddreg [dreg:$0xe]  }
0x2d: {  	[sflag:s20] =	ssyncset.done $0x0;
	s21 =	sshrl.u32 @!p0 s9, $0x3;
	s9 =	rddreg [dreg:$0xf]  }
0x2e: {  	[sflag:s20] =	ssyncadd.s32 $0xFFFFD900;
	[dreg:$0x1c] =	wrdreg s21  }
0x2f: {  	[spmem:s21], [sflag:s18] =	dma.local @!p0 [hbm:s9], $0x100  }
0x30: {  	s18 =	simm.s32 @!p0 $0xA  }
0x31: {  	_ =	swait.ge @!p0 [sflag:s18], $0x100  }
0x32: {  	[sflag:s18] =	ssyncset.done @!p0 $0x0  }
0x33: {  	s21 =	rddreg [dreg:$0xa];
	[sflag:s18] =	ssyncadd.s32 @!p0 $0xFFFFFF00  }
0x34: {  	[tilespmem:s4], [sflag:$0xA] =	stream.linear.gather [hbm4b:s21+s4], $0x2710, $0x38;
	[tilespmem:$0x1DD00] =	vst v63  }
0x35: {  	_ =	swait.ge [sflag:s20], $0x2710  }
0x36: {  	[sflag:s20] =	ssyncset.done $0x0  }
0x37: {  	[sflag:s20] =	ssyncadd.s32 $0xFFFFD8F0  }
0x38: {  	[bflag:$0x0] =	sbarrier.arrive $0xFFFF  }
0x39: {  	s22 =	rddreg [dreg:$0x10]  }
0x3a: {  	[tilespmem:s24], [sflag:$0x1] =	stream.linear.gather [hbm4b:s22+s4], $0x50, $0x38;
	[tilespmem:$0x1DD00] =	vst v63  }
0x3b: {  	s23 =	rddreg [dreg:$0x11]  }
0x3c: {  	[tilespmem:s25], [sflag:$0x1] =	stream.linear.gather [hbm4b:s23+s4], $0x50, $0x38;
	[tilespmem:$0x1DD00] =	vst v63  }
0x3d: {  	s18 =	rddreg [dreg:$0x12]  }
0x3e: {  	[tilespmem:s26], [sflag:$0x2] =	stream.linear.gather [hbm4b:s18+s4], $0x50, $0x38;
	[tilespmem:$0x1DD00] =	vst v63  }
0x3f: {  	s20 =	rddreg [dreg:$0x13]  }
0x40: {  	[tilespmem:s28], [sflag:$0x2] =	stream.linear.gather [hbm4b:s20+s4], $0x50, $0x38;
	[tilespmem:$0x1DD00] =	vst v63  }
0x41: {  	s21 =	rddreg [dreg:$0x15]  }
0x42: {  	[tilespmem:s29], [sflag:$0x3] =	stream.linear.gather [hbm4b:s21+s4], $0x50, $0x38;
	[tilespmem:$0x1DD00] =	vst v63  }
0x43: {  	s22 =	rddreg [dreg:$0x16];
	s23 =	simm.s32 $0x16300  }
0x44: {  	[tilespmem:s23], [sflag:$0x3] =	stream.linear.gather [hbm4b:s22+s4], $0x50, $0x38;
	[tilespmem:$0x1DD00] =	vst v63  }
0x45: {  	_ =	swait.ge [sflag:s31], $0x50  }
0x46: {  	[sflag:s31] =	ssyncset.done $0x0  }
0x47: {  	[sflag:s31] =	ssyncadd.s32 $0xFFFFFFB0  }
0x48: {  	_ =	swait.ge [sflag:s31], $0x50  }
0x49: {  	[sflag:s31] =	ssyncset.done $0x0  }
0x4a: {  	[sflag:s31] =	ssyncadd.s32 $0xFFFFFFB0  }
0x4b: {  	[tilespmem:s30], [sflag:$0x4] =	stream.indirect.gather [hbm4b:s1+s0], $0x80, s24, s0, $0xb8;
	[tilespmem:$0x1DD00] =	vst v63  }
0x4c: {  	_ =	swait.ge [sflag:s6], $0x50  }
0x4d: {  	[sflag:s6] =	ssyncset.done $0x0  }
0x4e: {  	[sflag:s6] =	ssyncadd.s32 $0xFFFFFFB0  }
0x4f: {  	_ =	swait.ge [sflag:s6], $0x50  }
0x50: {  	[sflag:s6] =	ssyncset.done $0x0  }
0x51: {  	s18 =	simm.s32 $0x0;
	s22 =	rddreg [dreg:$0x1a];
	[sflag:s6] =	ssyncadd.s32 $0xFFFFFFB0  }
0x52: {  	[tilespmem:s7], [sflag:$0x5] =	stream.indirect.gather [hbm4b:s1+s0], $0x80, s26, s0, $0xb8;
	[tilespmem:$0x1DD00] =	vst v63  }
.LBB2_2:
0x53: {  	_ =	swait.ge [sflag:s8], $0x2800  }
0x54: {  	[sflag:s8] =	ssyncset.done $0x0  }
0x55: {  	[sflag:s8] =	ssyncadd.s32 $0xFFFFD800  }
0x56: {  	v1 =	vld [tilespmem:$0x16200]  }
0x57: {  	v2 =	vld [tilespmem:$0x16210]  }
0x58: {  	v3 =	vld [tilespmem:$0x16220]  }
0x59: {  	v4 =	vld [tilespmem:$0x16230]  }
0x5a: {  	v5 =	vld [tilespmem:$0x16240]  }
0x5b: {  	[tilespmem:$0x16380] =	vst v1  }
0x5c: {  	[tilespmem:$0x16390] =	vst v2  }
0x5d: {  	[tilespmem:$0x163A0] =	vst v3  }
0x5e: {  	[tilespmem:$0x163B0] =	vst v4  }
0x5f: {  	[tilespmem:$0x163C0] =	vst v5  }
0x60: {  	[spmem:s3] =	stream.indirect.scatter.add.f32 [tilespmem:s30], [sflag:$0x7], $0x80, s10, s0, $0xb8;
	[tilespmem:$0x1DD00] =	vst v63  }
0x61: {  	v1 =	vld [tilespmem:$0x16380];
	_ =	sdelay $0x7  }
0x62: {  	[tilespmem:v1+s4+$0x0] =	vst.idx.add.f32.msk $0xffff, v0  }
0x63: {  	v1 =	vld [tilespmem:$0x16390];
	_ =	sdelay $0x7  }
0x64: {  	[tilespmem:v1+s4+$0x0] =	vst.idx.add.f32.msk $0xffff, v0  }
0x65: {  	v1 =	vld [tilespmem:$0x163A0];
	_ =	sdelay $0x7  }
0x66: {  	[tilespmem:v1+s4+$0x0] =	vst.idx.add.f32.msk $0xffff, v0  }
0x67: {  	v1 =	vld [tilespmem:$0x163B0];
	_ =	sdelay $0x7  }
0x68: {  	[tilespmem:v1+s4+$0x0] =	vst.idx.add.f32.msk $0xffff, v0  }
0x69: {  	v1 =	vld [tilespmem:$0x163C0];
	_ =	sdelay $0x6  }
0x6a: {  	s20 =	sshrl.u32 s22, $0x3  }
0x6b: {  	s21 =	sadd.s32 s5, s20;
	[tilespmem:v1+s4+$0x0] =	vst.idx.add.f32.msk $0xffff, v0  }
0x6c: {  	[tilespmem:s24], [sflag:$0x1] =	stream.linear.gather [hbm4b:s21+s4], $0x50, $0x38;
	[tilespmem:$0x1DD00] =	vst v63  }
0x6d: {  	p1 =	seq.s32 s18, $0x0;
	s20 =	sadd.s32 s2, s20  }
0x6e: {  	[tilespmem:s25], [sflag:$0x1] =	stream.linear.gather [hbm4b:s20+s4], $0x50, $0x38;
	[tilespmem:$0x1DD00] =	vst v63  }
0x6f: {  	s20 =	simm.s32 @!p1 $0x9  }
0x70: {  	_ =	swait.ge @!p1 [sflag:s20], $0x2800  }
0x71: {  	[sflag:s20] =	ssyncset.done @!p1 $0x0  }
0x72: {  	[sflag:s20] =	ssyncadd.s32 @!p1 $0xFFFFD800  }
0x73: {  	_ =	swait.ge [sflag:s11], $0x50  }
0x74: {  	[sflag:s11] =	ssyncset.done $0x0  }
0x75: {  	[sflag:s11] =	ssyncadd.s32 $0xFFFFFFB0  }
0x76: {  	_ =	swait.ge [sflag:s11], $0x50  }
0x77: {  	[sflag:s11] =	ssyncset.done $0x0  }
0x78: {  	[sflag:s11] =	ssyncadd.s32 $0xFFFFFFB0  }
0x79: {  	[tilespmem:s12], [sflag:$0x6] =	stream.indirect.gather [hbm4b:s1+s0], $0x80, s29, s0, $0xb8;
	[tilespmem:$0x1DD00] =	vst v63  }
0x7a: {  	_ =	swait.ge [sflag:s13], $0x2800  }
0x7b: {  	[sflag:s13] =	ssyncset.done $0x0  }
0x7c: {  	[sflag:s13] =	ssyncadd.s32 $0xFFFFD800  }
0x7d: {  	v1 =	vld [tilespmem:$0x16280]  }
0x7e: {  	v2 =	vld [tilespmem:$0x16290]  }
0x7f: {  	v3 =	vld [tilespmem:$0x162A0]  }
0x80: {  	v60 =	vld [tilespmem:$0x162B0]  }
0x81: {  	v61 =	vld [tilespmem:$0x162C0]  }
0x82: {  	[tilespmem:$0x16400] =	vst v1  }
0x83: {  	[tilespmem:$0x16410] =	vst v2  }
0x84: {  	[tilespmem:$0x16420] =	vst v3  }
0x85: {  	[tilespmem:$0x16430] =	vst v60  }
0x86: {  	[tilespmem:$0x16440] =	vst v61  }
0x87: {  	[spmem:s3] =	stream.indirect.scatter.add.f32 [tilespmem:s7], [sflag:$0x8], $0x80, s14, s0, $0xb8;
	[tilespmem:$0x1DD00] =	vst v63  }
0x88: {  	v1 =	vld [tilespmem:$0x16400];
	_ =	sdelay $0x7  }
0x89: {  	[tilespmem:v1+s4+$0x0] =	vst.idx.add.f32.msk $0xffff, v0  }
0x8a: {  	v1 =	vld [tilespmem:$0x16410];
	_ =	sdelay $0x7  }
0x8b: {  	[tilespmem:v1+s4+$0x0] =	vst.idx.add.f32.msk $0xffff, v0  }
0x8c: {  	v1 =	vld [tilespmem:$0x16420];
	_ =	sdelay $0x7  }
0x8d: {  	[tilespmem:v1+s4+$0x0] =	vst.idx.add.f32.msk $0xffff, v0  }
0x8e: {  	v1 =	vld [tilespmem:$0x16430];
	_ =	sdelay $0x7  }
0x8f: {  	[tilespmem:v1+s4+$0x0] =	vst.idx.add.f32.msk $0xffff, v0  }
0x90: {  	v1 =	vld [tilespmem:$0x16440];
	_ =	sdelay $0x6  }
0x91: {  	s23 =	rddreg [dreg:$0x8]  }
0x92: {  	s9 =	rddreg [dreg:$0x7];
	s20 =	sadd.s32 s18, s23;
	[tilespmem:v1+s4+$0x0] =	vst.idx.add.f32.msk $0xffff, v0  }
0x93: {  	[tilespmem:s26], [sflag:$0x2] =	stream.linear.gather [hbm4b:s20+s4], $0x50, $0x38;
	[tilespmem:$0x1DD00] =	vst v63  }
0x94: {  	s21 =	sadd.s32 s18, s9  }
0x95: {  	[tilespmem:s28], [sflag:$0x2] =	stream.linear.gather [hbm4b:s21+s4], $0x50, $0x38;
	[tilespmem:$0x1DD00] =	vst v63  }
0x96: {  	_ =	swait.ge [sflag:s15], $0x2800  }
0x97: {  	[sflag:s15] =	ssyncset.done $0x0  }
0x98: {  	[sflag:s15] =	ssyncadd.s32 $0xFFFFD800  }
0x99: {  	_ =	swait.ge [sflag:s31], $0x50  }
0x9a: {  	[sflag:s31] =	ssyncset.done $0x0  }
0x9b: {  	[sflag:s31] =	ssyncadd.s32 $0xFFFFFFB0  }
0x9c: {  	_ =	swait.ge [sflag:s31], $0x50  }
0x9d: {  	[sflag:s31] =	ssyncset.done $0x0  }
0x9e: {  	[sflag:s31] =	ssyncadd.s32 $0xFFFFFFB0  }
0x9f: {  	[tilespmem:s30], [sflag:$0x4] =	stream.indirect.gather [hbm4b:s1+s0], $0x80, s24, s0, $0xb8;
	[tilespmem:$0x1DD00] =	vst v63  }
0xa0: {  	_ =	swait.ge [sflag:s16], $0x2800  }
0xa1: {  	[sflag:s16] =	ssyncset.done $0x0  }
0xa2: {  	[sflag:s16] =	ssyncadd.s32 $0xFFFFD800  }
0xa3: {  	v1 =	vld [tilespmem:$0x16300]  }
0xa4: {  	v2 =	vld [tilespmem:$0x16310]  }
0xa5: {  	v3 =	vld [tilespmem:$0x16320]  }
0xa6: {  	v62 =	vld [tilespmem:$0x16330]  }
0xa7: {  	v63 =	vld [tilespmem:$0x16340]  }
0xa8: {  	[tilespmem:$0x16480] =	vst v1  }
0xa9: {  	[tilespmem:$0x16490] =	vst v2  }
0xaa: {  	[tilespmem:$0x164A0] =	vst v3  }
0xab: {  	[tilespmem:$0x164B0] =	vst v62  }
0xac: {  	s23 =	rddreg [dreg:$0x9];
	[tilespmem:$0x164C0] =	vst v63  }
0xad: {  	[spmem:s3] =	stream.indirect.scatter.add.f32 [tilespmem:s12], [sflag:$0x9], $0x80, s23, s0, $0xb8;
	[tilespmem:$0x1DD00] =	vst v63  }
0xae: {  	v1 =	vld [tilespmem:$0x16480];
	_ =	sdelay $0x7  }
0xaf: {  	[tilespmem:v1+s4+$0x0] =	vst.idx.add.f32.msk $0xffff, v0  }
0xb0: {  	v1 =	vld [tilespmem:$0x16490];
	_ =	sdelay $0x7  }
0xb1: {  	[tilespmem:v1+s4+$0x0] =	vst.idx.add.f32.msk $0xffff, v0  }
0xb2: {  	v1 =	vld [tilespmem:$0x164A0];
	_ =	sdelay $0x7  }
0xb3: {  	[tilespmem:v1+s4+$0x0] =	vst.idx.add.f32.msk $0xffff, v0  }
0xb4: {  	v1 =	vld [tilespmem:$0x164B0];
	_ =	sdelay $0x7  }
0xb5: {  	[tilespmem:v1+s4+$0x0] =	vst.idx.add.f32.msk $0xffff, v0  }
0xb6: {  	v1 =	vld [tilespmem:$0x164C0];
	_ =	sdelay $0x5  }
0xb7: {  	p1 =	seq.s32 s18, $0x4B0  }
0xb8: {  	s9 =	simm.s32 @!p1 $0x0;
	s20 =	rddreg [dreg:$0x6]  }
0xb9: {  	s21 =	rddreg [dreg:$0x5];
	s20 =	sadd.s32 @!p1 s18, s20;
	s23 =	simm.s32 @!p1 $0x16180;
	[tilespmem:v1+s4+$0x0] =	vst.idx.add.f32.msk $0xffff, v0  }
0xba: {  	[tilespmem:s23], [sflag:$0x3] =	stream.linear.gather @!p1 [hbm4b:s20+s9], $0x50, $0x38;
	[tilespmem:$0x1DD00] =	vst v63  }
0xbb: {  	s20 =	sadd.s32 @!p1 s18, s21;
	s21 =	simm.s32 @!p1 $0x16300  }
0xbc: {  	[tilespmem:s21], [sflag:$0x3] =	stream.linear.gather @!p1 [hbm4b:s20+s9], $0x50, $0x38;
	[tilespmem:$0x1DD00] =	vst v63  }
0xbd: {  	_ =	swait.ge [sflag:s17], $0x2800  }
0xbe: {  	[sflag:s17] =	ssyncset.done $0x0  }
0xbf: {  	[sflag:s17] =	ssyncadd.s32 $0xFFFFD800  }
0xc0: {  	s18 =	sadd.s32 $0x1E, s18;
	_ =	swait.ge [sflag:s6], $0x50  }
0xc1: {  	p1 =	sne.s32 s18, $0x4CE;
	[sflag:s6] =	ssyncset.done $0x0  }
.Ltmp0:
0xc2: {  	[sflag:s6] =	ssyncadd.s32 $0xFFFFFFB0;
	(pc) =	sbr.rel @p1 .LBB2_2-.Ltmp0, $4  }
0xc3: {  	_ =	swait.ge [sflag:s6], $0x50  }
0xc4: {  	[sflag:s6] =	ssyncset.done $0x0  }
0xc5: {  	s22 =	sadd.s32 $0xF0, s22;
	[sflag:s6] =	ssyncadd.s32 $0xFFFFFFB0  }
0xc6: {  	[tilespmem:s7], [sflag:$0x5] =	stream.indirect.gather [hbm4b:s1+s0], $0x80, s26, s0, $0xb8;
	[tilespmem:$0x1DD00] =	vst v63  }
0xc7: {  	_ =	swait.ge [sflag:s8], $0x2800  }
0xc8: {  	[sflag:s8] =	ssyncset.done $0x0  }
0xc9: {  	[sflag:s8] =	ssyncadd.s32 $0xFFFFD800  }
0xca: {  	v1 =	vld [tilespmem:$0x16200]  }
0xcb: {  	v2 =	vld [tilespmem:$0x16210]  }
0xcc: {  	v3 =	vld [tilespmem:$0x16220]  }
0xcd: {  	v4 =	vld [tilespmem:$0x16230]  }
0xce: {  	v5 =	vld [tilespmem:$0x16240]  }
0xcf: {  	[tilespmem:$0x16380] =	vst v1  }
0xd0: {  	[tilespmem:$0x16390] =	vst v2  }
0xd1: {  	[tilespmem:$0x163A0] =	vst v3  }
0xd2: {  	[tilespmem:$0x163B0] =	vst v4  }
0xd3: {  	[tilespmem:$0x163C0] =	vst v5  }
0xd4: {  	[spmem:s3] =	stream.indirect.scatter.add.f32 [tilespmem:s30], [sflag:$0x7], $0x80, s10, s0, $0xb8;
	[tilespmem:$0x1DD00] =	vst v63  }
0xd5: {  	v1 =	vld [tilespmem:$0x16380];
	_ =	sdelay $0x7  }
0xd6: {  	[tilespmem:v1+s4+$0x0] =	vst.idx.add.f32.msk $0xffff, v0  }
0xd7: {  	v1 =	vld [tilespmem:$0x16390];
	_ =	sdelay $0x7  }
0xd8: {  	[tilespmem:v1+s4+$0x0] =	vst.idx.add.f32.msk $0xffff, v0  }
0xd9: {  	v1 =	vld [tilespmem:$0x163A0];
	_ =	sdelay $0x7  }
0xda: {  	[tilespmem:v1+s4+$0x0] =	vst.idx.add.f32.msk $0xffff, v0  }
0xdb: {  	v1 =	vld [tilespmem:$0x163B0];
	_ =	sdelay $0x7  }
0xdc: {  	[tilespmem:v1+s4+$0x0] =	vst.idx.add.f32.msk $0xffff, v0  }
0xdd: {  	v1 =	vld [tilespmem:$0x163C0];
	_ =	sdelay $0x7  }
0xde: {  	[tilespmem:v1+s4+$0x0] =	vst.idx.add.f32.msk $0xffff, v0  }
0xdf: {  	_ =	swait.ge [sflag:s13], $0x2800  }
0xe0: {  	[sflag:s13] =	ssyncset.done $0x0  }
0xe1: {  	[sflag:s13] =	ssyncadd.s32 $0xFFFFD800  }
0xe2: {  	v1 =	vld [tilespmem:$0x16280]  }
0xe3: {  	v2 =	vld [tilespmem:$0x16290]  }
0xe4: {  	v3 =	vld [tilespmem:$0x162A0]  }
0xe5: {  	v62 =	vld [tilespmem:$0x162B0]  }
0xe6: {  	v63 =	vld [tilespmem:$0x162C0]  }
0xe7: {  	[tilespmem:$0x16400] =	vst v1  }
0xe8: {  	[tilespmem:$0x16410] =	vst v2  }
0xe9: {  	[tilespmem:$0x16420] =	vst v3  }
0xea: {  	[tilespmem:$0x16430] =	vst v62  }
0xeb: {  	[tilespmem:$0x16440] =	vst v63  }
0xec: {  	[spmem:s3] =	stream.indirect.scatter.add.f32 [tilespmem:s7], [sflag:$0x8], $0x80, s14, s0, $0xb8;
	[tilespmem:$0x1DD00] =	vst v63  }
0xed: {  	v1 =	vld [tilespmem:$0x16400];
	_ =	sdelay $0x7  }
0xee: {  	[tilespmem:v1+s4+$0x0] =	vst.idx.add.f32.msk $0xffff, v0  }
0xef: {  	v1 =	vld [tilespmem:$0x16410];
	_ =	sdelay $0x7  }
0xf0: {  	[tilespmem:v1+s4+$0x0] =	vst.idx.add.f32.msk $0xffff, v0  }
0xf1: {  	v1 =	vld [tilespmem:$0x16420];
	_ =	sdelay $0x7  }
0xf2: {  	[tilespmem:v1+s4+$0x0] =	vst.idx.add.f32.msk $0xffff, v0  }
0xf3: {  	v1 =	vld [tilespmem:$0x16430];
	_ =	sdelay $0x7  }
0xf4: {  	[tilespmem:v1+s4+$0x0] =	vst.idx.add.f32.msk $0xffff, v0  }
0xf5: {  	v1 =	vld [tilespmem:$0x16440];
	_ =	sdelay $0x7  }
0xf6: {  	[tilespmem:v1+s4+$0x0] =	vst.idx.add.f32.msk $0xffff, v0  }
0xf7: {  	_ =	swait.ge [sflag:s15], $0x2800  }
0xf8: {  	[sflag:s15] =	ssyncset.done $0x0  }
0xf9: {  	[sflag:s15] =	ssyncadd.s32 $0xFFFFD800  }
0xfa: {  	_ =	swait.ge [sflag:s17], $0x2800  }
0xfb: {  	[sflag:s17] =	ssyncset.done $0x0  }
0xfc: {  	s9 =	simm.s32 $0x9;
	[sflag:s17] =	ssyncadd.s32 $0xFFFFD800  }
0xfd: {  	_ =	swait.ge [sflag:s9], $0x2800  }
0xfe: {  	[sflag:s9] =	ssyncset.done $0x0  }
0xff: {  	[sflag:s9] =	ssyncadd.s32 $0xFFFFD800  }
0x100: {  	[bflag:$0x0] =	sbarrier.arrive $0xFFFF  }
0x101: {  	s18 =	rddreg [dreg:$0xd]  }
0x102: {  	s21 =	rddreg [dreg:$0x14]  }
0x103: {  	s20 =	rddreg [dreg:$0x1b]  }
0x104: {  	[hbm:s21], [sflag:s18] =	dma.local [spmem:s20], $0x2700  }
0x105: {  	s20 =	simm.s32 $0xA  }
0x106: {  	_ =	swait.ge [sflag:s20], $0x2700  }
0x107: {  	[sflag:s20] =	ssyncset.done $0x0;
	s9 =	rddreg [dreg:$0x17]  }
0x108: {  	s21 =	rddreg [dreg:$0x1c];
	[sflag:s20] =	ssyncadd.s32 $0xFFFFD900  }
0x109: {  	[hbm:s9], [sflag:s18] =	dma.local @!p0 [spmem:s21], $0x100  }
0x10a: {  	s9 =	simm.s32 @!p0 $0xA  }
0x10b: {  	_ =	swait.ge @!p0 [sflag:s9], $0x100  }
0x10c: {  	[sflag:s9] =	ssyncset.done @!p0 $0x0  }
0x10d: {  	s22 =	rddreg [dreg:$0x18];
	[sflag:s9] =	ssyncadd.s32 @!p0 $0xFFFFFF00  }
0x10e: {  	[hbm4b:s22+s4] =	stream.linear.scatter [tilespmem:s4], [sflag:$0xA], $0x2710, $0x38;
	[tilespmem:$0x1DD00] =	vst v63  }
0x10f: {  	_ =	swait.ge [sflag:s20], $0x2710  }
0x110: {  	s19 =	sadd.s32 $0x1, s19;
	s23 =	rddreg [dreg:$0x19]  }
0x111: {  	p1 =	sne.s32 s19, s23  }
.Ltmp1:
0x112: {  	_ = 	snop;
	(pc) =	sbr.rel @p1 .LBB2_1-.Ltmp1, $3  }
0x113: {  	_ =	sdelay $0x1  }
0x114: {  	[sflag:s20] =	ssyncset.done $0x0  }
0x115: {  	[sflag:s20] =	ssyncadd.s32 $0xFFFFD8F0  }
0x116: {  	_ =	sfence.sel $0x180000  }
0x117: {  	[bflag:$0x0] =	sbarrier.arrive $0xFFFF  }
0x118: {  	_ =	strace $0x90000047  }
0x119: {  	[bflag:$0x2] =	sbarrier.arrive $0xFFFF  }
0x11a: {  	s0 =	rddreg [dreg:$0x4]  }
0x11b: {  	s0 =	sadd.s32 @!p0 $0x100000, s0  }
0x11c: {  	[sflag:s0] =	ssyncadd.tile.s32 @!p0 $0x1;
	_ =	shalt  }
.Lfunc_end2:
_tile_overlayer_lowered:
.L_overlay_start_2:
0x11d: {  	(tag) =	ssettag $0x2  }
0x11e: {  	s0 =	rddreg [dreg:$0x0];
	s2 =	stileid.u32  }
0x11f: {  	s1 =	rddreg [dreg:$0x1];
	p0 =	sne.s32 s2, $0x0  }
0x120: {  	s3 =	rddreg [dreg:$0x2];
	[bflag:$0x3] =	sbarrier.arrive $0xFFFF;
	s2 =	simm.s32 @!p0 $0x1C0A  }
0x121: {  	[timem:s3], [sflag:s2] =	dma.local @!p0 [hbm:s0], s1  }
0x122: {  	s0 =	simm.s32 @!p0 $0xA  }
0x123: {  	_ =	swait.ge @!p0 [sflag:s0], s1  }
0x124: {  	s1 =	ssub.s32 @!p0 $0x0, s1;
	[sflag:s0] =	ssyncset.done @!p0 $0x0  }
0x125: {  	[sflag:s0] =	ssyncadd.s32 @!p0 s1  }
0x126: {  	[bflag:$0x3] =	sbarrier.arrive $0xFFFF  }
0x127: {  	_ =	shalt  }

</sc_bundles>
